<compile_context>
chip_gen: v7x
topology: tpu7x:2x2x1
jax: 0.10.2.dev20260603
libtpu: 0.0.44.dev20260713+nightly
codegen_flags: <defaults>
</compile_context>

<pallas_src>
import functools

import jax
import jax.numpy as jnp
from jax import lax
from jax.experimental import pallas as pl
from jax.experimental.pallas import tpu as pltpu
from jax.experimental.pallas import tpu_sc as plsc

LANES = 16
CHUNK = 128
NT = 16



def _edge_body(rvsh_ref, norm_ref, wtp_ref, w1_ref, b1_ref, w2_ref, b2_ref,
               m_ref):
    sh_mix = jnp.dot(rvsh_ref[...], wtp_ref[...],
                     preferred_element_type=jnp.float32)
    pre = norm_ref[...] * w1_ref[...] + b1_ref[...]
    h = pre * jax.nn.sigmoid(pre)
    scalars = jnp.dot(h, w2_ref[...],
                      preferred_element_type=jnp.float32) + b2_ref[...]
    m = sh_mix * scalars
    half = m.shape[1] // 2
    m_ref[0] = m[:, :half]
    m_ref[1] = m[:, half:]


def _edge_multiplier(rvsh, norm, w_tp, W1, b1, W2, b2, block_e):
    e_pad, sh = rvsh.shape
    h = W1.shape[1]
    d = w_tp.shape[1]
    grid = e_pad // block_e
    return pl.pallas_call(
        _edge_body,
        grid=(grid,),
        in_specs=[
            pl.BlockSpec((block_e, sh), lambda i: (i, 0)),
            pl.BlockSpec((block_e, 1), lambda i: (i, 0)),
            pl.BlockSpec((sh, d), lambda i: (0, 0)),
            pl.BlockSpec((1, h), lambda i: (0, 0)),
            pl.BlockSpec((1, h), lambda i: (0, 0)),
            pl.BlockSpec((h, d), lambda i: (0, 0)),
            pl.BlockSpec((1, d), lambda i: (0, 0)),
        ],
        out_specs=pl.BlockSpec((2, block_e, d // 2), lambda i: (0, i, 0)),
        out_shape=jax.ShapeDtypeStruct((2, e_pad, d // 2), jnp.float32),
    )(rvsh, norm, w_tp, W1.reshape(1, h), b1.reshape(1, h), W2,
      b2.reshape(1, d))



def _make_sc_scatter(n_pad, e_pad, d):
    dh = d // 2
    chunks_per_tile = e_pad // (NT * CHUNK)
    rows_per_tile = n_pad // NT
    dump_steps = rows_per_tile // CHUNK
    mesh = plsc.VectorSubcoreMesh(core_axis_name="c", subcore_axis_name="s")

    @functools.partial(
        pl.kernel,
        compiler_params=pltpu.CompilerParams(use_tc_tiling_on_sc=False),
        out_type=(jax.ShapeDtypeStruct((2, n_pad, dh), jnp.float32),
                  jax.ShapeDtypeStruct((n_pad, LANES), jnp.float32)),
        mesh=mesh,
        scratch_types=[
            pltpu.VMEM((4, CHUNK), jnp.int32),
            pltpu.VMEM((4, CHUNK), jnp.int32),
            pltpu.VMEM((2, CHUNK), jnp.int32),
            pltpu.VMEM((2, CHUNK, dh), jnp.float32),
            pltpu.VMEM((2, CHUNK, dh), jnp.float32),
            pltpu.VMEM((2, CHUNK, dh), jnp.float32),
            pltpu.VMEM((CHUNK, LANES), jnp.float32),
            pltpu.VMEM_SHARED((n_pad, dh), jnp.float32),
            pltpu.VMEM_SHARED((n_pad, LANES), jnp.float32),
            pltpu.SemaphoreType.DMA,
            pltpu.SemaphoreType.DMA,
            pltpu.SemaphoreType.DMA,
            pltpu.SemaphoreType.DMA,
            pltpu.SemaphoreType.DMA,
        ],
    )
    def sc_scatter(nf_hbm, pair_hbm, m_hbm, feat_hbm, cnt_hbm,
                   idx_p, idx2, idx_rs, rows, mbuf, ybuf, onesb, acc,
                   cacc, sem_i, sem_g, sem_m, sem_s, sem_c):
        c = lax.axis_index("c")
        s = lax.axis_index("s")

        zeros = jnp.zeros((LANES,), jnp.float32)

        def zero_row(i, _):
            for dd in range(dh // LANES):
                ybuf[0, i, pl.ds(dd * LANES, LANES)] = zeros
            onesb[i, pl.ds(0, LANES)] = zeros
            return 0

        lax.fori_loop(0, CHUNK, zero_row, 0)

        for k in range(dump_steps):
            off = s * rows_per_tile + k * CHUNK
            pltpu.sync_copy(ybuf.at[0], acc.at[pl.ds(off, CHUNK)])

        @pl.when(c == 0)
        def _():
            for k in range(dump_steps):
                off = s * rows_per_tile + k * CHUNK
                pltpu.sync_copy(onesb, cacc.at[pl.ds(off, CHUNK)])

        plsc.subcore_barrier()

        ones = jnp.ones((LANES,), jnp.float32)

        def ones_row(i, _):
            onesb[i, pl.ds(0, LANES)] = ones
            return 0

        lax.fori_loop(0, CHUNK, ones_row, 0)

        def chunk_base(j):
            return (s * chunks_per_tile + j) * CHUNK

        mask14 = jnp.full((LANES,), jnp.int32(16383))

        def fire_idx(j, b):
            base = chunk_base(j)
            pltpu.async_copy(pair_hbm.at[pl.ds(base, CHUNK)], idx_p.at[b],
                             sem_i)

        def wait_idx(b):
            pltpu.make_async_copy(pair_hbm.at[pl.ds(0, CHUNK)], idx_p.at[b],
                                  sem_i).wait()

        def fire_body(j, b4):
            b2 = lax.rem(j, 2)
            for g in range(CHUNK // LANES):
                sl = pl.ds(g * LANES, LANES)
                idx2[b4, sl] = (idx_p[b4, sl] & mask14) * 2 + c
            base = chunk_base(j)
            pltpu.async_copy(nf_hbm.at[idx2.at[b4]], rows.at[b2], sem_g)
            pltpu.async_copy(m_hbm.at[c, pl.ds(base, CHUNK)], mbuf.at[b2],
                             sem_m)

        def wait_body(b4):
            b2 = lax.rem(b4, 2)
            pltpu.make_async_copy(nf_hbm.at[idx2.at[b4]], rows.at[b2],
                                  sem_g).wait()
            pltpu.make_async_copy(m_hbm.at[c, pl.ds(0, CHUNK)], mbuf.at[b2],
                                  sem_m).wait()

        def drain_scatter(b2):
            pltpu.make_async_copy(ybuf.at[b2], acc.at[idx_rs.at[b2]],
                                  sem_s).wait()

        def drain_cnt(b2):
            pltpu.make_async_copy(onesb, cacc.at[idx_rs.at[b2]],
                                  sem_c).wait()

        fire_idx(0, 0)
        wait_idx(0)
        fire_body(0, 0)
        fire_idx(1, 1)
        fire_idx(2, 2)

        def chunk_step(j, _):
            b = lax.rem(j, 2)
            nb = 1 - b
            b4 = lax.rem(j, 4)

            @pl.when(j + 1 < chunks_per_tile)
            def _():
                wait_idx(lax.rem(j + 1, 4))
                fire_body(j + 1, lax.rem(j + 1, 4))

            wait_body(b4)

            @pl.when(j >= 2)
            def _():
                drain_scatter(b)

                @pl.when(c == 0)
                def _():
                    drain_cnt(b)

            def mul_block(i16, _):
                for r in range(16):
                    i = i16 * 16 + r
                    for dd in range(dh // LANES):
                        sl = pl.ds(dd * LANES, LANES)
                        ybuf[b, i, sl] = rows[b, i, sl] * mbuf[b, i, sl]
                return 0

            lax.fori_loop(0, CHUNK // 16, mul_block, 0)
            for g in range(CHUNK // LANES):
                sl = pl.ds(g * LANES, LANES)
                idx_rs[b, sl] = idx_p[b4, sl] >> 14
            pltpu.async_copy(ybuf.at[b], acc.at[idx_rs.at[b]], sem_s,
                             add=True)

            @pl.when(c == 0)
            def _():
                pltpu.async_copy(onesb, cacc.at[idx_rs.at[b]], sem_c,
                                 add=True)

            @pl.when(j + 3 < chunks_per_tile)
            def _():
                fire_idx(j + 3, lax.rem(j + 3, 4))

            return 0

        lax.fori_loop(0, chunks_per_tile, chunk_step, 0)
        for t in range(2):
            drain_scatter((chunks_per_tile - 2 + t) % 2)

        @pl.when(c == 0)
        def _():
            for t in range(2):
                drain_cnt((chunks_per_tile - 2 + t) % 2)

        plsc.subcore_barrier()
        off = s * rows_per_tile
        pltpu.sync_copy(acc.at[pl.ds(off, rows_per_tile)],
                        feat_hbm.at[c, pl.ds(off, rows_per_tile)])

        @pl.when(c == 0)
        def _():
            pltpu.sync_copy(cacc.at[pl.ds(off, rows_per_tile)],
                            cnt_hbm.at[pl.ds(off, rows_per_tile)])

    return sc_scatter



def _node_body(parts_ref, cnts_ref, nf_ref, wg_ref, bg_ref, wo_a_ref,
               wo_b_ref, bo_ref, out_ref):
    p = parts_ref[...]
    sums = jnp.concatenate([p[0], p[1]], axis=1)
    cnt = cnts_ref[...][:, 0:1]
    mean = sums / jnp.maximum(cnt, 1.0)
    expanded = jnp.dot(mean, wg_ref[...],
                       preferred_element_type=jnp.float32) + bg_ref[...]
    feat = expanded[:, :128]
    gates = expanded[:, 128:]
    gated = feat * jax.nn.sigmoid(gates)
    out = jnp.dot(gated, wo_a_ref[...], preferred_element_type=jnp.float32)
    out += jnp.dot(nf_ref[...], wo_b_ref[...],
                   preferred_element_type=jnp.float32)
    out_ref[...] = out + bo_ref[...]


def _node_mlp(parts, cnts, nf_pad, W_gate, b_gate, W_out, b_out, block_n):
    n_pad = parts.shape[1]
    d = nf_pad.shape[1]
    grid = n_pad // block_n
    return pl.pallas_call(
        _node_body,
        grid=(grid,),
        in_specs=[
            pl.BlockSpec((2, block_n, d // 2), lambda i: (0, i, 0)),
            pl.BlockSpec((block_n, LANES), lambda i: (i, 0)),
            pl.BlockSpec((block_n, d), lambda i: (i, 0)),
            pl.BlockSpec((d, 2 * d), lambda i: (0, 0)),
            pl.BlockSpec((1, 2 * d), lambda i: (0, 0)),
            pl.BlockSpec((d, d), lambda i: (0, 0)),
            pl.BlockSpec((d, d), lambda i: (0, 0)),
            pl.BlockSpec((1, d), lambda i: (0, 0)),
        ],
        out_specs=pl.BlockSpec((block_n, d), lambda i: (i, 0)),
        out_shape=jax.ShapeDtypeStruct((n_pad, d), jnp.float32),
    )(parts, cnts, nf_pad, W_gate, b_gate.reshape(1, 2 * d), W_out[:d],
      W_out[d:], b_out.reshape(1, d))



def kernel(node_features, senders, receivers, relative_vectors_sh,
           relative_vectors_norm, w_tp, W1, b1, W2, b2, W_gate, b_gate,
           W_out, b_out):
    n, d = node_features.shape
    e = senders.shape[0]
    sh = relative_vectors_sh.shape[1]

    e_pad = -(-e // (NT * CHUNK)) * (NT * CHUNK)
    n_pad = -(-(n + 1) // 2048) * 2048

    pad_e = e_pad - e
    senders_p = jnp.concatenate(
        [senders, jnp.arange(pad_e, dtype=jnp.int32) % n])
    receivers_p = jnp.pad(receivers, (0, pad_e), constant_values=n)
    pairs_p = senders_p | (receivers_p << 14)
    rvsh_p = jnp.pad(relative_vectors_sh, ((0, pad_e), (0, 0)))
    norm_p = jnp.pad(relative_vectors_norm, ((0, pad_e), (0, 0)))

    m = _edge_multiplier(rvsh_p, norm_p, w_tp, W1, b1, W2, b2, block_e=2048)
    nf_ilv = node_features.reshape(n, 2, d // 2).reshape(2 * n, d // 2)
    parts, cnts = _make_sc_scatter(n_pad, e_pad, d)(nf_ilv, pairs_p, m)
    nf_pad = jnp.pad(node_features, ((0, n_pad - n), (0, 0)))
    out = _node_mlp(parts, cnts, nf_pad, W_gate, b_gate, W_out, b_out,
                    block_n=1024)
    return out[:n]

# --- scband reference (transcript-rebuilt; emitter-appended) ---
"""Pipeline reference for scband-simple-network-layer-11209864642665 (READ-ONLY COPY).

The authoritative reference and input builder live on the scoring server;
editing this copy changes nothing except your own understanding.
"""

import jax, jax.numpy as jnp
import numpy as np

N = 10000
E = 320000
D = 128
SH = 16
H = 64


def setup_inputs(seed: int = 0) -> dict:
    key = jax.random.key(seed)
    ks = jax.random.split(key, 16)
    s = lambda k, sh: (jax.random.normal(k, sh, jnp.float32) * (1.0 / np.sqrt(sh[0])))
    inp = {}
    inp['node_features'] = jax.random.normal(ks[0], (N, D), jnp.float32)
    inp['senders'] = jax.random.randint(ks[1], (E,), 0, N, dtype=jnp.int32)
    inp['receivers'] = jax.random.randint(ks[2], (E,), 0, N, dtype=jnp.int32)
    inp['relative_vectors_sh'] = jax.random.normal(ks[3], (E, SH), jnp.float32)
    inp['relative_vectors_norm'] = jax.random.uniform(ks[4], (E, 1), jnp.float32)
    # learned parameters
    inp['w_tp'] = s(ks[5], (SH, D))              # tensor-product channel mix of sh
    inp['W1'] = s(ks[6], (1, H)); inp['b1'] = jnp.zeros((H,), jnp.float32)   # edge-norm MLP layer 1
    inp['W2'] = s(ks[7], (H, D)); inp['b2'] = jnp.zeros((D,), jnp.float32)   # edge-norm MLP layer 2 -> per-irrep scalars
    inp['W_gate'] = s(ks[8], (D, 2 * D)); inp['b_gate'] = jnp.zeros((2 * D,), jnp.float32)  # Linear to features+gates
    inp['W_out'] = s(ks[9], (2 * D, D)); inp['b_out'] = jnp.zeros((D,), jnp.float32)        # final Linear to output_irreps
    return inp


def reference(node_features, senders, receivers, relative_vectors_sh, relative_vectors_norm,
              w_tp, W1, b1, W2, b2, W_gate, b_gate, W_out, b_out):
    n_nodes = node_features.shape[0]
    node_features_skip = node_features
    # broadcast node features to edges (gather by sender)
    x = node_features[senders]                              # [E, D]
    # tensor product of relative-vector spherical harmonics with node features
    sh_mix = relative_vectors_sh @ w_tp                     # [E, D]
    x = x * sh_mix                                          # [E, D]
    # MLP on edge-length scalars producing one scale per irrep channel
    h = jax.nn.silu(relative_vectors_norm @ W1 + b1)        # [E, H]
    scalars = h @ W2 + b2                                   # [E, D]
    x = scalars * x                                         # vmap(scale * feature)
    # scatter_mean over receivers
    sums = jnp.zeros((n_nodes, x.shape[1]), x.dtype).at[receivers].add(x)
    counts = jnp.zeros((n_nodes,), x.dtype).at[receivers].add(1.0)
    mean = sums / jnp.maximum(counts, 1.0)[:, None]         # [N, D]
    # expand to features + gate scalars, then gate
    expanded = mean @ W_gate + b_gate                       # [N, 2D]
    feat, gates = jnp.split(expanded, 2, axis=-1)
    gated = feat * jax.nn.sigmoid(gates)                    # e3nn.gate (all-scalar case)
    # concatenate with skip connection, final linear to output irreps
    cat = jnp.concatenate([gated, node_features_skip], axis=-1)  # [N, 2D]
    out = cat @ W_out + b_out                               # [N, D]
    return out

if __name__ == "__main__":
    import jax
    _d = setup_inputs()
    print(jax.jit(kernel)(*tuple(_d.values())))

</pallas_src>

<mosaic_0001>
#map = affine_map<(d0, d1) -> (0, 0)>
#map1 = affine_map<(d0, d1) -> (0)>
#map2 = affine_map<(d0, d1) -> (0, 0, 0)>
module attributes {stable_mosaic.version = 14 : i64} {
  func.func @sc_scatter(%arg0: i32, %arg1: i32, %arg2: memref<20000x64xf32, #tpu.memory_space<hbm>>, %arg3: memref<321536xi32, #tpu.memory_space<hbm>>, %arg4: memref<2x321536x64xf32, #tpu.memory_space<hbm>>, %arg5: memref<2x10240x64xf32, #tpu.memory_space<hbm>>, %arg6: memref<10240x16xf32, #tpu.memory_space<hbm>>, %arg7: memref<4x128xi32, #tpu.memory_space<vmem>>, %arg8: memref<4x128xi32, #tpu.memory_space<vmem>>, %arg9: memref<2x128xi32, #tpu.memory_space<vmem>>, %arg10: memref<2x128x64xf32, #tpu.memory_space<vmem>>, %arg11: memref<2x128x64xf32, #tpu.memory_space<vmem>>, %arg12: memref<2x128x64xf32, #tpu.memory_space<vmem>>, %arg13: memref<128x16xf32, #tpu.memory_space<vmem>>, %arg14: memref<10240x64xf32, #tpu.memory_space<vmem_shared>>, %arg15: memref<10240x16xf32, #tpu.memory_space<vmem_shared>>, %arg16: memref<!tpu.dma_semaphore, #tpu.memory_space<semaphore_mem>>, %arg17: memref<!tpu.dma_semaphore, #tpu.memory_space<semaphore_mem>>, %arg18: memref<!tpu.dma_semaphore, #tpu.memory_space<semaphore_mem>>, %arg19: memref<!tpu.dma_semaphore, #tpu.memory_space<semaphore_mem>>, %arg20: memref<!tpu.dma_semaphore, #tpu.memory_space<semaphore_mem>>) attributes {dimension_semantics = [#tpu.dimension_semantics<core_parallel>, #tpu.dimension_semantics<subcore_parallel>], iteration_bounds = array<i64: 2, 16>, scalar_prefetch = 0 : i64, scratch_operands = 14 : i64, tpu.core_type = #tpu.core_type<sc_vector_subcore>, window_params = [{transform_indices = #map}, {transform_indices = #map1}, {transform_indices = #map2}, {transform_indices = #map2}, {transform_indices = #map}]} {
    %broadcast_in_dim3A = arith.constant 0.000000e+00 : f32
    %broadcast_in_dim3A_0 = vector.broadcast %broadcast_in_dim3A : f32 to vector<16xf32>
    %scan3A = arith.constant 0 : i32
    %scan3A_1 = arith.constant 0 : i32
    %scan3A_2 = arith.constant 128 : i32
    %scan3A_3 = arith.addi %scan3A_1, %scan3A_2 : i32
    %scan3A_4 = arith.constant 1 : i32
    %scan3A_5 = scf.for %scan3A_306 = %scan3A_1 to %scan3A_3 step %scan3A_4 iter_args(%scan3A_307 = %scan3A) -> (i32)  : i32 {
      %swap3A_308 = arith.constant 0 : i32
      %swap3A_309 = arith.index_cast %swap3A_308 : i32 to index
      %swap3A_310 = arith.index_cast %scan3A_306 : i32 to index
      %swap3A_311 = arith.constant 0 : index
      %swap3A_312 = tpu.vector_load %arg12[%swap3A_309, %swap3A_310, %swap3A_311] {strides = array<i32>} : memref<2x128x64xf32, #tpu.memory_space<vmem>>, vector<1x1x16xf32>,
      %swap3A_313 = vector.shape_cast %swap3A_312 : vector<1x1x16xf32> to vector<16xf32>
      %swap3A_314 = vector.shape_cast %broadcast_in_dim3A_0 : vector<16xf32> to vector<1x1x16xf32>
      tpu.vector_store %arg12[%swap3A_309, %swap3A_310, %swap3A_311], %swap3A_314 {strides = array<i32>} : memref<2x128x64xf32, #tpu.memory_space<vmem>>, vector<1x1x16xf32>,
      %swap3A_315 = arith.constant 0 : i32
      %swap3A_316 = arith.index_cast %swap3A_315 : i32 to index
      %swap3A_317 = arith.index_cast %scan3A_306 : i32 to index
      %swap3A_318 = arith.constant 16 : index
      %swap3A_319 = tpu.vector_load %arg12[%swap3A_316, %swap3A_317, %swap3A_318] {strides = array<i32>} : memref<2x128x64xf32, #tpu.memory_space<vmem>>, vector<1x1x16xf32>,
      %swap3A_320 = vector.shape_cast %swap3A_319 : vector<1x1x16xf32> to vector<16xf32>
      %swap3A_321 = vector.shape_cast %broadcast_in_dim3A_0 : vector<16xf32> to vector<1x1x16xf32>
      tpu.vector_store %arg12[%swap3A_316, %swap3A_317, %swap3A_318], %swap3A_321 {strides = array<i32>} : memref<2x128x64xf32, #tpu.memory_space<vmem>>, vector<1x1x16xf32>,
      %swap3A_322 = arith.constant 0 : i32
      %swap3A_323 = arith.index_cast %swap3A_322 : i32 to index
      %swap3A_324 = arith.index_cast %scan3A_306 : i32 to index
      %swap3A_325 = arith.constant 32 : index
      %swap3A_326 = tpu.vector_load %arg12[%swap3A_323, %swap3A_324, %swap3A_325] {strides = array<i32>} : memref<2x128x64xf32, #tpu.memory_space<vmem>>, vector<1x1x16xf32>,
      %swap3A_327 = vector.shape_cast %swap3A_326 : vector<1x1x16xf32> to vector<16xf32>
      %swap3A_328 = vector.shape_cast %broadcast_in_dim3A_0 : vector<16xf32> to vector<1x1x16xf32>
      tpu.vector_store %arg12[%swap3A_323, %swap3A_324, %swap3A_325], %swap3A_328 {strides = array<i32>} : memref<2x128x64xf32, #tpu.memory_space<vmem>>, vector<1x1x16xf32>,
      %swap3A_329 = arith.constant 0 : i32
      %swap3A_330 = arith.index_cast %swap3A_329 : i32 to index
      %swap3A_331 = arith.index_cast %scan3A_306 : i32 to index
      %swap3A_332 = arith.constant 48 : index
      %swap3A_333 = tpu.vector_load %arg12[%swap3A_330, %swap3A_331, %swap3A_332] {strides = array<i32>} : memref<2x128x64xf32, #tpu.memory_space<vmem>>, vector<1x1x16xf32>,
      %swap3A_334 = vector.shape_cast %swap3A_333 : vector<1x1x16xf32> to vector<16xf32>
      %swap3A_335 = vector.shape_cast %broadcast_in_dim3A_0 : vector<16xf32> to vector<1x1x16xf32>
      tpu.vector_store %arg12[%swap3A_330, %swap3A_331, %swap3A_332], %swap3A_335 {strides = array<i32>} : memref<2x128x64xf32, #tpu.memory_space<vmem>>, vector<1x1x16xf32>,
      %swap3A_336 = arith.index_cast %scan3A_306 : i32 to index
      %swap3A_337 = arith.constant 0 : index
      %swap3A_338 = tpu.vector_load %arg13[%swap3A_336, %swap3A_337] {strides = array<i32>} : memref<128x16xf32, #tpu.memory_space<vmem>>, vector<1x16xf32>,
      %swap3A_339 = vector.shape_cast %swap3A_338 : vector<1x16xf32> to vector<16xf32>
      %swap3A_340 = vector.shape_cast %broadcast_in_dim3A_0 : vector<16xf32> to vector<1x16xf32>
      tpu.vector_store %arg13[%swap3A_336, %swap3A_337], %swap3A_340 {strides = array<i32>} : memref<128x16xf32, #tpu.memory_space<vmem>>, vector<1x16xf32>,
      %scan3A_341 = arith.constant 0 : i32
      scf.yield %scan3A_341 : i32
    }
    %scan3A_6 = arith.constant 128 : i32
    %mul3A = arith.constant 640 : i32
    %mul3A_7 = arith.muli %arg1, %mul3A : i32
    %add3A = arith.constant 0 : i32
    %add3A_8 = arith.addi %mul3A_7, %add3A : i32
    %run_scoped3A = arith.constant 0 : i32
    "tpu.region"() ({
      %run_scoped3A_306 = tpu.sem_alloc : memref<!tpu.dma_semaphore, #tpu.memory_space<semaphore_mem>>
      %dma_start3A_307 = arith.constant 0 : i32
      %dma_start3A_308 = arith.constant 0 : i32
      %dma_start3A_309 = tpu.memref_slice %arg12[%run_scoped3A, %dma_start3A_307, %dma_start3A_308] : memref<2x128x64xf32, #tpu.memory_space<vmem>> -> memref<1x128x64xf32, #tpu.memory_space<vmem>>
      %dma_start3A_310 = tpu.memref_squeeze %dma_start3A_309 : memref<1x128x64xf32, #tpu.memory_space<vmem>> -> memref<128x64xf32, #tpu.memory_space<vmem>>
      %dma_start3A_311 = arith.constant 0 : i32
      %dma_start3A_312 = tpu.memref_slice %arg14[%add3A_8, %dma_start3A_311] : memref<10240x64xf32, #tpu.memory_space<vmem_shared>> -> memref<128x64xf32, #tpu.memory_space<vmem_shared>>
      %dma_start3A_313 = arith.constant 0 : i32
      %dma_start3A_314 = tpu.memref_slice %arg14[%add3A_8, %dma_start3A_313] : memref<10240x64xf32, #tpu.memory_space<vmem_shared>> -> memref<128x64xf32, #tpu.memory_space<vmem_shared>>
      %dma_start3A_315 = arith.constant 0 : i32
      %dma_start3A_316 = arith.constant 0 : i32
      %dma_start3A_317 = tpu.memref_slice %arg12[%run_scoped3A, %dma_start3A_315, %dma_start3A_316] : memref<2x128x64xf32, #tpu.memory_space<vmem>> -> memref<1x128x64xf32, #tpu.memory_space<vmem>>
      %dma_start3A_318 = tpu.memref_squeeze %dma_start3A_317 : memref<1x128x64xf32, #tpu.memory_space<vmem>> -> memref<128x64xf32, #tpu.memory_space<vmem>>
      tpu.enqueue_dma source(%dma_start3A_318 : memref<128x64xf32, #tpu.memory_space<vmem>>) target(%dma_start3A_314 : memref<128x64xf32, #tpu.memory_space<vmem_shared>>) target_semaphore(%run_scoped3A_306 : memref<!tpu.dma_semaphore, #tpu.memory_space<semaphore_mem>>)
      %dma_wait3A_319 = arith.constant 0 : i32
      %dma_wait3A_320 = arith.constant 0 : i32
      %dma_wait3A_321 = tpu.memref_slice %arg12[%run_scoped3A, %dma_wait3A_319, %dma_wait3A_320] : memref<2x128x64xf32, #tpu.memory_space<vmem>> -> memref<1x128x64xf32, #tpu.memory_space<vmem>>
      %dma_wait3A_322 = tpu.memref_squeeze %dma_wait3A_321 : memref<1x128x64xf32, #tpu.memory_space<vmem>> -> memref<128x64xf32, #tpu.memory_space<vmem>>
      %dma_wait3A_323 = arith.constant 0 : i32
      %dma_wait3A_324 = tpu.memref_slice %arg14[%add3A_8, %dma_wait3A_323] : memref<10240x64xf32, #tpu.memory_space<vmem_shared>> -> memref<128x64xf32, #tpu.memory_space<vmem_shared>>
      %dma_wait3A_325 = arith.constant 0 : i32
      %dma_wait3A_326 = tpu.memref_slice %arg14[%add3A_8, %dma_wait3A_325] : memref<10240x64xf32, #tpu.memory_space<vmem_shared>> -> memref<128x64xf32, #tpu.memory_space<vmem_shared>>
      %dma_wait3A_327 = arith.constant 0 : i32
      %dma_wait3A_328 = arith.constant 0 : i32
      %dma_wait3A_329 = tpu.memref_slice %arg12[%run_scoped3A, %dma_wait3A_327, %dma_wait3A_328] : memref<2x128x64xf32, #tpu.memory_space<vmem>> -> memref<1x128x64xf32, #tpu.memory_space<vmem>>
      %dma_wait3A_330 = tpu.memref_squeeze %dma_wait3A_329 : memref<1x128x64xf32, #tpu.memory_space<vmem>> -> memref<128x64xf32, #tpu.memory_space<vmem>>
      tpu.wait_dma2 semaphore(%run_scoped3A_306 : memref<!tpu.dma_semaphore, #tpu.memory_space<semaphore_mem>>) src(%dma_wait3A_330 : memref<128x64xf32, #tpu.memory_space<vmem>>) dst(%dma_wait3A_326 : memref<128x64xf32, #tpu.memory_space<vmem_shared>>)
      tpu.yield
    }) : () -> ()
    %mul3A_9 = arith.constant 640 : i32
    %mul3A_10 = arith.muli %arg1, %mul3A_9 : i32
    %add3A_11 = arith.constant 128 : i32
    %add3A_12 = arith.addi %mul3A_10, %add3A_11 : i32
    %run_scoped3A_13 = arith.constant 0 : i32
    "tpu.region"() ({
      %run_scoped3A_306 = tpu.sem_alloc : memref<!tpu.dma_semaphore, #tpu.memory_space<semaphore_mem>>
      %dma_start3A_307 = arith.constant 0 : i32
      %dma_start3A_308 = arith.constant 0 : i32
      %dma_start3A_309 = tpu.memref_slice %arg12[%run_scoped3A_13, %dma_start3A_307, %dma_start3A_308] : memref<2x128x64xf32, #tpu.memory_space<vmem>> -> memref<1x128x64xf32, #tpu.memory_space<vmem>>
      %dma_start3A_310 = tpu.memref_squeeze %dma_start3A_309 : memref<1x128x64xf32, #tpu.memory_space<vmem>> -> memref<128x64xf32, #tpu.memory_space<vmem>>
      %dma_start3A_311 = arith.constant 0 : i32
      %dma_start3A_312 = tpu.memref_slice %arg14[%add3A_12, %dma_start3A_311] : memref<10240x64xf32, #tpu.memory_space<vmem_shared>> -> memref<128x64xf32, #tpu.memory_space<vmem_shared>>
      %dma_start3A_313 = arith.constant 0 : i32
      %dma_start3A_314 = tpu.memref_slice %arg14[%add3A_12, %dma_start3A_313] : memref<10240x64xf32, #tpu.memory_space<vmem_shared>> -> memref<128x64xf32, #tpu.memory_space<vmem_shared>>
      %dma_start3A_315 = arith.constant 0 : i32
      %dma_start3A_316 = arith.constant 0 : i32
      %dma_start3A_317 = tpu.memref_slice %arg12[%run_scoped3A_13, %dma_start3A_315, %dma_start3A_316] : memref<2x128x64xf32, #tpu.memory_space<vmem>> -> memref<1x128x64xf32, #tpu.memory_space<vmem>>
      %dma_start3A_318 = tpu.memref_squeeze %dma_start3A_317 : memref<1x128x64xf32, #tpu.memory_space<vmem>> -> memref<128x64xf32, #tpu.memory_space<vmem>>
      tpu.enqueue_dma source(%dma_start3A_318 : memref<128x64xf32, #tpu.memory_space<vmem>>) target(%dma_start3A_314 : memref<128x64xf32, #tpu.memory_space<vmem_shared>>) target_semaphore(%run_scoped3A_306 : memref<!tpu.dma_semaphore, #tpu.memory_space<semaphore_mem>>)
      %dma_wait3A_319 = arith.constant 0 : i32
      %dma_wait3A_320 = arith.constant 0 : i32
      %dma_wait3A_321 = tpu.memref_slice %arg12[%run_scoped3A_13, %dma_wait3A_319, %dma_wait3A_320] : memref<2x128x64xf32, #tpu.memory_space<vmem>> -> memref<1x128x64xf32, #tpu.memory_space<vmem>>
      %dma_wait3A_322 = tpu.memref_squeeze %dma_wait3A_321 : memref<1x128x64xf32, #tpu.memory_space<vmem>> -> memref<128x64xf32, #tpu.memory_space<vmem>>
      %dma_wait3A_323 = arith.constant 0 : i32
      %dma_wait3A_324 = tpu.memref_slice %arg14[%add3A_12, %dma_wait3A_323] : memref<10240x64xf32, #tpu.memory_space<vmem_shared>> -> memref<128x64xf32, #tpu.memory_space<vmem_shared>>
      %dma_wait3A_325 = arith.constant 0 : i32
      %dma_wait3A_326 = tpu.memref_slice %arg14[%add3A_12, %dma_wait3A_325] : memref<10240x64xf32, #tpu.memory_space<vmem_shared>> -> memref<128x64xf32, #tpu.memory_space<vmem_shared>>
      %dma_wait3A_327 = arith.constant 0 : i32
      %dma_wait3A_328 = arith.constant 0 : i32
      %dma_wait3A_329 = tpu.memref_slice %arg12[%run_scoped3A_13, %dma_wait3A_327, %dma_wait3A_328] : memref<2x128x64xf32, #tpu.memory_space<vmem>> -> memref<1x128x64xf32, #tpu.memory_space<vmem>>
      %dma_wait3A_330 = tpu.memref_squeeze %dma_wait3A_329 : memref<1x128x64xf32, #tpu.memory_space<vmem>> -> memref<128x64xf32, #tpu.memory_space<vmem>>
      tpu.wait_dma2 semaphore(%run_scoped3A_306 : memref<!tpu.dma_semaphore, #tpu.memory_space<semaphore_mem>>) src(%dma_wait3A_330 : memref<128x64xf32, #tpu.memory_space<vmem>>) dst(%dma_wait3A_326 : memref<128x64xf32, #tpu.memory_space<vmem_shared>>)
      tpu.yield
    }) : () -> ()
    %mul3A_14 = arith.constant 640 : i32
    %mul3A_15 = arith.muli %arg1, %mul3A_14 : i32
    %add3A_16 = arith.constant 256 : i32
    %add3A_17 = arith.addi %mul3A_15, %add3A_16 : i32
    %run_scoped3A_18 = arith.constant 0 : i32
    "tpu.region"() ({
      %run_scoped3A_306 = tpu.sem_alloc : memref<!tpu.dma_semaphore, #tpu.memory_space<semaphore_mem>>
      %dma_start3A_307 = arith.constant 0 : i32
      %dma_start3A_308 = arith.constant 0 : i32
      %dma_start3A_309 = tpu.memref_slice %arg12[%run_scoped3A_18, %dma_start3A_307, %dma_start3A_308] : memref<2x128x64xf32, #tpu.memory_space<vmem>> -> memref<1x128x64xf32, #tpu.memory_space<vmem>>
      %dma_start3A_310 = tpu.memref_squeeze %dma_start3A_309 : memref<1x128x64xf32, #tpu.memory_space<vmem>> -> memref<128x64xf32, #tpu.memory_space<vmem>>
      %dma_start3A_311 = arith.constant 0 : i32
      %dma_start3A_312 = tpu.memref_slice %arg14[%add3A_17, %dma_start3A_311] : memref<10240x64xf32, #tpu.memory_space<vmem_shared>> -> memref<128x64xf32, #tpu.memory_space<vmem_shared>>
      %dma_start3A_313 = arith.constant 0 : i32
      %dma_start3A_314 = tpu.memref_slice %arg14[%add3A_17, %dma_start3A_313] : memref<10240x64xf32, #tpu.memory_space<vmem_shared>> -> memref<128x64xf32, #tpu.memory_space<vmem_shared>>
      %dma_start3A_315 = arith.constant 0 : i32
      %dma_start3A_316 = arith.constant 0 : i32
      %dma_start3A_317 = tpu.memref_slice %arg12[%run_scoped3A_18, %dma_start3A_315, %dma_start3A_316] : memref<2x128x64xf32, #tpu.memory_space<vmem>> -> memref<1x128x64xf32, #tpu.memory_space<vmem>>
      %dma_start3A_318 = tpu.memref_squeeze %dma_start3A_317 : memref<1x128x64xf32, #tpu.memory_space<vmem>> -> memref<128x64xf32, #tpu.memory_space<vmem>>
      tpu.enqueue_dma source(%dma_start3A_318 : memref<128x64xf32, #tpu.memory_space<vmem>>) target(%dma_start3A_314 : memref<128x64xf32, #tpu.memory_space<vmem_shared>>) target_semaphore(%run_scoped3A_306 : memref<!tpu.dma_semaphore, #tpu.memory_space<semaphore_mem>>)
      %dma_wait3A_319 = arith.constant 0 : i32
      %dma_wait3A_320 = arith.constant 0 : i32
      %dma_wait3A_321 = tpu.memref_slice %arg12[%run_scoped3A_18, %dma_wait3A_319, %dma_wait3A_320] : memref<2x128x64xf32, #tpu.memory_space<vmem>> -> memref<1x128x64xf32, #tpu.memory_space<vmem>>
      %dma_wait3A_322 = tpu.memref_squeeze %dma_wait3A_321 : memref<1x128x64xf32, #tpu.memory_space<vmem>> -> memref<128x64xf32, #tpu.memory_space<vmem>>
      %dma_wait3A_323 = arith.constant 0 : i32
      %dma_wait3A_324 = tpu.memref_slice %arg14[%add3A_17, %dma_wait3A_323] : memref<10240x64xf32, #tpu.memory_space<vmem_shared>> -> memref<128x64xf32, #tpu.memory_space<vmem_shared>>
      %dma_wait3A_325 = arith.constant 0 : i32
      %dma_wait3A_326 = tpu.memref_slice %arg14[%add3A_17, %dma_wait3A_325] : memref<10240x64xf32, #tpu.memory_space<vmem_shared>> -> memref<128x64xf32, #tpu.memory_space<vmem_shared>>
      %dma_wait3A_327 = arith.constant 0 : i32
      %dma_wait3A_328 = arith.constant 0 : i32
      %dma_wait3A_329 = tpu.memref_slice %arg12[%run_scoped3A_18, %dma_wait3A_327, %dma_wait3A_328] : memref<2x128x64xf32, #tpu.memory_space<vmem>> -> memref<1x128x64xf32, #tpu.memory_space<vmem>>
      %dma_wait3A_330 = tpu.memref_squeeze %dma_wait3A_329 : memref<1x128x64xf32, #tpu.memory_space<vmem>> -> memref<128x64xf32, #tpu.memory_space<vmem>>
      tpu.wait_dma2 semaphore(%run_scoped3A_306 : memref<!tpu.dma_semaphore, #tpu.memory_space<semaphore_mem>>) src(%dma_wait3A_330 : memref<128x64xf32, #tpu.memory_space<vmem>>) dst(%dma_wait3A_326 : memref<128x64xf32, #tpu.memory_space<vmem_shared>>)
      tpu.yield
    }) : () -> ()
    %mul3A_19 = arith.constant 640 : i32
    %mul3A_20 = arith.muli %arg1, %mul3A_19 : i32
    %add3A_21 = arith.constant 384 : i32
    %add3A_22 = arith.addi %mul3A_20, %add3A_21 : i32
    %run_scoped3A_23 = arith.constant 0 : i32
    "tpu.region"() ({
      %run_scoped3A_306 = tpu.sem_alloc : memref<!tpu.dma_semaphore, #tpu.memory_space<semaphore_mem>>
      %dma_start3A_307 = arith.constant 0 : i32
      %dma_start3A_308 = arith.constant 0 : i32
      %dma_start3A_309 = tpu.memref_slice %arg12[%run_scoped3A_23, %dma_start3A_307, %dma_start3A_308] : memref<2x128x64xf32, #tpu.memory_space<vmem>> -> memref<1x128x64xf32, #tpu.memory_space<vmem>>
      %dma_start3A_310 = tpu.memref_squeeze %dma_start3A_309 : memref<1x128x64xf32, #tpu.memory_space<vmem>> -> memref<128x64xf32, #tpu.memory_space<vmem>>
      %dma_start3A_311 = arith.constant 0 : i32
      %dma_start3A_312 = tpu.memref_slice %arg14[%add3A_22, %dma_start3A_311] : memref<10240x64xf32, #tpu.memory_space<vmem_shared>> -> memref<128x64xf32, #tpu.memory_space<vmem_shared>>
      %dma_start3A_313 = arith.constant 0 : i32
      %dma_start3A_314 = tpu.memref_slice %arg14[%add3A_22, %dma_start3A_313] : memref<10240x64xf32, #tpu.memory_space<vmem_shared>> -> memref<128x64xf32, #tpu.memory_space<vmem_shared>>
      %dma_start3A_315 = arith.constant 0 : i32
      %dma_start3A_316 = arith.constant 0 : i32
      %dma_start3A_317 = tpu.memref_slice %arg12[%run_scoped3A_23, %dma_start3A_315, %dma_start3A_316] : memref<2x128x64xf32, #tpu.memory_space<vmem>> -> memref<1x128x64xf32, #tpu.memory_space<vmem>>
      %dma_start3A_318 = tpu.memref_squeeze %dma_start3A_317 : memref<1x128x64xf32, #tpu.memory_space<vmem>> -> memref<128x64xf32, #tpu.memory_space<vmem>>
      tpu.enqueue_dma source(%dma_start3A_318 : memref<128x64xf32, #tpu.memory_space<vmem>>) target(%dma_start3A_314 : memref<128x64xf32, #tpu.memory_space<vmem_shared>>) target_semaphore(%run_scoped3A_306 : memref<!tpu.dma_semaphore, #tpu.memory_space<semaphore_mem>>)
      %dma_wait3A_319 = arith.constant 0 : i32
      %dma_wait3A_320 = arith.constant 0 : i32
      %dma_wait3A_321 = tpu.memref_slice %arg12[%run_scoped3A_23, %dma_wait3A_319, %dma_wait3A_320] : memref<2x128x64xf32, #tpu.memory_space<vmem>> -> memref<1x128x64xf32, #tpu.memory_space<vmem>>
      %dma_wait3A_322 = tpu.memref_squeeze %dma_wait3A_321 : memref<1x128x64xf32, #tpu.memory_space<vmem>> -> memref<128x64xf32, #tpu.memory_space<vmem>>
      %dma_wait3A_323 = arith.constant 0 : i32
      %dma_wait3A_324 = tpu.memref_slice %arg14[%add3A_22, %dma_wait3A_323] : memref<10240x64xf32, #tpu.memory_space<vmem_shared>> -> memref<128x64xf32, #tpu.memory_space<vmem_shared>>
      %dma_wait3A_325 = arith.constant 0 : i32
      %dma_wait3A_326 = tpu.memref_slice %arg14[%add3A_22, %dma_wait3A_325] : memref<10240x64xf32, #tpu.memory_space<vmem_shared>> -> memref<128x64xf32, #tpu.memory_space<vmem_shared>>
      %dma_wait3A_327 = arith.constant 0 : i32
      %dma_wait3A_328 = arith.constant 0 : i32
      %dma_wait3A_329 = tpu.memref_slice %arg12[%run_scoped3A_23, %dma_wait3A_327, %dma_wait3A_328] : memref<2x128x64xf32, #tpu.memory_space<vmem>> -> memref<1x128x64xf32, #tpu.memory_space<vmem>>
      %dma_wait3A_330 = tpu.memref_squeeze %dma_wait3A_329 : memref<1x128x64xf32, #tpu.memory_space<vmem>> -> memref<128x64xf32, #tpu.memory_space<vmem>>
      tpu.wait_dma2 semaphore(%run_scoped3A_306 : memref<!tpu.dma_semaphore, #tpu.memory_space<semaphore_mem>>) src(%dma_wait3A_330 : memref<128x64xf32, #tpu.memory_space<vmem>>) dst(%dma_wait3A_326 : memref<128x64xf32, #tpu.memory_space<vmem_shared>>)
      tpu.yield
    }) : () -> ()
    %mul3A_24 = arith.constant 640 : i32
    %mul3A_25 = arith.muli %arg1, %mul3A_24 : i32
    %add3A_26 = arith.constant 512 : i32
    %add3A_27 = arith.addi %mul3A_25, %add3A_26 : i32
    %run_scoped3A_28 = arith.constant 0 : i32
    "tpu.region"() ({
      %run_scoped3A_306 = tpu.sem_alloc : memref<!tpu.dma_semaphore, #tpu.memory_space<semaphore_mem>>
      %dma_start3A_307 = arith.constant 0 : i32
      %dma_start3A_308 = arith.constant 0 : i32
      %dma_start3A_309 = tpu.memref_slice %arg12[%run_scoped3A_28, %dma_start3A_307, %dma_start3A_308] : memref<2x128x64xf32, #tpu.memory_space<vmem>> -> memref<1x128x64xf32, #tpu.memory_space<vmem>>
      %dma_start3A_310 = tpu.memref_squeeze %dma_start3A_309 : memref<1x128x64xf32, #tpu.memory_space<vmem>> -> memref<128x64xf32, #tpu.memory_space<vmem>>
      %dma_start3A_311 = arith.constant 0 : i32
      %dma_start3A_312 = tpu.memref_slice %arg14[%add3A_27, %dma_start3A_311] : memref<10240x64xf32, #tpu.memory_space<vmem_shared>> -> memref<128x64xf32, #tpu.memory_space<vmem_shared>>
      %dma_start3A_313 = arith.constant 0 : i32
      %dma_start3A_314 = tpu.memref_slice %arg14[%add3A_27, %dma_start3A_313] : memref<10240x64xf32, #tpu.memory_space<vmem_shared>> -> memref<128x64xf32, #tpu.memory_space<vmem_shared>>
      %dma_start3A_315 = arith.constant 0 : i32
      %dma_start3A_316 = arith.constant 0 : i32
      %dma_start3A_317 = tpu.memref_slice %arg12[%run_scoped3A_28, %dma_start3A_315, %dma_start3A_316] : memref<2x128x64xf32, #tpu.memory_space<vmem>> -> memref<1x128x64xf32, #tpu.memory_space<vmem>>
      %dma_start3A_318 = tpu.memref_squeeze %dma_start3A_317 : memref<1x128x64xf32, #tpu.memory_space<vmem>> -> memref<128x64xf32, #tpu.memory_space<vmem>>
      tpu.enqueue_dma source(%dma_start3A_318 : memref<128x64xf32, #tpu.memory_space<vmem>>) target(%dma_start3A_314 : memref<128x64xf32, #tpu.memory_space<vmem_shared>>) target_semaphore(%run_scoped3A_306 : memref<!tpu.dma_semaphore, #tpu.memory_space<semaphore_mem>>)
      %dma_wait3A_319 = arith.constant 0 : i32
      %dma_wait3A_320 = arith.constant 0 : i32
      %dma_wait3A_321 = tpu.memref_slice %arg12[%run_scoped3A_28, %dma_wait3A_319, %dma_wait3A_320] : memref<2x128x64xf32, #tpu.memory_space<vmem>> -> memref<1x128x64xf32, #tpu.memory_space<vmem>>
      %dma_wait3A_322 = tpu.memref_squeeze %dma_wait3A_321 : memref<1x128x64xf32, #tpu.memory_space<vmem>> -> memref<128x64xf32, #tpu.memory_space<vmem>>
      %dma_wait3A_323 = arith.constant 0 : i32
      %dma_wait3A_324 = tpu.memref_slice %arg14[%add3A_27, %dma_wait3A_323] : memref<10240x64xf32, #tpu.memory_space<vmem_shared>> -> memref<128x64xf32, #tpu.memory_space<vmem_shared>>
      %dma_wait3A_325 = arith.constant 0 : i32
      %dma_wait3A_326 = tpu.memref_slice %arg14[%add3A_27, %dma_wait3A_325] : memref<10240x64xf32, #tpu.memory_space<vmem_shared>> -> memref<128x64xf32, #tpu.memory_space<vmem_shared>>
      %dma_wait3A_327 = arith.constant 0 : i32
      %dma_wait3A_328 = arith.constant 0 : i32
      %dma_wait3A_329 = tpu.memref_slice %arg12[%run_scoped3A_28, %dma_wait3A_327, %dma_wait3A_328] : memref<2x128x64xf32, #tpu.memory_space<vmem>> -> memref<1x128x64xf32, #tpu.memory_space<vmem>>
      %dma_wait3A_330 = tpu.memref_squeeze %dma_wait3A_329 : memref<1x128x64xf32, #tpu.memory_space<vmem>> -> memref<128x64xf32, #tpu.memory_space<vmem>>
      tpu.wait_dma2 semaphore(%run_scoped3A_306 : memref<!tpu.dma_semaphore, #tpu.memory_space<semaphore_mem>>) src(%dma_wait3A_330 : memref<128x64xf32, #tpu.memory_space<vmem>>) dst(%dma_wait3A_326 : memref<128x64xf32, #tpu.memory_space<vmem_shared>>)
      tpu.yield
    }) : () -> ()
    %eq3A = arith.constant 0 : i32
    %eq3A_29 = arith.cmpi eq, %arg0, %eq3A : i32
    %convert_element_type3A = arith.extui %eq3A_29 : i1 to i32
    %cond3A = arith.constant 0 : i32
    %cond3A_30 = arith.cmpi ne, %convert_element_type3A, %cond3A : i32
    scf.if %cond3A_30 {
      %mul3A_306 = arith.constant 640 : i32
      %mul3A_307 = arith.muli %arg1, %mul3A_306 : i32
      %add3A_308 = arith.constant 0 : i32
      %add3A_309 = arith.addi %mul3A_307, %add3A_308 : i32
      "tpu.region"() ({
        %run_scoped3A_326 = tpu.sem_alloc : memref<!tpu.dma_semaphore, #tpu.memory_space<semaphore_mem>>
        %dma_start3A_327 = arith.constant 0 : i32
        %dma_start3A_328 = tpu.memref_slice %arg15[%add3A_309, %dma_start3A_327] : memref<10240x16xf32, #tpu.memory_space<vmem_shared>> -> memref<128x16xf32, #tpu.memory_space<vmem_shared>>
        %dma_start3A_329 = arith.constant 0 : i32
        %dma_start3A_330 = tpu.memref_slice %arg15[%add3A_309, %dma_start3A_329] : memref<10240x16xf32, #tpu.memory_space<vmem_shared>> -> memref<128x16xf32, #tpu.memory_space<vmem_shared>>
        tpu.enqueue_dma source(%arg13 : memref<128x16xf32, #tpu.memory_space<vmem>>) target(%dma_start3A_330 : memref<128x16xf32, #tpu.memory_space<vmem_shared>>) target_semaphore(%run_scoped3A_326 : memref<!tpu.dma_semaphore, #tpu.memory_space<semaphore_mem>>)
        %dma_wait3A_331 = arith.constant 0 : i32
        %dma_wait3A_332 = tpu.memref_slice %arg15[%add3A_309, %dma_wait3A_331] : memref<10240x16xf32, #tpu.memory_space<vmem_shared>> -> memref<128x16xf32, #tpu.memory_space<vmem_shared>>
        %dma_wait3A_333 = arith.constant 0 : i32
        %dma_wait3A_334 = tpu.memref_slice %arg15[%add3A_309, %dma_wait3A_333] : memref<10240x16xf32, #tpu.memory_space<vmem_shared>> -> memref<128x16xf32, #tpu.memory_space<vmem_shared>>
        tpu.wait_dma2 semaphore(%run_scoped3A_326 : memref<!tpu.dma_semaphore, #tpu.memory_space<semaphore_mem>>) src(%arg13 : memref<128x16xf32, #tpu.memory_space<vmem>>) dst(%dma_wait3A_334 : memref<128x16xf32, #tpu.memory_space<vmem_shared>>)
        tpu.yield
      }) : () -> ()
      %mul3A_310 = arith.constant 640 : i32
      %mul3A_311 = arith.muli %arg1, %mul3A_310 : i32
      %add3A_312 = arith.constant 128 : i32
      %add3A_313 = arith.addi %mul3A_311, %add3A_312 : i32
      "tpu.region"() ({
        %run_scoped3A_326 = tpu.sem_alloc : memref<!tpu.dma_semaphore, #tpu.memory_space<semaphore_mem>>
        %dma_start3A_327 = arith.constant 0 : i32
        %dma_start3A_328 = tpu.memref_slice %arg15[%add3A_313, %dma_start3A_327] : memref<10240x16xf32, #tpu.memory_space<vmem_shared>> -> memref<128x16xf32, #tpu.memory_space<vmem_shared>>
        %dma_start3A_329 = arith.constant 0 : i32
        %dma_start3A_330 = tpu.memref_slice %arg15[%add3A_313, %dma_start3A_329] : memref<10240x16xf32, #tpu.memory_space<vmem_shared>> -> memref<128x16xf32, #tpu.memory_space<vmem_shared>>
        tpu.enqueue_dma source(%arg13 : memref<128x16xf32, #tpu.memory_space<vmem>>) target(%dma_start3A_330 : memref<128x16xf32, #tpu.memory_space<vmem_shared>>) target_semaphore(%run_scoped3A_326 : memref<!tpu.dma_semaphore, #tpu.memory_space<semaphore_mem>>)
        %dma_wait3A_331 = arith.constant 0 : i32
        %dma_wait3A_332 = tpu.memref_slice %arg15[%add3A_313, %dma_wait3A_331] : memref<10240x16xf32, #tpu.memory_space<vmem_shared>> -> memref<128x16xf32, #tpu.memory_space<vmem_shared>>
        %dma_wait3A_333 = arith.constant 0 : i32
        %dma_wait3A_334 = tpu.memref_slice %arg15[%add3A_313, %dma_wait3A_333] : memref<10240x16xf32, #tpu.memory_space<vmem_shared>> -> memref<128x16xf32, #tpu.memory_space<vmem_shared>>
        tpu.wait_dma2 semaphore(%run_scoped3A_326 : memref<!tpu.dma_semaphore, #tpu.memory_space<semaphore_mem>>) src(%arg13 : memref<128x16xf32, #tpu.memory_space<vmem>>) dst(%dma_wait3A_334 : memref<128x16xf32, #tpu.memory_space<vmem_shared>>)
        tpu.yield
      }) : () -> ()
      %mul3A_314 = arith.constant 640 : i32
      %mul3A_315 = arith.muli %arg1, %mul3A_314 : i32
      %add3A_316 = arith.constant 256 : i32
      %add3A_317 = arith.addi %mul3A_315, %add3A_316 : i32
      "tpu.region"() ({
        %run_scoped3A_326 = tpu.sem_alloc : memref<!tpu.dma_semaphore, #tpu.memory_space<semaphore_mem>>
        %dma_start3A_327 = arith.constant 0 : i32
        %dma_start3A_328 = tpu.memref_slice %arg15[%add3A_317, %dma_start3A_327] : memref<10240x16xf32, #tpu.memory_space<vmem_shared>> -> memref<128x16xf32, #tpu.memory_space<vmem_shared>>
        %dma_start3A_329 = arith.constant 0 : i32
        %dma_start3A_330 = tpu.memref_slice %arg15[%add3A_317, %dma_start3A_329] : memref<10240x16xf32, #tpu.memory_space<vmem_shared>> -> memref<128x16xf32, #tpu.memory_space<vmem_shared>>
        tpu.enqueue_dma source(%arg13 : memref<128x16xf32, #tpu.memory_space<vmem>>) target(%dma_start3A_330 : memref<128x16xf32, #tpu.memory_space<vmem_shared>>) target_semaphore(%run_scoped3A_326 : memref<!tpu.dma_semaphore, #tpu.memory_space<semaphore_mem>>)
        %dma_wait3A_331 = arith.constant 0 : i32
        %dma_wait3A_332 = tpu.memref_slice %arg15[%add3A_317, %dma_wait3A_331] : memref<10240x16xf32, #tpu.memory_space<vmem_shared>> -> memref<128x16xf32, #tpu.memory_space<vmem_shared>>
        %dma_wait3A_333 = arith.constant 0 : i32
        %dma_wait3A_334 = tpu.memref_slice %arg15[%add3A_317, %dma_wait3A_333] : memref<10240x16xf32, #tpu.memory_space<vmem_shared>> -> memref<128x16xf32, #tpu.memory_space<vmem_shared>>
        tpu.wait_dma2 semaphore(%run_scoped3A_326 : memref<!tpu.dma_semaphore, #tpu.memory_space<semaphore_mem>>) src(%arg13 : memref<128x16xf32, #tpu.memory_space<vmem>>) dst(%dma_wait3A_334 : memref<128x16xf32, #tpu.memory_space<vmem_shared>>)
        tpu.yield
      }) : () -> ()
      %mul3A_318 = arith.constant 640 : i32
      %mul3A_319 = arith.muli %arg1, %mul3A_318 : i32
      %add3A_320 = arith.constant 384 : i32
      %add3A_321 = arith.addi %mul3A_319, %add3A_320 : i32
      "tpu.region"() ({
        %run_scoped3A_326 = tpu.sem_alloc : memref<!tpu.dma_semaphore, #tpu.memory_space<semaphore_mem>>
        %dma_start3A_327 = arith.constant 0 : i32
        %dma_start3A_328 = tpu.memref_slice %arg15[%add3A_321, %dma_start3A_327] : memref<10240x16xf32, #tpu.memory_space<vmem_shared>> -> memref<128x16xf32, #tpu.memory_space<vmem_shared>>
        %dma_start3A_329 = arith.constant 0 : i32
        %dma_start3A_330 = tpu.memref_slice %arg15[%add3A_321, %dma_start3A_329] : memref<10240x16xf32, #tpu.memory_space<vmem_shared>> -> memref<128x16xf32, #tpu.memory_space<vmem_shared>>
        tpu.enqueue_dma source(%arg13 : memref<128x16xf32, #tpu.memory_space<vmem>>) target(%dma_start3A_330 : memref<128x16xf32, #tpu.memory_space<vmem_shared>>) target_semaphore(%run_scoped3A_326 : memref<!tpu.dma_semaphore, #tpu.memory_space<semaphore_mem>>)
        %dma_wait3A_331 = arith.constant 0 : i32
        %dma_wait3A_332 = tpu.memref_slice %arg15[%add3A_321, %dma_wait3A_331] : memref<10240x16xf32, #tpu.memory_space<vmem_shared>> -> memref<128x16xf32, #tpu.memory_space<vmem_shared>>
        %dma_wait3A_333 = arith.constant 0 : i32
        %dma_wait3A_334 = tpu.memref_slice %arg15[%add3A_321, %dma_wait3A_333] : memref<10240x16xf32, #tpu.memory_space<vmem_shared>> -> memref<128x16xf32, #tpu.memory_space<vmem_shared>>
        tpu.wait_dma2 semaphore(%run_scoped3A_326 : memref<!tpu.dma_semaphore, #tpu.memory_space<semaphore_mem>>) src(%arg13 : memref<128x16xf32, #tpu.memory_space<vmem>>) dst(%dma_wait3A_334 : memref<128x16xf32, #tpu.memory_space<vmem_shared>>)
        tpu.yield
      }) : () -> ()
      %mul3A_322 = arith.constant 640 : i32
      %mul3A_323 = arith.muli %arg1, %mul3A_322 : i32
      %add3A_324 = arith.constant 512 : i32
      %add3A_325 = arith.addi %mul3A_323, %add3A_324 : i32
      "tpu.region"() ({
        %run_scoped3A_326 = tpu.sem_alloc : memref<!tpu.dma_semaphore, #tpu.memory_space<semaphore_mem>>
        %dma_start3A_327 = arith.constant 0 : i32
        %dma_start3A_328 = tpu.memref_slice %arg15[%add3A_325, %dma_start3A_327] : memref<10240x16xf32, #tpu.memory_space<vmem_shared>> -> memref<128x16xf32, #tpu.memory_space<vmem_shared>>
        %dma_start3A_329 = arith.constant 0 : i32
        %dma_start3A_330 = tpu.memref_slice %arg15[%add3A_325, %dma_start3A_329] : memref<10240x16xf32, #tpu.memory_space<vmem_shared>> -> memref<128x16xf32, #tpu.memory_space<vmem_shared>>
        tpu.enqueue_dma source(%arg13 : memref<128x16xf32, #tpu.memory_space<vmem>>) target(%dma_start3A_330 : memref<128x16xf32, #tpu.memory_space<vmem_shared>>) target_semaphore(%run_scoped3A_326 : memref<!tpu.dma_semaphore, #tpu.memory_space<semaphore_mem>>)
        %dma_wait3A_331 = arith.constant 0 : i32
        %dma_wait3A_332 = tpu.memref_slice %arg15[%add3A_325, %dma_wait3A_331] : memref<10240x16xf32, #tpu.memory_space<vmem_shared>> -> memref<128x16xf32, #tpu.memory_space<vmem_shared>>
        %dma_wait3A_333 = arith.constant 0 : i32
        %dma_wait3A_334 = tpu.memref_slice %arg15[%add3A_325, %dma_wait3A_333] : memref<10240x16xf32, #tpu.memory_space<vmem_shared>> -> memref<128x16xf32, #tpu.memory_space<vmem_shared>>
        tpu.wait_dma2 semaphore(%run_scoped3A_326 : memref<!tpu.dma_semaphore, #tpu.memory_space<semaphore_mem>>) src(%arg13 : memref<128x16xf32, #tpu.memory_space<vmem>>) dst(%dma_wait3A_334 : memref<128x16xf32, #tpu.memory_space<vmem_shared>>)
        tpu.yield
      }) : () -> ()
    } else {
    }
    %barrier3A = arith.constant 0 : index
    tpu.barrier barrier_id(%barrier3A)
    %broadcast_in_dim3A_31 = arith.constant 1.000000e+00 : f32
    %broadcast_in_dim3A_32 = vector.broadcast %broadcast_in_dim3A_31 : f32 to vector<16xf32>
    %scan3A_33 = arith.constant 0 : i32
    %scan3A_34 = arith.constant 0 : i32
    %scan3A_35 = arith.constant 128 : i32
    %scan3A_36 = arith.addi %scan3A_34, %scan3A_35 : i32
    %scan3A_37 = arith.constant 1 : i32
    %scan3A_38 = scf.for %scan3A_306 = %scan3A_34 to %scan3A_36 step %scan3A_37 iter_args(%scan3A_307 = %scan3A_33) -> (i32)  : i32 {
      %swap3A_308 = arith.index_cast %scan3A_306 : i32 to index
      %swap3A_309 = arith.constant 0 : index
      %swap3A_310 = tpu.vector_load %arg13[%swap3A_308, %swap3A_309] {strides = array<i32>} : memref<128x16xf32, #tpu.memory_space<vmem>>, vector<1x16xf32>,
      %swap3A_311 = vector.shape_cast %swap3A_310 : vector<1x16xf32> to vector<16xf32>
      %swap3A_312 = vector.shape_cast %broadcast_in_dim3A_32 : vector<16xf32> to vector<1x16xf32>
      tpu.vector_store %arg13[%swap3A_308, %swap3A_309], %swap3A_312 {strides = array<i32>} : memref<128x16xf32, #tpu.memory_space<vmem>>, vector<1x16xf32>,
      %scan3A_313 = arith.constant 0 : i32
      scf.yield %scan3A_313 : i32
    }
    %scan3A_39 = arith.constant 128 : i32
    %broadcast_in_dim3A_40 = arith.constant 16383 : i32
    %broadcast_in_dim3A_41 = vector.broadcast %broadcast_in_dim3A_40 : i32 to vector<16xi32>
    %mul3A_42 = arith.constant 157 : i32
    %mul3A_43 = arith.muli %arg1, %mul3A_42 : i32
    %add3A_44 = arith.constant 0 : i32
    %add3A_45 = arith.addi %mul3A_43, %add3A_44 : i32
    %mul3A_46 = arith.constant 128 : i32
    %mul3A_47 = arith.muli %add3A_45, %mul3A_46 : i32
    %dma_start3A = arith.constant 0 : i32
    %dma_start3A_48 = arith.constant 0 : i32
    %dma_start3A_49 = tpu.memref_slice %arg7[%dma_start3A, %dma_start3A_48] : memref<4x128xi32, #tpu.memory_space<vmem>> -> memref<1x128xi32, #tpu.memory_space<vmem>>
    %dma_start3A_50 = tpu.memref_squeeze %dma_start3A_49 : memref<1x128xi32, #tpu.memory_space<vmem>> -> memref<128xi32, #tpu.memory_space<vmem>>
    %dma_start3A_51 = tpu.memref_slice %arg3[%mul3A_47] : memref<321536xi32, #tpu.memory_space<hbm>> -> memref<128xi32, #tpu.memory_space<hbm>>
    %dma_start3A_52 = arith.constant 0 : i32
    %dma_start3A_53 = tpu.memref_slice %arg7[%dma_start3A, %dma_start3A_52] : memref<4x128xi32, #tpu.memory_space<vmem>> -> memref<1x128xi32, #tpu.memory_space<vmem>>
    %dma_start3A_54 = tpu.memref_squeeze %dma_start3A_53 : memref<1x128xi32, #tpu.memory_space<vmem>> -> memref<128xi32, #tpu.memory_space<vmem>>
    %dma_start3A_55 = tpu.memref_slice %arg3[%mul3A_47] : memref<321536xi32, #tpu.memory_space<hbm>> -> memref<128xi32, #tpu.memory_space<hbm>>
    tpu.enqueue_dma source(%dma_start3A_55 : memref<128xi32, #tpu.memory_space<hbm>>) target(%dma_start3A_54 : memref<128xi32, #tpu.memory_space<vmem>>) target_semaphore(%arg16 : memref<!tpu.dma_semaphore, #tpu.memory_space<semaphore_mem>>)
    %dma_wait3A = arith.constant 0 : i32
    %dma_wait3A_56 = arith.constant 0 : i32
    %dma_wait3A_57 = tpu.memref_slice %arg7[%dma_wait3A, %dma_wait3A_56] : memref<4x128xi32, #tpu.memory_space<vmem>> -> memref<1x128xi32, #tpu.memory_space<vmem>>
    %dma_wait3A_58 = tpu.memref_squeeze %dma_wait3A_57 : memref<1x128xi32, #tpu.memory_space<vmem>> -> memref<128xi32, #tpu.memory_space<vmem>>
    %dma_wait3A_59 = arith.constant 0 : i32
    %dma_wait3A_60 = tpu.memref_slice %arg3[%dma_wait3A_59] : memref<321536xi32, #tpu.memory_space<hbm>> -> memref<128xi32, #tpu.memory_space<hbm>>
    %dma_wait3A_61 = arith.constant 0 : i32
    %dma_wait3A_62 = tpu.memref_slice %arg7[%dma_wait3A, %dma_wait3A_61] : memref<4x128xi32, #tpu.memory_space<vmem>> -> memref<1x128xi32, #tpu.memory_space<vmem>>
    %dma_wait3A_63 = tpu.memref_squeeze %dma_wait3A_62 : memref<1x128xi32, #tpu.memory_space<vmem>> -> memref<128xi32, #tpu.memory_space<vmem>>
    %dma_wait3A_64 = arith.constant 0 : i32
    %dma_wait3A_65 = tpu.memref_slice %arg3[%dma_wait3A_64] : memref<321536xi32, #tpu.memory_space<hbm>> -> memref<128xi32, #tpu.memory_space<hbm>>
    tpu.wait_dma2 semaphore(%arg16 : memref<!tpu.dma_semaphore, #tpu.memory_space<semaphore_mem>>) src(%dma_wait3A_65 : memref<128xi32, #tpu.memory_space<hbm>>) dst(%dma_wait3A_63 : memref<128xi32, #tpu.memory_space<vmem>>)
    %rem3A = arith.constant 0 : i32
    %rem3A_66 = arith.constant 2 : i32
    %rem3A_67 = arith.remsi %rem3A, %rem3A_66 : i32
    %get3A = arith.constant 0 : i32
    %get3A_68 = arith.index_cast %get3A : i32 to index
    %get3A_69 = arith.constant 0 : index
    %get3A_70 = tpu.vector_load %arg7[%get3A_68, %get3A_69] {strides = array<i32>} : memref<4x128xi32, #tpu.memory_space<vmem>>, vector<1x16xi32>,
    %get3A_71 = vector.shape_cast %get3A_70 : vector<1x16xi32> to vector<16xi32>
    %and3A = arith.andi %get3A_71, %broadcast_in_dim3A_41 : vector<16xi32>
    %mul3A_72 = arith.constant 2 : i32
    %mul3A_73 = vector.broadcast %mul3A_72 : i32 to vector<16xi32>
    %mul3A_74 = arith.muli %and3A, %mul3A_73 : vector<16xi32>
    %add3A_75 = vector.broadcast %arg0 : i32 to vector<16xi32>
    %add3A_76 = arith.addi %mul3A_74, %add3A_75 : vector<16xi32>
    %swap3A = arith.constant 0 : i32
    %swap3A_77 = arith.index_cast %swap3A : i32 to index
    %swap3A_78 = arith.constant 0 : index
    %swap3A_79 = tpu.vector_load %arg8[%swap3A_77, %swap3A_78] {strides = array<i32>} : memref<4x128xi32, #tpu.memory_space<vmem>>, vector<1x16xi32>,
    %swap3A_80 = vector.shape_cast %swap3A_79 : vector<1x16xi32> to vector<16xi32>
    %swap3A_81 = vector.shape_cast %add3A_76 : vector<16xi32> to vector<1x16xi32>
    tpu.vector_store %arg8[%swap3A_77, %swap3A_78], %swap3A_81 {strides = array<i32>} : memref<4x128xi32, #tpu.memory_space<vmem>>, vector<1x16xi32>,
    %get3A_82 = arith.constant 0 : i32
    %get3A_83 = arith.index_cast %get3A_82 : i32 to index
    %get3A_84 = arith.constant 16 : index
    %get3A_85 = tpu.vector_load %arg7[%get3A_83, %get3A_84] {strides = array<i32>} : memref<4x128xi32, #tpu.memory_space<vmem>>, vector<1x16xi32>,
    %get3A_86 = vector.shape_cast %get3A_85 : vector<1x16xi32> to vector<16xi32>
    %and3A_87 = arith.andi %get3A_86, %broadcast_in_dim3A_41 : vector<16xi32>
    %mul3A_88 = arith.constant 2 : i32
    %mul3A_89 = vector.broadcast %mul3A_88 : i32 to vector<16xi32>
    %mul3A_90 = arith.muli %and3A_87, %mul3A_89 : vector<16xi32>
    %add3A_91 = vector.broadcast %arg0 : i32 to vector<16xi32>
    %add3A_92 = arith.addi %mul3A_90, %add3A_91 : vector<16xi32>
    %swap3A_93 = arith.constant 0 : i32
    %swap3A_94 = arith.index_cast %swap3A_93 : i32 to index
    %swap3A_95 = arith.constant 16 : index
    %swap3A_96 = tpu.vector_load %arg8[%swap3A_94, %swap3A_95] {strides = array<i32>} : memref<4x128xi32, #tpu.memory_space<vmem>>, vector<1x16xi32>,
    %swap3A_97 = vector.shape_cast %swap3A_96 : vector<1x16xi32> to vector<16xi32>
    %swap3A_98 = vector.shape_cast %add3A_92 : vector<16xi32> to vector<1x16xi32>
    tpu.vector_store %arg8[%swap3A_94, %swap3A_95], %swap3A_98 {strides = array<i32>} : memref<4x128xi32, #tpu.memory_space<vmem>>, vector<1x16xi32>,
    %get3A_99 = arith.constant 0 : i32
    %get3A_100 = arith.index_cast %get3A_99 : i32 to index
    %get3A_101 = arith.constant 32 : index
    %get3A_102 = tpu.vector_load %arg7[%get3A_100, %get3A_101] {strides = array<i32>} : memref<4x128xi32, #tpu.memory_space<vmem>>, vector<1x16xi32>,
    %get3A_103 = vector.shape_cast %get3A_102 : vector<1x16xi32> to vector<16xi32>
    %and3A_104 = arith.andi %get3A_103, %broadcast_in_dim3A_41 : vector<16xi32>
    %mul3A_105 = arith.constant 2 : i32
    %mul3A_106 = vector.broadcast %mul3A_105 : i32 to vector<16xi32>
    %mul3A_107 = arith.muli %and3A_104, %mul3A_106 : vector<16xi32>
    %add3A_108 = vector.broadcast %arg0 : i32 to vector<16xi32>
    %add3A_109 = arith.addi %mul3A_107, %add3A_108 : vector<16xi32>
    %swap3A_110 = arith.constant 0 : i32
    %swap3A_111 = arith.index_cast %swap3A_110 : i32 to index
    %swap3A_112 = arith.constant 32 : index
    %swap3A_113 = tpu.vector_load %arg8[%swap3A_111, %swap3A_112] {strides = array<i32>} : memref<4x128xi32, #tpu.memory_space<vmem>>, vector<1x16xi32>,
    %swap3A_114 = vector.shape_cast %swap3A_113 : vector<1x16xi32> to vector<16xi32>
    %swap3A_115 = vector.shape_cast %add3A_109 : vector<16xi32> to vector<1x16xi32>
    tpu.vector_store %arg8[%swap3A_111, %swap3A_112], %swap3A_115 {strides = array<i32>} : memref<4x128xi32, #tpu.memory_space<vmem>>, vector<1x16xi32>,
    %get3A_116 = arith.constant 0 : i32
    %get3A_117 = arith.index_cast %get3A_116 : i32 to index
    %get3A_118 = arith.constant 48 : index
    %get3A_119 = tpu.vector_load %arg7[%get3A_117, %get3A_118] {strides = array<i32>} : memref<4x128xi32, #tpu.memory_space<vmem>>, vector<1x16xi32>,
    %get3A_120 = vector.shape_cast %get3A_119 : vector<1x16xi32> to vector<16xi32>
    %and3A_121 = arith.andi %get3A_120, %broadcast_in_dim3A_41 : vector<16xi32>
    %mul3A_122 = arith.constant 2 : i32
    %mul3A_123 = vector.broadcast %mul3A_122 : i32 to vector<16xi32>
    %mul3A_124 = arith.muli %and3A_121, %mul3A_123 : vector<16xi32>
    %add3A_125 = vector.broadcast %arg0 : i32 to vector<16xi32>
    %add3A_126 = arith.addi %mul3A_124, %add3A_125 : vector<16xi32>
    %swap3A_127 = arith.constant 0 : i32
    %swap3A_128 = arith.index_cast %swap3A_127 : i32 to index
    %swap3A_129 = arith.constant 48 : index
    %swap3A_130 = tpu.vector_load %arg8[%swap3A_128, %swap3A_129] {strides = array<i32>} : memref<4x128xi32, #tpu.memory_space<vmem>>, vector<1x16xi32>,
    %swap3A_131 = vector.shape_cast %swap3A_130 : vector<1x16xi32> to vector<16xi32>
    %swap3A_132 = vector.shape_cast %add3A_126 : vector<16xi32> to vector<1x16xi32>
    tpu.vector_store %arg8[%swap3A_128, %swap3A_129], %swap3A_132 {strides = array<i32>} : memref<4x128xi32, #tpu.memory_space<vmem>>, vector<1x16xi32>,
    %get3A_133 = arith.constant 0 : i32
    %get3A_134 = arith.index_cast %get3A_133 : i32 to index
    %get3A_135 = arith.constant 64 : index
    %get3A_136 = tpu.vector_load %arg7[%get3A_134, %get3A_135] {strides = array<i32>} : memref<4x128xi32, #tpu.memory_space<vmem>>, vector<1x16xi32>,
    %get3A_137 = vector.shape_cast %get3A_136 : vector<1x16xi32> to vector<16xi32>
    %and3A_138 = arith.andi %get3A_137, %broadcast_in_dim3A_41 : vector<16xi32>
    %mul3A_139 = arith.constant 2 : i32
    %mul3A_140 = vector.broadcast %mul3A_139 : i32 to vector<16xi32>
    %mul3A_141 = arith.muli %and3A_138, %mul3A_140 : vector<16xi32>
    %add3A_142 = vector.broadcast %arg0 : i32 to vector<16xi32>
    %add3A_143 = arith.addi %mul3A_141, %add3A_142 : vector<16xi32>
    %swap3A_144 = arith.constant 0 : i32
    %swap3A_145 = arith.index_cast %swap3A_144 : i32 to index
    %swap3A_146 = arith.constant 64 : index
    %swap3A_147 = tpu.vector_load %arg8[%swap3A_145, %swap3A_146] {strides = array<i32>} : memref<4x128xi32, #tpu.memory_space<vmem>>, vector<1x16xi32>,
    %swap3A_148 = vector.shape_cast %swap3A_147 : vector<1x16xi32> to vector<16xi32>
    %swap3A_149 = vector.shape_cast %add3A_143 : vector<16xi32> to vector<1x16xi32>
    tpu.vector_store %arg8[%swap3A_145, %swap3A_146], %swap3A_149 {strides = array<i32>} : memref<4x128xi32, #tpu.memory_space<vmem>>, vector<1x16xi32>,
    %get3A_150 = arith.constant 0 : i32
    %get3A_151 = arith.index_cast %get3A_150 : i32 to index
    %get3A_152 = arith.constant 80 : index
    %get3A_153 = tpu.vector_load %arg7[%get3A_151, %get3A_152] {strides = array<i32>} : memref<4x128xi32, #tpu.memory_space<vmem>>, vector<1x16xi32>,
    %get3A_154 = vector.shape_cast %get3A_153 : vector<1x16xi32> to vector<16xi32>
    %and3A_155 = arith.andi %get3A_154, %broadcast_in_dim3A_41 : vector<16xi32>
    %mul3A_156 = arith.constant 2 : i32
    %mul3A_157 = vector.broadcast %mul3A_156 : i32 to vector<16xi32>
    %mul3A_158 = arith.muli %and3A_155, %mul3A_157 : vector<16xi32>
    %add3A_159 = vector.broadcast %arg0 : i32 to vector<16xi32>
    %add3A_160 = arith.addi %mul3A_158, %add3A_159 : vector<16xi32>
    %swap3A_161 = arith.constant 0 : i32
    %swap3A_162 = arith.index_cast %swap3A_161 : i32 to index
    %swap3A_163 = arith.constant 80 : index
    %swap3A_164 = tpu.vector_load %arg8[%swap3A_162, %swap3A_163] {strides = array<i32>} : memref<4x128xi32, #tpu.memory_space<vmem>>, vector<1x16xi32>,
    %swap3A_165 = vector.shape_cast %swap3A_164 : vector<1x16xi32> to vector<16xi32>
    %swap3A_166 = vector.shape_cast %add3A_160 : vector<16xi32> to vector<1x16xi32>
    tpu.vector_store %arg8[%swap3A_162, %swap3A_163], %swap3A_166 {strides = array<i32>} : memref<4x128xi32, #tpu.memory_space<vmem>>, vector<1x16xi32>,
    %get3A_167 = arith.constant 0 : i32
    %get3A_168 = arith.index_cast %get3A_167 : i32 to index
    %get3A_169 = arith.constant 96 : index
    %get3A_170 = tpu.vector_load %arg7[%get3A_168, %get3A_169] {strides = array<i32>} : memref<4x128xi32, #tpu.memory_space<vmem>>, vector<1x16xi32>,
    %get3A_171 = vector.shape_cast %get3A_170 : vector<1x16xi32> to vector<16xi32>
    %and3A_172 = arith.andi %get3A_171, %broadcast_in_dim3A_41 : vector<16xi32>
    %mul3A_173 = arith.constant 2 : i32
    %mul3A_174 = vector.broadcast %mul3A_173 : i32 to vector<16xi32>
    %mul3A_175 = arith.muli %and3A_172, %mul3A_174 : vector<16xi32>
    %add3A_176 = vector.broadcast %arg0 : i32 to vector<16xi32>
    %add3A_177 = arith.addi %mul3A_175, %add3A_176 : vector<16xi32>
    %swap3A_178 = arith.constant 0 : i32
    %swap3A_179 = arith.index_cast %swap3A_178 : i32 to index
    %swap3A_180 = arith.constant 96 : index
    %swap3A_181 = tpu.vector_load %arg8[%swap3A_179, %swap3A_180] {strides = array<i32>} : memref<4x128xi32, #tpu.memory_space<vmem>>, vector<1x16xi32>,
    %swap3A_182 = vector.shape_cast %swap3A_181 : vector<1x16xi32> to vector<16xi32>
    %swap3A_183 = vector.shape_cast %add3A_177 : vector<16xi32> to vector<1x16xi32>
    tpu.vector_store %arg8[%swap3A_179, %swap3A_180], %swap3A_183 {strides = array<i32>} : memref<4x128xi32, #tpu.memory_space<vmem>>, vector<1x16xi32>,
    %get3A_184 = arith.constant 0 : i32
    %get3A_185 = arith.index_cast %get3A_184 : i32 to index
    %get3A_186 = arith.constant 112 : index
    %get3A_187 = tpu.vector_load %arg7[%get3A_185, %get3A_186] {strides = array<i32>} : memref<4x128xi32, #tpu.memory_space<vmem>>, vector<1x16xi32>,
    %get3A_188 = vector.shape_cast %get3A_187 : vector<1x16xi32> to vector<16xi32>
    %and3A_189 = arith.andi %get3A_188, %broadcast_in_dim3A_41 : vector<16xi32>
    %mul3A_190 = arith.constant 2 : i32
    %mul3A_191 = vector.broadcast %mul3A_190 : i32 to vector<16xi32>
    %mul3A_192 = arith.muli %and3A_189, %mul3A_191 : vector<16xi32>
    %add3A_193 = vector.broadcast %arg0 : i32 to vector<16xi32>
    %add3A_194 = arith.addi %mul3A_192, %add3A_193 : vector<16xi32>
    %swap3A_195 = arith.constant 0 : i32
    %swap3A_196 = arith.index_cast %swap3A_195 : i32 to index
    %swap3A_197 = arith.constant 112 : index
    %swap3A_198 = tpu.vector_load %arg8[%swap3A_196, %swap3A_197] {strides = array<i32>} : memref<4x128xi32, #tpu.memory_space<vmem>>, vector<1x16xi32>,
    %swap3A_199 = vector.shape_cast %swap3A_198 : vector<1x16xi32> to vector<16xi32>
    %swap3A_200 = vector.shape_cast %add3A_194 : vector<16xi32> to vector<1x16xi32>
    tpu.vector_store %arg8[%swap3A_196, %swap3A_197], %swap3A_200 {strides = array<i32>} : memref<4x128xi32, #tpu.memory_space<vmem>>, vector<1x16xi32>,
    %mul3A_201 = arith.constant 157 : i32
    %mul3A_202 = arith.muli %arg1, %mul3A_201 : i32
    %add3A_203 = arith.constant 0 : i32
    %add3A_204 = arith.addi %mul3A_202, %add3A_203 : i32
    %mul3A_205 = arith.constant 128 : i32
    %mul3A_206 = arith.muli %add3A_204, %mul3A_205 : i32
    %dma_start3A_207 = arith.constant 0 : i32
    %dma_start3A_208 = arith.constant 0 : i32
    %dma_start3A_209 = arith.constant 0 : i32
    %dma_start3A_210 = tpu.memref_slice %arg10[%rem3A_67, %dma_start3A_208, %dma_start3A_209] : memref<2x128x64xf32, #tpu.memory_space<vmem>> -> memref<1x128x64xf32, #tpu.memory_space<vmem>>
    %dma_start3A_211 = tpu.memref_squeeze %dma_start3A_210 : memref<1x128x64xf32, #tpu.memory_space<vmem>> -> memref<128x64xf32, #tpu.memory_space<vmem>>
    %dma_start3A_212 = arith.constant 0 : i32
    %dma_start3A_213 = tpu.memref_slice %arg8[%dma_start3A_207, %dma_start3A_212] : memref<4x128xi32, #tpu.memory_space<vmem>> -> memref<1x128xi32, #tpu.memory_space<vmem>>
    %dma_start3A_214 = tpu.memref_squeeze %dma_start3A_213 : memref<1x128xi32, #tpu.memory_space<vmem>> -> memref<128xi32, #tpu.memory_space<vmem>>
    %dma_start3A_215 = arith.constant 0 : i32
    %dma_start3A_216 = arith.constant 0 : i32
    %dma_start3A_217 = tpu.memref_slice %arg2[%dma_start3A_215, %dma_start3A_216] : memref<20000x64xf32, #tpu.memory_space<hbm>> -> memref<20000x64xf32, #tpu.memory_space<hbm>>
    tpu.enqueue_indirect_dma source(%dma_start3A_217 : memref<20000x64xf32, #tpu.memory_space<hbm>>) target(%dma_start3A_211 : memref<128x64xf32, #tpu.memory_space<vmem>>) offsets(%dma_start3A_214 : memref<128xi32, #tpu.memory_space<vmem>>) semaphore(%arg17 : memref<!tpu.dma_semaphore, #tpu.memory_space<semaphore_mem>>)
    %dma_start3A_218 = arith.constant 0 : i32
    %dma_start3A_219 = arith.constant 0 : i32
    %dma_start3A_220 = tpu.memref_slice %arg11[%rem3A_67, %dma_start3A_218, %dma_start3A_219] : memref<2x128x64xf32, #tpu.memory_space<vmem>> -> memref<1x128x64xf32, #tpu.memory_space<vmem>>
    %dma_start3A_221 = tpu.memref_squeeze %dma_start3A_220 : memref<1x128x64xf32, #tpu.memory_space<vmem>> -> memref<128x64xf32, #tpu.memory_space<vmem>>
    %dma_start3A_222 = arith.constant 0 : i32
    %dma_start3A_223 = tpu.memref_slice %arg4[%arg0, %mul3A_206, %dma_start3A_222] : memref<2x321536x64xf32, #tpu.memory_space<hbm>> -> memref<1x128x64xf32, #tpu.memory_space<hbm>>
    %dma_start3A_224 = tpu.memref_squeeze %dma_start3A_223 : memref<1x128x64xf32, #tpu.memory_space<hbm>> -> memref<128x64xf32, #tpu.memory_space<hbm>>
    %dma_start3A_225 = arith.constant 0 : i32
    %dma_start3A_226 = arith.constant 0 : i32
    %dma_start3A_227 = tpu.memref_slice %arg11[%rem3A_67, %dma_start3A_225, %dma_start3A_226] : memref<2x128x64xf32, #tpu.memory_space<vmem>> -> memref<1x128x64xf32, #tpu.memory_space<vmem>>
    %dma_start3A_228 = tpu.memref_squeeze %dma_start3A_227 : memref<1x128x64xf32, #tpu.memory_space<vmem>> -> memref<128x64xf32, #tpu.memory_space<vmem>>
    %dma_start3A_229 = arith.constant 0 : i32
    %dma_start3A_230 = tpu.memref_slice %arg4[%arg0, %mul3A_206, %dma_start3A_229] : memref<2x321536x64xf32, #tpu.memory_space<hbm>> -> memref<1x128x64xf32, #tpu.memory_space<hbm>>
    %dma_start3A_231 = tpu.memref_squeeze %dma_start3A_230 : memref<1x128x64xf32, #tpu.memory_space<hbm>> -> memref<128x64xf32, #tpu.memory_space<hbm>>
    tpu.enqueue_dma source(%dma_start3A_231 : memref<128x64xf32, #tpu.memory_space<hbm>>) target(%dma_start3A_228 : memref<128x64xf32, #tpu.memory_space<vmem>>) target_semaphore(%arg18 : memref<!tpu.dma_semaphore, #tpu.memory_space<semaphore_mem>>)
    %mul3A_232 = arith.constant 157 : i32
    %mul3A_233 = arith.muli %arg1, %mul3A_232 : i32
    %add3A_234 = arith.constant 1 : i32
    %add3A_235 = arith.addi %mul3A_233, %add3A_234 : i32
    %mul3A_236 = arith.constant 128 : i32
    %mul3A_237 = arith.muli %add3A_235, %mul3A_236 : i32
    %dma_start3A_238 = arith.constant 1 : i32
    %dma_start3A_239 = arith.constant 0 : i32
    %dma_start3A_240 = tpu.memref_slice %arg7[%dma_start3A_238, %dma_start3A_239] : memref<4x128xi32, #tpu.memory_space<vmem>> -> memref<1x128xi32, #tpu.memory_space<vmem>>
    %dma_start3A_241 = tpu.memref_squeeze %dma_start3A_240 : memref<1x128xi32, #tpu.memory_space<vmem>> -> memref<128xi32, #tpu.memory_space<vmem>>
    %dma_start3A_242 = tpu.memref_slice %arg3[%mul3A_237] : memref<321536xi32, #tpu.memory_space<hbm>> -> memref<128xi32, #tpu.memory_space<hbm>>
    %dma_start3A_243 = arith.constant 0 : i32
    %dma_start3A_244 = tpu.memref_slice %arg7[%dma_start3A_238, %dma_start3A_243] : memref<4x128xi32, #tpu.memory_space<vmem>> -> memref<1x128xi32, #tpu.memory_space<vmem>>
    %dma_start3A_245 = tpu.memref_squeeze %dma_start3A_244 : memref<1x128xi32, #tpu.memory_space<vmem>> -> memref<128xi32, #tpu.memory_space<vmem>>
    %dma_start3A_246 = tpu.memref_slice %arg3[%mul3A_237] : memref<321536xi32, #tpu.memory_space<hbm>> -> memref<128xi32, #tpu.memory_space<hbm>>
    tpu.enqueue_dma source(%dma_start3A_246 : memref<128xi32, #tpu.memory_space<hbm>>) target(%dma_start3A_245 : memref<128xi32, #tpu.memory_space<vmem>>) target_semaphore(%arg16 : memref<!tpu.dma_semaphore, #tpu.memory_space<semaphore_mem>>)
    %mul3A_247 = arith.constant 157 : i32
    %mul3A_248 = arith.muli %arg1, %mul3A_247 : i32
    %add3A_249 = arith.constant 2 : i32
    %add3A_250 = arith.addi %mul3A_248, %add3A_249 : i32
    %mul3A_251 = arith.constant 128 : i32
    %mul3A_252 = arith.muli %add3A_250, %mul3A_251 : i32
    %dma_start3A_253 = arith.constant 2 : i32
    %dma_start3A_254 = arith.constant 0 : i32
    %dma_start3A_255 = tpu.memref_slice %arg7[%dma_start3A_253, %dma_start3A_254] : memref<4x128xi32, #tpu.memory_space<vmem>> -> memref<1x128xi32, #tpu.memory_space<vmem>>
    %dma_start3A_256 = tpu.memref_squeeze %dma_start3A_255 : memref<1x128xi32, #tpu.memory_space<vmem>> -> memref<128xi32, #tpu.memory_space<vmem>>
    %dma_start3A_257 = tpu.memref_slice %arg3[%mul3A_252] : memref<321536xi32, #tpu.memory_space<hbm>> -> memref<128xi32, #tpu.memory_space<hbm>>
    %dma_start3A_258 = arith.constant 0 : i32
    %dma_start3A_259 = tpu.memref_slice %arg7[%dma_start3A_253, %dma_start3A_258] : memref<4x128xi32, #tpu.memory_space<vmem>> -> memref<1x128xi32, #tpu.memory_space<vmem>>
    %dma_start3A_260 = tpu.memref_squeeze %dma_start3A_259 : memref<1x128xi32, #tpu.memory_space<vmem>> -> memref<128xi32, #tpu.memory_space<vmem>>
    %dma_start3A_261 = tpu.memref_slice %arg3[%mul3A_252] : memref<321536xi32, #tpu.memory_space<hbm>> -> memref<128xi32, #tpu.memory_space<hbm>>
    tpu.enqueue_dma source(%dma_start3A_261 : memref<128xi32, #tpu.memory_space<hbm>>) target(%dma_start3A_260 : memref<128xi32, #tpu.memory_space<vmem>>) target_semaphore(%arg16 : memref<!tpu.dma_semaphore, #tpu.memory_space<semaphore_mem>>)
    %scan3A_262 = arith.constant 0 : i32
    %scan3A_263 = arith.constant 0 : i32
    %scan3A_264 = arith.constant 157 : i32
    %scan3A_265 = arith.addi %scan3A_263, %scan3A_264 : i32
    %scan3A_266 = arith.constant 1 : i32
    %scan3A_267 = scf.for %scan3A_306 = %scan3A_263 to %scan3A_265 step %scan3A_266 iter_args(%scan3A_307 = %scan3A_262) -> (i32)  : i32 {
      %rem3A_308 = arith.constant 2 : i32
      %rem3A_309 = arith.remsi %scan3A_306, %rem3A_308 : i32
      %sub3A = arith.constant 1 : i32
      %sub3A_310 = arith.subi %sub3A, %rem3A_309 : i32
      %rem3A_311 = arith.constant 4 : i32
      %rem3A_312 = arith.remsi %scan3A_306, %rem3A_311 : i32
      %add3A_313 = arith.constant 1 : i32
      %add3A_314 = arith.addi %scan3A_306, %add3A_313 : i32
      %lt3A = arith.constant 157 : i32
      %lt3A_315 = arith.cmpi slt, %add3A_314, %lt3A : i32
      %convert_element_type3A_316 = arith.extui %lt3A_315 : i1 to i32
      %cond3A_317 = arith.constant 0 : i32
      %cond3A_318 = arith.cmpi ne, %convert_element_type3A_316, %cond3A_317 : i32
      scf.if %cond3A_318 {
        %add3A_476 = arith.constant 1 : i32
        %add3A_477 = arith.addi %scan3A_306, %add3A_476 : i32
        %rem3A_478 = arith.constant 4 : i32
        %rem3A_479 = arith.remsi %add3A_477, %rem3A_478 : i32
        %dma_wait3A_480 = arith.constant 0 : i32
        %dma_wait3A_481 = tpu.memref_slice %arg7[%rem3A_479, %dma_wait3A_480] : memref<4x128xi32, #tpu.memory_space<vmem>> -> memref<1x128xi32, #tpu.memory_space<vmem>>
        %dma_wait3A_482 = tpu.memref_squeeze %dma_wait3A_481 : memref<1x128xi32, #tpu.memory_space<vmem>> -> memref<128xi32, #tpu.memory_space<vmem>>
        %dma_wait3A_483 = arith.constant 0 : i32
        %dma_wait3A_484 = tpu.memref_slice %arg3[%dma_wait3A_483] : memref<321536xi32, #tpu.memory_space<hbm>> -> memref<128xi32, #tpu.memory_space<hbm>>
        %dma_wait3A_485 = arith.constant 0 : i32
        %dma_wait3A_486 = tpu.memref_slice %arg7[%rem3A_479, %dma_wait3A_485] : memref<4x128xi32, #tpu.memory_space<vmem>> -> memref<1x128xi32, #tpu.memory_space<vmem>>
        %dma_wait3A_487 = tpu.memref_squeeze %dma_wait3A_486 : memref<1x128xi32, #tpu.memory_space<vmem>> -> memref<128xi32, #tpu.memory_space<vmem>>
        %dma_wait3A_488 = arith.constant 0 : i32
        %dma_wait3A_489 = tpu.memref_slice %arg3[%dma_wait3A_488] : memref<321536xi32, #tpu.memory_space<hbm>> -> memref<128xi32, #tpu.memory_space<hbm>>
        tpu.wait_dma2 semaphore(%arg16 : memref<!tpu.dma_semaphore, #tpu.memory_space<semaphore_mem>>) src(%dma_wait3A_489 : memref<128xi32, #tpu.memory_space<hbm>>) dst(%dma_wait3A_487 : memref<128xi32, #tpu.memory_space<vmem>>)
        %add3A_490 = arith.constant 1 : i32
        %add3A_491 = arith.addi %scan3A_306, %add3A_490 : i32
        %add3A_492 = arith.constant 1 : i32
        %add3A_493 = arith.addi %scan3A_306, %add3A_492 : i32
        %rem3A_494 = arith.constant 4 : i32
        %rem3A_495 = arith.remsi %add3A_493, %rem3A_494 : i32
        %rem3A_496 = arith.constant 2 : i32
        %rem3A_497 = arith.remsi %add3A_491, %rem3A_496 : i32
        %get3A_498 = arith.index_cast %rem3A_495 : i32 to index
        %get3A_499 = arith.constant 0 : index
        %get3A_500 = tpu.vector_load %arg7[%get3A_498, %get3A_499] {strides = array<i32>} : memref<4x128xi32, #tpu.memory_space<vmem>>, vector<1x16xi32>,
        %get3A_501 = vector.shape_cast %get3A_500 : vector<1x16xi32> to vector<16xi32>
        %and3A_502 = arith.andi %get3A_501, %broadcast_in_dim3A_41 : vector<16xi32>
        %mul3A_503 = arith.constant 2 : i32
        %mul3A_504 = vector.broadcast %mul3A_503 : i32 to vector<16xi32>
        %mul3A_505 = arith.muli %and3A_502, %mul3A_504 : vector<16xi32>
        %add3A_506 = vector.broadcast %arg0 : i32 to vector<16xi32>
        %add3A_507 = arith.addi %mul3A_505, %add3A_506 : vector<16xi32>
        %swap3A_508 = arith.index_cast %rem3A_495 : i32 to index
        %swap3A_509 = arith.constant 0 : index
        %swap3A_510 = tpu.vector_load %arg8[%swap3A_508, %swap3A_509] {strides = array<i32>} : memref<4x128xi32, #tpu.memory_space<vmem>>, vector<1x16xi32>,
        %swap3A_511 = vector.shape_cast %swap3A_510 : vector<1x16xi32> to vector<16xi32>
        %swap3A_512 = vector.shape_cast %add3A_507 : vector<16xi32> to vector<1x16xi32>
        tpu.vector_store %arg8[%swap3A_508, %swap3A_509], %swap3A_512 {strides = array<i32>} : memref<4x128xi32, #tpu.memory_space<vmem>>, vector<1x16xi32>,
        %get3A_513 = arith.index_cast %rem3A_495 : i32 to index
        %get3A_514 = arith.constant 16 : index
        %get3A_515 = tpu.vector_load %arg7[%get3A_513, %get3A_514] {strides = array<i32>} : memref<4x128xi32, #tpu.memory_space<vmem>>, vector<1x16xi32>,
        %get3A_516 = vector.shape_cast %get3A_515 : vector<1x16xi32> to vector<16xi32>
        %and3A_517 = arith.andi %get3A_516, %broadcast_in_dim3A_41 : vector<16xi32>
        %mul3A_518 = arith.constant 2 : i32
        %mul3A_519 = vector.broadcast %mul3A_518 : i32 to vector<16xi32>
        %mul3A_520 = arith.muli %and3A_517, %mul3A_519 : vector<16xi32>
        %add3A_521 = vector.broadcast %arg0 : i32 to vector<16xi32>
        %add3A_522 = arith.addi %mul3A_520, %add3A_521 : vector<16xi32>
        %swap3A_523 = arith.index_cast %rem3A_495 : i32 to index
        %swap3A_524 = arith.constant 16 : index
        %swap3A_525 = tpu.vector_load %arg8[%swap3A_523, %swap3A_524] {strides = array<i32>} : memref<4x128xi32, #tpu.memory_space<vmem>>, vector<1x16xi32>,
        %swap3A_526 = vector.shape_cast %swap3A_525 : vector<1x16xi32> to vector<16xi32>
        %swap3A_527 = vector.shape_cast %add3A_522 : vector<16xi32> to vector<1x16xi32>
        tpu.vector_store %arg8[%swap3A_523, %swap3A_524], %swap3A_527 {strides = array<i32>} : memref<4x128xi32, #tpu.memory_space<vmem>>, vector<1x16xi32>,
        %get3A_528 = arith.index_cast %rem3A_495 : i32 to index
        %get3A_529 = arith.constant 32 : index
        %get3A_530 = tpu.vector_load %arg7[%get3A_528, %get3A_529] {strides = array<i32>} : memref<4x128xi32, #tpu.memory_space<vmem>>, vector<1x16xi32>,
        %get3A_531 = vector.shape_cast %get3A_530 : vector<1x16xi32> to vector<16xi32>
        %and3A_532 = arith.andi %get3A_531, %broadcast_in_dim3A_41 : vector<16xi32>
        %mul3A_533 = arith.constant 2 : i32
        %mul3A_534 = vector.broadcast %mul3A_533 : i32 to vector<16xi32>
        %mul3A_535 = arith.muli %and3A_532, %mul3A_534 : vector<16xi32>
        %add3A_536 = vector.broadcast %arg0 : i32 to vector<16xi32>
        %add3A_537 = arith.addi %mul3A_535, %add3A_536 : vector<16xi32>
        %swap3A_538 = arith.index_cast %rem3A_495 : i32 to index
        %swap3A_539 = arith.constant 32 : index
        %swap3A_540 = tpu.vector_load %arg8[%swap3A_538, %swap3A_539] {strides = array<i32>} : memref<4x128xi32, #tpu.memory_space<vmem>>, vector<1x16xi32>,
        %swap3A_541 = vector.shape_cast %swap3A_540 : vector<1x16xi32> to vector<16xi32>
        %swap3A_542 = vector.shape_cast %add3A_537 : vector<16xi32> to vector<1x16xi32>
        tpu.vector_store %arg8[%swap3A_538, %swap3A_539], %swap3A_542 {strides = array<i32>} : memref<4x128xi32, #tpu.memory_space<vmem>>, vector<1x16xi32>,
        %get3A_543 = arith.index_cast %rem3A_495 : i32 to index
        %get3A_544 = arith.constant 48 : index
        %get3A_545 = tpu.vector_load %arg7[%get3A_543, %get3A_544] {strides = array<i32>} : memref<4x128xi32, #tpu.memory_space<vmem>>, vector<1x16xi32>,
        %get3A_546 = vector.shape_cast %get3A_545 : vector<1x16xi32> to vector<16xi32>
        %and3A_547 = arith.andi %get3A_546, %broadcast_in_dim3A_41 : vector<16xi32>
        %mul3A_548 = arith.constant 2 : i32
        %mul3A_549 = vector.broadcast %mul3A_548 : i32 to vector<16xi32>
        %mul3A_550 = arith.muli %and3A_547, %mul3A_549 : vector<16xi32>
        %add3A_551 = vector.broadcast %arg0 : i32 to vector<16xi32>
        %add3A_552 = arith.addi %mul3A_550, %add3A_551 : vector<16xi32>
        %swap3A_553 = arith.index_cast %rem3A_495 : i32 to index
        %swap3A_554 = arith.constant 48 : index
        %swap3A_555 = tpu.vector_load %arg8[%swap3A_553, %swap3A_554] {strides = array<i32>} : memref<4x128xi32, #tpu.memory_space<vmem>>, vector<1x16xi32>,
        %swap3A_556 = vector.shape_cast %swap3A_555 : vector<1x16xi32> to vector<16xi32>
        %swap3A_557 = vector.shape_cast %add3A_552 : vector<16xi32> to vector<1x16xi32>
        tpu.vector_store %arg8[%swap3A_553, %swap3A_554], %swap3A_557 {strides = array<i32>} : memref<4x128xi32, #tpu.memory_space<vmem>>, vector<1x16xi32>,
        %get3A_558 = arith.index_cast %rem3A_495 : i32 to index
        %get3A_559 = arith.constant 64 : index
        %get3A_560 = tpu.vector_load %arg7[%get3A_558, %get3A_559] {strides = array<i32>} : memref<4x128xi32, #tpu.memory_space<vmem>>, vector<1x16xi32>,
        %get3A_561 = vector.shape_cast %get3A_560 : vector<1x16xi32> to vector<16xi32>
        %and3A_562 = arith.andi %get3A_561, %broadcast_in_dim3A_41 : vector<16xi32>
        %mul3A_563 = arith.constant 2 : i32
        %mul3A_564 = vector.broadcast %mul3A_563 : i32 to vector<16xi32>
        %mul3A_565 = arith.muli %and3A_562, %mul3A_564 : vector<16xi32>
        %add3A_566 = vector.broadcast %arg0 : i32 to vector<16xi32>
        %add3A_567 = arith.addi %mul3A_565, %add3A_566 : vector<16xi32>
        %swap3A_568 = arith.index_cast %rem3A_495 : i32 to index
        %swap3A_569 = arith.constant 64 : index
        %swap3A_570 = tpu.vector_load %arg8[%swap3A_568, %swap3A_569] {strides = array<i32>} : memref<4x128xi32, #tpu.memory_space<vmem>>, vector<1x16xi32>,
        %swap3A_571 = vector.shape_cast %swap3A_570 : vector<1x16xi32> to vector<16xi32>
        %swap3A_572 = vector.shape_cast %add3A_567 : vector<16xi32> to vector<1x16xi32>
        tpu.vector_store %arg8[%swap3A_568, %swap3A_569], %swap3A_572 {strides = array<i32>} : memref<4x128xi32, #tpu.memory_space<vmem>>, vector<1x16xi32>,
        %get3A_573 = arith.index_cast %rem3A_495 : i32 to index
        %get3A_574 = arith.constant 80 : index
        %get3A_575 = tpu.vector_load %arg7[%get3A_573, %get3A_574] {strides = array<i32>} : memref<4x128xi32, #tpu.memory_space<vmem>>, vector<1x16xi32>,
        %get3A_576 = vector.shape_cast %get3A_575 : vector<1x16xi32> to vector<16xi32>
        %and3A_577 = arith.andi %get3A_576, %broadcast_in_dim3A_41 : vector<16xi32>
        %mul3A_578 = arith.constant 2 : i32
        %mul3A_579 = vector.broadcast %mul3A_578 : i32 to vector<16xi32>
        %mul3A_580 = arith.muli %and3A_577, %mul3A_579 : vector<16xi32>
        %add3A_581 = vector.broadcast %arg0 : i32 to vector<16xi32>
        %add3A_582 = arith.addi %mul3A_580, %add3A_581 : vector<16xi32>
        %swap3A_583 = arith.index_cast %rem3A_495 : i32 to index
        %swap3A_584 = arith.constant 80 : index
        %swap3A_585 = tpu.vector_load %arg8[%swap3A_583, %swap3A_584] {strides = array<i32>} : memref<4x128xi32, #tpu.memory_space<vmem>>, vector<1x16xi32>,
        %swap3A_586 = vector.shape_cast %swap3A_585 : vector<1x16xi32> to vector<16xi32>
        %swap3A_587 = vector.shape_cast %add3A_582 : vector<16xi32> to vector<1x16xi32>
        tpu.vector_store %arg8[%swap3A_583, %swap3A_584], %swap3A_587 {strides = array<i32>} : memref<4x128xi32, #tpu.memory_space<vmem>>, vector<1x16xi32>,
        %get3A_588 = arith.index_cast %rem3A_495 : i32 to index
        %get3A_589 = arith.constant 96 : index
        %get3A_590 = tpu.vector_load %arg7[%get3A_588, %get3A_589] {strides = array<i32>} : memref<4x128xi32, #tpu.memory_space<vmem>>, vector<1x16xi32>,
        %get3A_591 = vector.shape_cast %get3A_590 : vector<1x16xi32> to vector<16xi32>
        %and3A_592 = arith.andi %get3A_591, %broadcast_in_dim3A_41 : vector<16xi32>
        %mul3A_593 = arith.constant 2 : i32
        %mul3A_594 = vector.broadcast %mul3A_593 : i32 to vector<16xi32>
        %mul3A_595 = arith.muli %and3A_592, %mul3A_594 : vector<16xi32>
        %add3A_596 = vector.broadcast %arg0 : i32 to vector<16xi32>
        %add3A_597 = arith.addi %mul3A_595, %add3A_596 : vector<16xi32>
        %swap3A_598 = arith.index_cast %rem3A_495 : i32 to index
        %swap3A_599 = arith.constant 96 : index
        %swap3A_600 = tpu.vector_load %arg8[%swap3A_598, %swap3A_599] {strides = array<i32>} : memref<4x128xi32, #tpu.memory_space<vmem>>, vector<1x16xi32>,
        %swap3A_601 = vector.shape_cast %swap3A_600 : vector<1x16xi32> to vector<16xi32>
        %swap3A_602 = vector.shape_cast %add3A_597 : vector<16xi32> to vector<1x16xi32>
        tpu.vector_store %arg8[%swap3A_598, %swap3A_599], %swap3A_602 {strides = array<i32>} : memref<4x128xi32, #tpu.memory_space<vmem>>, vector<1x16xi32>,
        %get3A_603 = arith.index_cast %rem3A_495 : i32 to index
        %get3A_604 = arith.constant 112 : index
        %get3A_605 = tpu.vector_load %arg7[%get3A_603, %get3A_604] {strides = array<i32>} : memref<4x128xi32, #tpu.memory_space<vmem>>, vector<1x16xi32>,
        %get3A_606 = vector.shape_cast %get3A_605 : vector<1x16xi32> to vector<16xi32>
        %and3A_607 = arith.andi %get3A_606, %broadcast_in_dim3A_41 : vector<16xi32>
        %mul3A_608 = arith.constant 2 : i32
        %mul3A_609 = vector.broadcast %mul3A_608 : i32 to vector<16xi32>
        %mul3A_610 = arith.muli %and3A_607, %mul3A_609 : vector<16xi32>
        %add3A_611 = vector.broadcast %arg0 : i32 to vector<16xi32>
        %add3A_612 = arith.addi %mul3A_610, %add3A_611 : vector<16xi32>
        %swap3A_613 = arith.index_cast %rem3A_495 : i32 to index
        %swap3A_614 = arith.constant 112 : index
        %swap3A_615 = tpu.vector_load %arg8[%swap3A_613, %swap3A_614] {strides = array<i32>} : memref<4x128xi32, #tpu.memory_space<vmem>>, vector<1x16xi32>,
        %swap3A_616 = vector.shape_cast %swap3A_615 : vector<1x16xi32> to vector<16xi32>
        %swap3A_617 = vector.shape_cast %add3A_612 : vector<16xi32> to vector<1x16xi32>
        tpu.vector_store %arg8[%swap3A_613, %swap3A_614], %swap3A_617 {strides = array<i32>} : memref<4x128xi32, #tpu.memory_space<vmem>>, vector<1x16xi32>,
        %mul3A_618 = arith.constant 157 : i32
        %mul3A_619 = arith.muli %arg1, %mul3A_618 : i32
        %add3A_620 = arith.addi %mul3A_619, %add3A_491 : i32
        %mul3A_621 = arith.constant 128 : i32
        %mul3A_622 = arith.muli %add3A_620, %mul3A_621 : i32
        %dma_start3A_623 = arith.constant 0 : i32
        %dma_start3A_624 = arith.constant 0 : i32
        %dma_start3A_625 = tpu.memref_slice %arg10[%rem3A_497, %dma_start3A_623, %dma_start3A_624] : memref<2x128x64xf32, #tpu.memory_space<vmem>> -> memref<1x128x64xf32, #tpu.memory_space<vmem>>
        %dma_start3A_626 = tpu.memref_squeeze %dma_start3A_625 : memref<1x128x64xf32, #tpu.memory_space<vmem>> -> memref<128x64xf32, #tpu.memory_space<vmem>>
        %dma_start3A_627 = arith.constant 0 : i32
        %dma_start3A_628 = tpu.memref_slice %arg8[%rem3A_495, %dma_start3A_627] : memref<4x128xi32, #tpu.memory_space<vmem>> -> memref<1x128xi32, #tpu.memory_space<vmem>>
        %dma_start3A_629 = tpu.memref_squeeze %dma_start3A_628 : memref<1x128xi32, #tpu.memory_space<vmem>> -> memref<128xi32, #tpu.memory_space<vmem>>
        %dma_start3A_630 = arith.constant 0 : i32
        %dma_start3A_631 = arith.constant 0 : i32
        %dma_start3A_632 = tpu.memref_slice %arg2[%dma_start3A_630, %dma_start3A_631] : memref<20000x64xf32, #tpu.memory_space<hbm>> -> memref<20000x64xf32, #tpu.memory_space<hbm>>
        tpu.enqueue_indirect_dma source(%dma_start3A_632 : memref<20000x64xf32, #tpu.memory_space<hbm>>) target(%dma_start3A_626 : memref<128x64xf32, #tpu.memory_space<vmem>>) offsets(%dma_start3A_629 : memref<128xi32, #tpu.memory_space<vmem>>) semaphore(%arg17 : memref<!tpu.dma_semaphore, #tpu.memory_space<semaphore_mem>>)
        %dma_start3A_633 = arith.constant 0 : i32
        %dma_start3A_634 = arith.constant 0 : i32
        %dma_start3A_635 = tpu.memref_slice %arg11[%rem3A_497, %dma_start3A_633, %dma_start3A_634] : memref<2x128x64xf32, #tpu.memory_space<vmem>> -> memref<1x128x64xf32, #tpu.memory_space<vmem>>
        %dma_start3A_636 = tpu.memref_squeeze %dma_start3A_635 : memref<1x128x64xf32, #tpu.memory_space<vmem>> -> memref<128x64xf32, #tpu.memory_space<vmem>>
        %dma_start3A_637 = arith.constant 0 : i32
        %dma_start3A_638 = tpu.memref_slice %arg4[%arg0, %mul3A_622, %dma_start3A_637] : memref<2x321536x64xf32, #tpu.memory_space<hbm>> -> memref<1x128x64xf32, #tpu.memory_space<hbm>>
        %dma_start3A_639 = tpu.memref_squeeze %dma_start3A_638 : memref<1x128x64xf32, #tpu.memory_space<hbm>> -> memref<128x64xf32, #tpu.memory_space<hbm>>
        %dma_start3A_640 = arith.constant 0 : i32
        %dma_start3A_641 = arith.constant 0 : i32
        %dma_start3A_642 = tpu.memref_slice %arg11[%rem3A_497, %dma_start3A_640, %dma_start3A_641] : memref<2x128x64xf32, #tpu.memory_space<vmem>> -> memref<1x128x64xf32, #tpu.memory_space<vmem>>
        %dma_start3A_643 = tpu.memref_squeeze %dma_start3A_642 : memref<1x128x64xf32, #tpu.memory_space<vmem>> -> memref<128x64xf32, #tpu.memory_space<vmem>>
        %dma_start3A_644 = arith.constant 0 : i32
        %dma_start3A_645 = tpu.memref_slice %arg4[%arg0, %mul3A_622, %dma_start3A_644] : memref<2x321536x64xf32, #tpu.memory_space<hbm>> -> memref<1x128x64xf32, #tpu.memory_space<hbm>>
        %dma_start3A_646 = tpu.memref_squeeze %dma_start3A_645 : memref<1x128x64xf32, #tpu.memory_space<hbm>> -> memref<128x64xf32, #tpu.memory_space<hbm>>
        tpu.enqueue_dma source(%dma_start3A_646 : memref<128x64xf32, #tpu.memory_space<hbm>>) target(%dma_start3A_643 : memref<128x64xf32, #tpu.memory_space<vmem>>) target_semaphore(%arg18 : memref<!tpu.dma_semaphore, #tpu.memory_space<semaphore_mem>>)
      } else {
      }
      %rem3A_319 = arith.constant 2 : i32
      %rem3A_320 = arith.remsi %rem3A_312, %rem3A_319 : i32
      %dma_wait3A_321 = arith.constant 0 : i32
      %dma_wait3A_322 = arith.constant 0 : i32
      %dma_wait3A_323 = tpu.memref_slice %arg10[%rem3A_320, %dma_wait3A_321, %dma_wait3A_322] : memref<2x128x64xf32, #tpu.memory_space<vmem>> -> memref<1x128x64xf32, #tpu.memory_space<vmem>>
      %dma_wait3A_324 = tpu.memref_squeeze %dma_wait3A_323 : memref<1x128x64xf32, #tpu.memory_space<vmem>> -> memref<128x64xf32, #tpu.memory_space<vmem>>
      %dma_wait3A_325 = arith.constant 0 : i32
      %dma_wait3A_326 = tpu.memref_slice %arg8[%rem3A_312, %dma_wait3A_325] : memref<4x128xi32, #tpu.memory_space<vmem>> -> memref<1x128xi32, #tpu.memory_space<vmem>>
      %dma_wait3A_327 = tpu.memref_squeeze %dma_wait3A_326 : memref<1x128xi32, #tpu.memory_space<vmem>> -> memref<128xi32, #tpu.memory_space<vmem>>
      %dma_wait3A_328 = arith.constant 0 : i32
      %dma_wait3A_329 = arith.constant 0 : i32
      %dma_wait3A_330 = tpu.memref_slice %arg2[%dma_wait3A_328, %dma_wait3A_329] : memref<20000x64xf32, #tpu.memory_space<hbm>> -> memref<20000x64xf32, #tpu.memory_space<hbm>>
      tpu.wait_indirect_dma semaphore(%arg17 : memref<!tpu.dma_semaphore, #tpu.memory_space<semaphore_mem>>) src(%dma_wait3A_330 : memref<20000x64xf32, #tpu.memory_space<hbm>>) dst(%dma_wait3A_324 : memref<128x64xf32, #tpu.memory_space<vmem>>)
      %dma_wait3A_331 = arith.constant 0 : i32
      %dma_wait3A_332 = arith.constant 0 : i32
      %dma_wait3A_333 = tpu.memref_slice %arg11[%rem3A_320, %dma_wait3A_331, %dma_wait3A_332] : memref<2x128x64xf32, #tpu.memory_space<vmem>> -> memref<1x128x64xf32, #tpu.memory_space<vmem>>
      %dma_wait3A_334 = tpu.memref_squeeze %dma_wait3A_333 : memref<1x128x64xf32, #tpu.memory_space<vmem>> -> memref<128x64xf32, #tpu.memory_space<vmem>>
      %dma_wait3A_335 = arith.constant 0 : i32
      %dma_wait3A_336 = arith.constant 0 : i32
      %dma_wait3A_337 = tpu.memref_slice %arg4[%arg0, %dma_wait3A_335, %dma_wait3A_336] : memref<2x321536x64xf32, #tpu.memory_space<hbm>> -> memref<1x128x64xf32, #tpu.memory_space<hbm>>
      %dma_wait3A_338 = tpu.memref_squeeze %dma_wait3A_337 : memref<1x128x64xf32, #tpu.memory_space<hbm>> -> memref<128x64xf32, #tpu.memory_space<hbm>>
      %dma_wait3A_339 = arith.constant 0 : i32
      %dma_wait3A_340 = arith.constant 0 : i32
      %dma_wait3A_341 = tpu.memref_slice %arg11[%rem3A_320, %dma_wait3A_339, %dma_wait3A_340] : memref<2x128x64xf32, #tpu.memory_space<vmem>> -> memref<1x128x64xf32, #tpu.memory_space<vmem>>
      %dma_wait3A_342 = tpu.memref_squeeze %dma_wait3A_341 : memref<1x128x64xf32, #tpu.memory_space<vmem>> -> memref<128x64xf32, #tpu.memory_space<vmem>>
      %dma_wait3A_343 = arith.constant 0 : i32
      %dma_wait3A_344 = arith.constant 0 : i32
      %dma_wait3A_345 = tpu.memref_slice %arg4[%arg0, %dma_wait3A_343, %dma_wait3A_344] : memref<2x321536x64xf32, #tpu.memory_space<hbm>> -> memref<1x128x64xf32, #tpu.memory_space<hbm>>
      %dma_wait3A_346 = tpu.memref_squeeze %dma_wait3A_345 : memref<1x128x64xf32, #tpu.memory_space<hbm>> -> memref<128x64xf32, #tpu.memory_space<hbm>>
      tpu.wait_dma2 semaphore(%arg18 : memref<!tpu.dma_semaphore, #tpu.memory_space<semaphore_mem>>) src(%dma_wait3A_346 : memref<128x64xf32, #tpu.memory_space<hbm>>) dst(%dma_wait3A_342 : memref<128x64xf32, #tpu.memory_space<vmem>>)
      %ge3A = arith.constant 2 : i32
      %ge3A_347 = arith.cmpi sge, %scan3A_306, %ge3A : i32
      %convert_element_type3A_348 = arith.extui %ge3A_347 : i1 to i32
      %cond3A_349 = arith.constant 0 : i32
      %cond3A_350 = arith.cmpi ne, %convert_element_type3A_348, %cond3A_349 : i32
      scf.if %cond3A_350 {
        %dma_wait3A_476 = arith.constant 0 : i32
        %dma_wait3A_477 = arith.constant 0 : i32
        %dma_wait3A_478 = tpu.memref_slice %arg12[%rem3A_309, %dma_wait3A_476, %dma_wait3A_477] : memref<2x128x64xf32, #tpu.memory_space<vmem>> -> memref<1x128x64xf32, #tpu.memory_space<vmem>>
        %dma_wait3A_479 = tpu.memref_squeeze %dma_wait3A_478 : memref<1x128x64xf32, #tpu.memory_space<vmem>> -> memref<128x64xf32, #tpu.memory_space<vmem>>
        %dma_wait3A_480 = arith.constant 0 : i32
        %dma_wait3A_481 = tpu.memref_slice %arg9[%rem3A_309, %dma_wait3A_480] : memref<2x128xi32, #tpu.memory_space<vmem>> -> memref<1x128xi32, #tpu.memory_space<vmem>>
        %dma_wait3A_482 = tpu.memref_squeeze %dma_wait3A_481 : memref<1x128xi32, #tpu.memory_space<vmem>> -> memref<128xi32, #tpu.memory_space<vmem>>
        %dma_wait3A_483 = arith.constant 0 : i32
        %dma_wait3A_484 = arith.constant 0 : i32
        %dma_wait3A_485 = tpu.memref_slice %arg14[%dma_wait3A_483, %dma_wait3A_484] : memref<10240x64xf32, #tpu.memory_space<vmem_shared>> -> memref<10240x64xf32, #tpu.memory_space<vmem_shared>>
        tpu.wait_indirect_dma semaphore(%arg19 : memref<!tpu.dma_semaphore, #tpu.memory_space<semaphore_mem>>) src(%dma_wait3A_479 : memref<128x64xf32, #tpu.memory_space<vmem>>) dst(%dma_wait3A_485 : memref<10240x64xf32, #tpu.memory_space<vmem_shared>>)
        %eq3A_486 = arith.constant 0 : i32
        %eq3A_487 = arith.cmpi eq, %arg0, %eq3A_486 : i32
        %convert_element_type3A_488 = arith.extui %eq3A_487 : i1 to i32
        %cond3A_489 = arith.constant 0 : i32
        %cond3A_490 = arith.cmpi ne, %convert_element_type3A_488, %cond3A_489 : i32
        scf.if %cond3A_490 {
          %dma_wait3A_491 = arith.constant 0 : i32
          %dma_wait3A_492 = tpu.memref_slice %arg9[%rem3A_309, %dma_wait3A_491] : memref<2x128xi32, #tpu.memory_space<vmem>> -> memref<1x128xi32, #tpu.memory_space<vmem>>
          %dma_wait3A_493 = tpu.memref_squeeze %dma_wait3A_492 : memref<1x128xi32, #tpu.memory_space<vmem>> -> memref<128xi32, #tpu.memory_space<vmem>>
          %dma_wait3A_494 = arith.constant 0 : i32
          %dma_wait3A_495 = arith.constant 0 : i32
          %dma_wait3A_496 = tpu.memref_slice %arg15[%dma_wait3A_494, %dma_wait3A_495] : memref<10240x16xf32, #tpu.memory_space<vmem_shared>> -> memref<10240x16xf32, #tpu.memory_space<vmem_shared>>
          tpu.wait_indirect_dma semaphore(%arg20 : memref<!tpu.dma_semaphore, #tpu.memory_space<semaphore_mem>>) src(%arg13 : memref<128x16xf32, #tpu.memory_space<vmem>>) dst(%dma_wait3A_496 : memref<10240x16xf32, #tpu.memory_space<vmem_shared>>)
        } else {
        }
      } else {
      }
      %scan3A_351 = arith.constant 0 : i32
      %scan3A_352 = arith.constant 0 : i32
      %scan3A_353 = arith.constant 8 : i32
      %scan3A_354 = arith.addi %scan3A_352, %scan3A_353 : i32
      %scan3A_355 = arith.constant 1 : i32
      %scan3A_356 = scf.for %scan3A_476 = %scan3A_352 to %scan3A_354 step %scan3A_355 iter_args(%scan3A_477 = %scan3A_351) -> (i32)  : i32 {
        %mul3A_478 = arith.constant 16 : i32
        %mul3A_479 = arith.muli %scan3A_476, %mul3A_478 : i32
        %add3A_480 = arith.constant 0 : i32
        %add3A_481 = arith.addi %mul3A_479, %add3A_480 : i32
        %get3A_482 = arith.index_cast %rem3A_309 : i32 to index
        %get3A_483 = arith.index_cast %add3A_481 : i32 to index
        %get3A_484 = arith.constant 0 : index
        %get3A_485 = tpu.vector_load %arg10[%get3A_482, %get3A_483, %get3A_484] {strides = array<i32>} : memref<2x128x64xf32, #tpu.memory_space<vmem>>, vector<1x1x16xf32>,
        %get3A_486 = vector.shape_cast %get3A_485 : vector<1x1x16xf32> to vector<16xf32>
        %get3A_487 = arith.index_cast %rem3A_309 : i32 to index
        %get3A_488 = arith.index_cast %add3A_481 : i32 to index
        %get3A_489 = arith.constant 0 : index
        %get3A_490 = tpu.vector_load %arg11[%get3A_487, %get3A_488, %get3A_489] {strides = array<i32>} : memref<2x128x64xf32, #tpu.memory_space<vmem>>, vector<1x1x16xf32>,
        %get3A_491 = vector.shape_cast %get3A_490 : vector<1x1x16xf32> to vector<16xf32>
        %mul3A_492 = arith.mulf %get3A_486, %get3A_491 : vector<16xf32>
        %swap3A_493 = arith.index_cast %rem3A_309 : i32 to index
        %swap3A_494 = arith.index_cast %add3A_481 : i32 to index
        %swap3A_495 = arith.constant 0 : index
        %swap3A_496 = tpu.vector_load %arg12[%swap3A_493, %swap3A_494, %swap3A_495] {strides = array<i32>} : memref<2x128x64xf32, #tpu.memory_space<vmem>>, vector<1x1x16xf32>,
        %swap3A_497 = vector.shape_cast %swap3A_496 : vector<1x1x16xf32> to vector<16xf32>
        %swap3A_498 = vector.shape_cast %mul3A_492 : vector<16xf32> to vector<1x1x16xf32>
        tpu.vector_store %arg12[%swap3A_493, %swap3A_494, %swap3A_495], %swap3A_498 {strides = array<i32>} : memref<2x128x64xf32, #tpu.memory_space<vmem>>, vector<1x1x16xf32>,
        %get3A_499 = arith.index_cast %rem3A_309 : i32 to index
        %get3A_500 = arith.index_cast %add3A_481 : i32 to index
        %get3A_501 = arith.constant 16 : index
        %get3A_502 = tpu.vector_load %arg10[%get3A_499, %get3A_500, %get3A_501] {strides = array<i32>} : memref<2x128x64xf32, #tpu.memory_space<vmem>>, vector<1x1x16xf32>,
        %get3A_503 = vector.shape_cast %get3A_502 : vector<1x1x16xf32> to vector<16xf32>
        %get3A_504 = arith.index_cast %rem3A_309 : i32 to index
        %get3A_505 = arith.index_cast %add3A_481 : i32 to index
        %get3A_506 = arith.constant 16 : index
        %get3A_507 = tpu.vector_load %arg11[%get3A_504, %get3A_505, %get3A_506] {strides = array<i32>} : memref<2x128x64xf32, #tpu.memory_space<vmem>>, vector<1x1x16xf32>,
        %get3A_508 = vector.shape_cast %get3A_507 : vector<1x1x16xf32> to vector<16xf32>
        %mul3A_509 = arith.mulf %get3A_503, %get3A_508 : vector<16xf32>
        %swap3A_510 = arith.index_cast %rem3A_309 : i32 to index
        %swap3A_511 = arith.index_cast %add3A_481 : i32 to index
        %swap3A_512 = arith.constant 16 : index
        %swap3A_513 = tpu.vector_load %arg12[%swap3A_510, %swap3A_511, %swap3A_512] {strides = array<i32>} : memref<2x128x64xf32, #tpu.memory_space<vmem>>, vector<1x1x16xf32>,
        %swap3A_514 = vector.shape_cast %swap3A_513 : vector<1x1x16xf32> to vector<16xf32>
        %swap3A_515 = vector.shape_cast %mul3A_509 : vector<16xf32> to vector<1x1x16xf32>
        tpu.vector_store %arg12[%swap3A_510, %swap3A_511, %swap3A_512], %swap3A_515 {strides = array<i32>} : memref<2x128x64xf32, #tpu.memory_space<vmem>>, vector<1x1x16xf32>,
        %get3A_516 = arith.index_cast %rem3A_309 : i32 to index
        %get3A_517 = arith.index_cast %add3A_481 : i32 to index
        %get3A_518 = arith.constant 32 : index
        %get3A_519 = tpu.vector_load %arg10[%get3A_516, %get3A_517, %get3A_518] {strides = array<i32>} : memref<2x128x64xf32, #tpu.memory_space<vmem>>, vector<1x1x16xf32>,
        %get3A_520 = vector.shape_cast %get3A_519 : vector<1x1x16xf32> to vector<16xf32>
        %get3A_521 = arith.index_cast %rem3A_309 : i32 to index
        %get3A_522 = arith.index_cast %add3A_481 : i32 to index
        %get3A_523 = arith.constant 32 : index
        %get3A_524 = tpu.vector_load %arg11[%get3A_521, %get3A_522, %get3A_523] {strides = array<i32>} : memref<2x128x64xf32, #tpu.memory_space<vmem>>, vector<1x1x16xf32>,
        %get3A_525 = vector.shape_cast %get3A_524 : vector<1x1x16xf32> to vector<16xf32>
        %mul3A_526 = arith.mulf %get3A_520, %get3A_525 : vector<16xf32>
        %swap3A_527 = arith.index_cast %rem3A_309 : i32 to index
        %swap3A_528 = arith.index_cast %add3A_481 : i32 to index
        %swap3A_529 = arith.constant 32 : index
        %swap3A_530 = tpu.vector_load %arg12[%swap3A_527, %swap3A_528, %swap3A_529] {strides = array<i32>} : memref<2x128x64xf32, #tpu.memory_space<vmem>>, vector<1x1x16xf32>,
        %swap3A_531 = vector.shape_cast %swap3A_530 : vector<1x1x16xf32> to vector<16xf32>
        %swap3A_532 = vector.shape_cast %mul3A_526 : vector<16xf32> to vector<1x1x16xf32>
        tpu.vector_store %arg12[%swap3A_527, %swap3A_528, %swap3A_529], %swap3A_532 {strides = array<i32>} : memref<2x128x64xf32, #tpu.memory_space<vmem>>, vector<1x1x16xf32>,
        %get3A_533 = arith.index_cast %rem3A_309 : i32 to index
        %get3A_534 = arith.index_cast %add3A_481 : i32 to index
        %get3A_535 = arith.constant 48 : index
        %get3A_536 = tpu.vector_load %arg10[%get3A_533, %get3A_534, %get3A_535] {strides = array<i32>} : memref<2x128x64xf32, #tpu.memory_space<vmem>>, vector<1x1x16xf32>,
        %get3A_537 = vector.shape_cast %get3A_536 : vector<1x1x16xf32> to vector<16xf32>
        %get3A_538 = arith.index_cast %rem3A_309 : i32 to index
        %get3A_539 = arith.index_cast %add3A_481 : i32 to index
        %get3A_540 = arith.constant 48 : index
        %get3A_541 = tpu.vector_load %arg11[%get3A_538, %get3A_539, %get3A_540] {strides = array<i32>} : memref<2x128x64xf32, #tpu.memory_space<vmem>>, vector<1x1x16xf32>,
        %get3A_542 = vector.shape_cast %get3A_541 : vector<1x1x16xf32> to vector<16xf32>
        %mul3A_543 = arith.mulf %get3A_537, %get3A_542 : vector<16xf32>
        %swap3A_544 = arith.index_cast %rem3A_309 : i32 to index
        %swap3A_545 = arith.index_cast %add3A_481 : i32 to index
        %swap3A_546 = arith.constant 48 : index
        %swap3A_547 = tpu.vector_load %arg12[%swap3A_544, %swap3A_545, %swap3A_546] {strides = array<i32>} : memref<2x128x64xf32, #tpu.memory_space<vmem>>, vector<1x1x16xf32>,
        %swap3A_548 = vector.shape_cast %swap3A_547 : vector<1x1x16xf32> to vector<16xf32>
        %swap3A_549 = vector.shape_cast %mul3A_543 : vector<16xf32> to vector<1x1x16xf32>
        tpu.vector_store %arg12[%swap3A_544, %swap3A_545, %swap3A_546], %swap3A_549 {strides = array<i32>} : memref<2x128x64xf32, #tpu.memory_space<vmem>>, vector<1x1x16xf32>,
        %mul3A_550 = arith.constant 16 : i32
        %mul3A_551 = arith.muli %scan3A_476, %mul3A_550 : i32
        %add3A_552 = arith.constant 1 : i32
        %add3A_553 = arith.addi %mul3A_551, %add3A_552 : i32
        %get3A_554 = arith.index_cast %rem3A_309 : i32 to index
        %get3A_555 = arith.index_cast %add3A_553 : i32 to index
        %get3A_556 = arith.constant 0 : index
        %get3A_557 = tpu.vector_load %arg10[%get3A_554, %get3A_555, %get3A_556] {strides = array<i32>} : memref<2x128x64xf32, #tpu.memory_space<vmem>>, vector<1x1x16xf32>,
        %get3A_558 = vector.shape_cast %get3A_557 : vector<1x1x16xf32> to vector<16xf32>
        %get3A_559 = arith.index_cast %rem3A_309 : i32 to index
        %get3A_560 = arith.index_cast %add3A_553 : i32 to index
        %get3A_561 = arith.constant 0 : index
        %get3A_562 = tpu.vector_load %arg11[%get3A_559, %get3A_560, %get3A_561] {strides = array<i32>} : memref<2x128x64xf32, #tpu.memory_space<vmem>>, vector<1x1x16xf32>,
        %get3A_563 = vector.shape_cast %get3A_562 : vector<1x1x16xf32> to vector<16xf32>
        %mul3A_564 = arith.mulf %get3A_558, %get3A_563 : vector<16xf32>
        %swap3A_565 = arith.index_cast %rem3A_309 : i32 to index
        %swap3A_566 = arith.index_cast %add3A_553 : i32 to index
        %swap3A_567 = arith.constant 0 : index
        %swap3A_568 = tpu.vector_load %arg12[%swap3A_565, %swap3A_566, %swap3A_567] {strides = array<i32>} : memref<2x128x64xf32, #tpu.memory_space<vmem>>, vector<1x1x16xf32>,
        %swap3A_569 = vector.shape_cast %swap3A_568 : vector<1x1x16xf32> to vector<16xf32>
        %swap3A_570 = vector.shape_cast %mul3A_564 : vector<16xf32> to vector<1x1x16xf32>
        tpu.vector_store %arg12[%swap3A_565, %swap3A_566, %swap3A_567], %swap3A_570 {strides = array<i32>} : memref<2x128x64xf32, #tpu.memory_space<vmem>>, vector<1x1x16xf32>,
        %get3A_571 = arith.index_cast %rem3A_309 : i32 to index
        %get3A_572 = arith.index_cast %add3A_553 : i32 to index
        %get3A_573 = arith.constant 16 : index
        %get3A_574 = tpu.vector_load %arg10[%get3A_571, %get3A_572, %get3A_573] {strides = array<i32>} : memref<2x128x64xf32, #tpu.memory_space<vmem>>, vector<1x1x16xf32>,
        %get3A_575 = vector.shape_cast %get3A_574 : vector<1x1x16xf32> to vector<16xf32>
        %get3A_576 = arith.index_cast %rem3A_309 : i32 to index
        %get3A_577 = arith.index_cast %add3A_553 : i32 to index
        %get3A_578 = arith.constant 16 : index
        %get3A_579 = tpu.vector_load %arg11[%get3A_576, %get3A_577, %get3A_578] {strides = array<i32>} : memref<2x128x64xf32, #tpu.memory_space<vmem>>, vector<1x1x16xf32>,
        %get3A_580 = vector.shape_cast %get3A_579 : vector<1x1x16xf32> to vector<16xf32>
        %mul3A_581 = arith.mulf %get3A_575, %get3A_580 : vector<16xf32>
        %swap3A_582 = arith.index_cast %rem3A_309 : i32 to index
        %swap3A_583 = arith.index_cast %add3A_553 : i32 to index
        %swap3A_584 = arith.constant 16 : index
        %swap3A_585 = tpu.vector_load %arg12[%swap3A_582, %swap3A_583, %swap3A_584] {strides = array<i32>} : memref<2x128x64xf32, #tpu.memory_space<vmem>>, vector<1x1x16xf32>,
        %swap3A_586 = vector.shape_cast %swap3A_585 : vector<1x1x16xf32> to vector<16xf32>
        %swap3A_587 = vector.shape_cast %mul3A_581 : vector<16xf32> to vector<1x1x16xf32>
        tpu.vector_store %arg12[%swap3A_582, %swap3A_583, %swap3A_584], %swap3A_587 {strides = array<i32>} : memref<2x128x64xf32, #tpu.memory_space<vmem>>, vector<1x1x16xf32>,
        %get3A_588 = arith.index_cast %rem3A_309 : i32 to index
        %get3A_589 = arith.index_cast %add3A_553 : i32 to index
        %get3A_590 = arith.constant 32 : index
        %get3A_591 = tpu.vector_load %arg10[%get3A_588, %get3A_589, %get3A_590] {strides = array<i32>} : memref<2x128x64xf32, #tpu.memory_space<vmem>>, vector<1x1x16xf32>,
        %get3A_592 = vector.shape_cast %get3A_591 : vector<1x1x16xf32> to vector<16xf32>
        %get3A_593 = arith.index_cast %rem3A_309 : i32 to index
        %get3A_594 = arith.index_cast %add3A_553 : i32 to index
        %get3A_595 = arith.constant 32 : index
        %get3A_596 = tpu.vector_load %arg11[%get3A_593, %get3A_594, %get3A_595] {strides = array<i32>} : memref<2x128x64xf32, #tpu.memory_space<vmem>>, vector<1x1x16xf32>,
        %get3A_597 = vector.shape_cast %get3A_596 : vector<1x1x16xf32> to vector<16xf32>
        %mul3A_598 = arith.mulf %get3A_592, %get3A_597 : vector<16xf32>
        %swap3A_599 = arith.index_cast %rem3A_309 : i32 to index
        %swap3A_600 = arith.index_cast %add3A_553 : i32 to index
        %swap3A_601 = arith.constant 32 : index
        %swap3A_602 = tpu.vector_load %arg12[%swap3A_599, %swap3A_600, %swap3A_601] {strides = array<i32>} : memref<2x128x64xf32, #tpu.memory_space<vmem>>, vector<1x1x16xf32>,
        %swap3A_603 = vector.shape_cast %swap3A_602 : vector<1x1x16xf32> to vector<16xf32>
        %swap3A_604 = vector.shape_cast %mul3A_598 : vector<16xf32> to vector<1x1x16xf32>
        tpu.vector_store %arg12[%swap3A_599, %swap3A_600, %swap3A_601], %swap3A_604 {strides = array<i32>} : memref<2x128x64xf32, #tpu.memory_space<vmem>>, vector<1x1x16xf32>,
        %get3A_605 = arith.index_cast %rem3A_309 : i32 to index
        %get3A_606 = arith.index_cast %add3A_553 : i32 to index
        %get3A_607 = arith.constant 48 : index
        %get3A_608 = tpu.vector_load %arg10[%get3A_605, %get3A_606, %get3A_607] {strides = array<i32>} : memref<2x128x64xf32, #tpu.memory_space<vmem>>, vector<1x1x16xf32>,
        %get3A_609 = vector.shape_cast %get3A_608 : vector<1x1x16xf32> to vector<16xf32>
        %get3A_610 = arith.index_cast %rem3A_309 : i32 to index
        %get3A_611 = arith.index_cast %add3A_553 : i32 to index
        %get3A_612 = arith.constant 48 : index
        %get3A_613 = tpu.vector_load %arg11[%get3A_610, %get3A_611, %get3A_612] {strides = array<i32>} : memref<2x128x64xf32, #tpu.memory_space<vmem>>, vector<1x1x16xf32>,
        %get3A_614 = vector.shape_cast %get3A_613 : vector<1x1x16xf32> to vector<16xf32>
        %mul3A_615 = arith.mulf %get3A_609, %get3A_614 : vector<16xf32>
        %swap3A_616 = arith.index_cast %rem3A_309 : i32 to index
        %swap3A_617 = arith.index_cast %add3A_553 : i32 to index
        %swap3A_618 = arith.constant 48 : index
        %swap3A_619 = tpu.vector_load %arg12[%swap3A_616, %swap3A_617, %swap3A_618] {strides = array<i32>} : memref<2x128x64xf32, #tpu.memory_space<vmem>>, vector<1x1x16xf32>,
        %swap3A_620 = vector.shape_cast %swap3A_619 : vector<1x1x16xf32> to vector<16xf32>
        %swap3A_621 = vector.shape_cast %mul3A_615 : vector<16xf32> to vector<1x1x16xf32>
        tpu.vector_store %arg12[%swap3A_616, %swap3A_617, %swap3A_618], %swap3A_621 {strides = array<i32>} : memref<2x128x64xf32, #tpu.memory_space<vmem>>, vector<1x1x16xf32>,
        %mul3A_622 = arith.constant 16 : i32
        %mul3A_623 = arith.muli %scan3A_476, %mul3A_622 : i32
        %add3A_624 = arith.constant 2 : i32
        %add3A_625 = arith.addi %mul3A_623, %add3A_624 : i32
        %get3A_626 = arith.index_cast %rem3A_309 : i32 to index
        %get3A_627 = arith.index_cast %add3A_625 : i32 to index
        %get3A_628 = arith.constant 0 : index
        %get3A_629 = tpu.vector_load %arg10[%get3A_626, %get3A_627, %get3A_628] {strides = array<i32>} : memref<2x128x64xf32, #tpu.memory_space<vmem>>, vector<1x1x16xf32>,
        %get3A_630 = vector.shape_cast %get3A_629 : vector<1x1x16xf32> to vector<16xf32>
        %get3A_631 = arith.index_cast %rem3A_309 : i32 to index
        %get3A_632 = arith.index_cast %add3A_625 : i32 to index
        %get3A_633 = arith.constant 0 : index
        %get3A_634 = tpu.vector_load %arg11[%get3A_631, %get3A_632, %get3A_633] {strides = array<i32>} : memref<2x128x64xf32, #tpu.memory_space<vmem>>, vector<1x1x16xf32>,
        %get3A_635 = vector.shape_cast %get3A_634 : vector<1x1x16xf32> to vector<16xf32>
        %mul3A_636 = arith.mulf %get3A_630, %get3A_635 : vector<16xf32>
        %swap3A_637 = arith.index_cast %rem3A_309 : i32 to index
        %swap3A_638 = arith.index_cast %add3A_625 : i32 to index
        %swap3A_639 = arith.constant 0 : index
        %swap3A_640 = tpu.vector_load %arg12[%swap3A_637, %swap3A_638, %swap3A_639] {strides = array<i32>} : memref<2x128x64xf32, #tpu.memory_space<vmem>>, vector<1x1x16xf32>,
        %swap3A_641 = vector.shape_cast %swap3A_640 : vector<1x1x16xf32> to vector<16xf32>
        %swap3A_642 = vector.shape_cast %mul3A_636 : vector<16xf32> to vector<1x1x16xf32>
        tpu.vector_store %arg12[%swap3A_637, %swap3A_638, %swap3A_639], %swap3A_642 {strides = array<i32>} : memref<2x128x64xf32, #tpu.memory_space<vmem>>, vector<1x1x16xf32>,
        %get3A_643 = arith.index_cast %rem3A_309 : i32 to index
        %get3A_644 = arith.index_cast %add3A_625 : i32 to index
        %get3A_645 = arith.constant 16 : index
        %get3A_646 = tpu.vector_load %arg10[%get3A_643, %get3A_644, %get3A_645] {strides = array<i32>} : memref<2x128x64xf32, #tpu.memory_space<vmem>>, vector<1x1x16xf32>,
        %get3A_647 = vector.shape_cast %get3A_646 : vector<1x1x16xf32> to vector<16xf32>
        %get3A_648 = arith.index_cast %rem3A_309 : i32 to index
        %get3A_649 = arith.index_cast %add3A_625 : i32 to index
        %get3A_650 = arith.constant 16 : index
        %get3A_651 = tpu.vector_load %arg11[%get3A_648, %get3A_649, %get3A_650] {strides = array<i32>} : memref<2x128x64xf32, #tpu.memory_space<vmem>>, vector<1x1x16xf32>,
        %get3A_652 = vector.shape_cast %get3A_651 : vector<1x1x16xf32> to vector<16xf32>
        %mul3A_653 = arith.mulf %get3A_647, %get3A_652 : vector<16xf32>
        %swap3A_654 = arith.index_cast %rem3A_309 : i32 to index
        %swap3A_655 = arith.index_cast %add3A_625 : i32 to index
        %swap3A_656 = arith.constant 16 : index
        %swap3A_657 = tpu.vector_load %arg12[%swap3A_654, %swap3A_655, %swap3A_656] {strides = array<i32>} : memref<2x128x64xf32, #tpu.memory_space<vmem>>, vector<1x1x16xf32>,
        %swap3A_658 = vector.shape_cast %swap3A_657 : vector<1x1x16xf32> to vector<16xf32>
        %swap3A_659 = vector.shape_cast %mul3A_653 : vector<16xf32> to vector<1x1x16xf32>
        tpu.vector_store %arg12[%swap3A_654, %swap3A_655, %swap3A_656], %swap3A_659 {strides = array<i32>} : memref<2x128x64xf32, #tpu.memory_space<vmem>>, vector<1x1x16xf32>,
        %get3A_660 = arith.index_cast %rem3A_309 : i32 to index
        %get3A_661 = arith.index_cast %add3A_625 : i32 to index
        %get3A_662 = arith.constant 32 : index
        %get3A_663 = tpu.vector_load %arg10[%get3A_660, %get3A_661, %get3A_662] {strides = array<i32>} : memref<2x128x64xf32, #tpu.memory_space<vmem>>, vector<1x1x16xf32>,
        %get3A_664 = vector.shape_cast %get3A_663 : vector<1x1x16xf32> to vector<16xf32>
        %get3A_665 = arith.index_cast %rem3A_309 : i32 to index
        %get3A_666 = arith.index_cast %add3A_625 : i32 to index
        %get3A_667 = arith.constant 32 : index
        %get3A_668 = tpu.vector_load %arg11[%get3A_665, %get3A_666, %get3A_667] {strides = array<i32>} : memref<2x128x64xf32, #tpu.memory_space<vmem>>, vector<1x1x16xf32>,
        %get3A_669 = vector.shape_cast %get3A_668 : vector<1x1x16xf32> to vector<16xf32>
        %mul3A_670 = arith.mulf %get3A_664, %get3A_669 : vector<16xf32>
        %swap3A_671 = arith.index_cast %rem3A_309 : i32 to index
        %swap3A_672 = arith.index_cast %add3A_625 : i32 to index
        %swap3A_673 = arith.constant 32 : index
        %swap3A_674 = tpu.vector_load %arg12[%swap3A_671, %swap3A_672, %swap3A_673] {strides = array<i32>} : memref<2x128x64xf32, #tpu.memory_space<vmem>>, vector<1x1x16xf32>,
        %swap3A_675 = vector.shape_cast %swap3A_674 : vector<1x1x16xf32> to vector<16xf32>
        %swap3A_676 = vector.shape_cast %mul3A_670 : vector<16xf32> to vector<1x1x16xf32>
        tpu.vector_store %arg12[%swap3A_671, %swap3A_672, %swap3A_673], %swap3A_676 {strides = array<i32>} : memref<2x128x64xf32, #tpu.memory_space<vmem>>, vector<1x1x16xf32>,
        %get3A_677 = arith.index_cast %rem3A_309 : i32 to index
        %get3A_678 = arith.index_cast %add3A_625 : i32 to index
        %get3A_679 = arith.constant 48 : index
        %get3A_680 = tpu.vector_load %arg10[%get3A_677, %get3A_678, %get3A_679] {strides = array<i32>} : memref<2x128x64xf32, #tpu.memory_space<vmem>>, vector<1x1x16xf32>,
        %get3A_681 = vector.shape_cast %get3A_680 : vector<1x1x16xf32> to vector<16xf32>
        %get3A_682 = arith.index_cast %rem3A_309 : i32 to index
        %get3A_683 = arith.index_cast %add3A_625 : i32 to index
        %get3A_684 = arith.constant 48 : index
        %get3A_685 = tpu.vector_load %arg11[%get3A_682, %get3A_683, %get3A_684] {strides = array<i32>} : memref<2x128x64xf32, #tpu.memory_space<vmem>>, vector<1x1x16xf32>,
        %get3A_686 = vector.shape_cast %get3A_685 : vector<1x1x16xf32> to vector<16xf32>
        %mul3A_687 = arith.mulf %get3A_681, %get3A_686 : vector<16xf32>
        %swap3A_688 = arith.index_cast %rem3A_309 : i32 to index
        %swap3A_689 = arith.index_cast %add3A_625 : i32 to index
        %swap3A_690 = arith.constant 48 : index
        %swap3A_691 = tpu.vector_load %arg12[%swap3A_688, %swap3A_689, %swap3A_690] {strides = array<i32>} : memref<2x128x64xf32, #tpu.memory_space<vmem>>, vector<1x1x16xf32>,
        %swap3A_692 = vector.shape_cast %swap3A_691 : vector<1x1x16xf32> to vector<16xf32>
        %swap3A_693 = vector.shape_cast %mul3A_687 : vector<16xf32> to vector<1x1x16xf32>
        tpu.vector_store %arg12[%swap3A_688, %swap3A_689, %swap3A_690], %swap3A_693 {strides = array<i32>} : memref<2x128x64xf32, #tpu.memory_space<vmem>>, vector<1x1x16xf32>,
        %mul3A_694 = arith.constant 16 : i32
        %mul3A_695 = arith.muli %scan3A_476, %mul3A_694 : i32
        %add3A_696 = arith.constant 3 : i32
        %add3A_697 = arith.addi %mul3A_695, %add3A_696 : i32
        %get3A_698 = arith.index_cast %rem3A_309 : i32 to index
        %get3A_699 = arith.index_cast %add3A_697 : i32 to index
        %get3A_700 = arith.constant 0 : index
        %get3A_701 = tpu.vector_load %arg10[%get3A_698, %get3A_699, %get3A_700] {strides = array<i32>} : memref<2x128x64xf32, #tpu.memory_space<vmem>>, vector<1x1x16xf32>,
        %get3A_702 = vector.shape_cast %get3A_701 : vector<1x1x16xf32> to vector<16xf32>
        %get3A_703 = arith.index_cast %rem3A_309 : i32 to index
        %get3A_704 = arith.index_cast %add3A_697 : i32 to index
        %get3A_705 = arith.constant 0 : index
        %get3A_706 = tpu.vector_load %arg11[%get3A_703, %get3A_704, %get3A_705] {strides = array<i32>} : memref<2x128x64xf32, #tpu.memory_space<vmem>>, vector<1x1x16xf32>,
        %get3A_707 = vector.shape_cast %get3A_706 : vector<1x1x16xf32> to vector<16xf32>
        %mul3A_708 = arith.mulf %get3A_702, %get3A_707 : vector<16xf32>
        %swap3A_709 = arith.index_cast %rem3A_309 : i32 to index
        %swap3A_710 = arith.index_cast %add3A_697 : i32 to index
        %swap3A_711 = arith.constant 0 : index
        %swap3A_712 = tpu.vector_load %arg12[%swap3A_709, %swap3A_710, %swap3A_711] {strides = array<i32>} : memref<2x128x64xf32, #tpu.memory_space<vmem>>, vector<1x1x16xf32>,
        %swap3A_713 = vector.shape_cast %swap3A_712 : vector<1x1x16xf32> to vector<16xf32>
        %swap3A_714 = vector.shape_cast %mul3A_708 : vector<16xf32> to vector<1x1x16xf32>
        tpu.vector_store %arg12[%swap3A_709, %swap3A_710, %swap3A_711], %swap3A_714 {strides = array<i32>} : memref<2x128x64xf32, #tpu.memory_space<vmem>>, vector<1x1x16xf32>,
        %get3A_715 = arith.index_cast %rem3A_309 : i32 to index
        %get3A_716 = arith.index_cast %add3A_697 : i32 to index
        %get3A_717 = arith.constant 16 : index
        %get3A_718 = tpu.vector_load %arg10[%get3A_715, %get3A_716, %get3A_717] {strides = array<i32>} : memref<2x128x64xf32, #tpu.memory_space<vmem>>, vector<1x1x16xf32>,
        %get3A_719 = vector.shape_cast %get3A_718 : vector<1x1x16xf32> to vector<16xf32>
        %get3A_720 = arith.index_cast %rem3A_309 : i32 to index
        %get3A_721 = arith.index_cast %add3A_697 : i32 to index
        %get3A_722 = arith.constant 16 : index
        %get3A_723 = tpu.vector_load %arg11[%get3A_720, %get3A_721, %get3A_722] {strides = array<i32>} : memref<2x128x64xf32, #tpu.memory_space<vmem>>, vector<1x1x16xf32>,
        %get3A_724 = vector.shape_cast %get3A_723 : vector<1x1x16xf32> to vector<16xf32>
        %mul3A_725 = arith.mulf %get3A_719, %get3A_724 : vector<16xf32>
        %swap3A_726 = arith.index_cast %rem3A_309 : i32 to index
        %swap3A_727 = arith.index_cast %add3A_697 : i32 to index
        %swap3A_728 = arith.constant 16 : index
        %swap3A_729 = tpu.vector_load %arg12[%swap3A_726, %swap3A_727, %swap3A_728] {strides = array<i32>} : memref<2x128x64xf32, #tpu.memory_space<vmem>>, vector<1x1x16xf32>,
        %swap3A_730 = vector.shape_cast %swap3A_729 : vector<1x1x16xf32> to vector<16xf32>
        %swap3A_731 = vector.shape_cast %mul3A_725 : vector<16xf32> to vector<1x1x16xf32>
        tpu.vector_store %arg12[%swap3A_726, %swap3A_727, %swap3A_728], %swap3A_731 {strides = array<i32>} : memref<2x128x64xf32, #tpu.memory_space<vmem>>, vector<1x1x16xf32>,
        %get3A_732 = arith.index_cast %rem3A_309 : i32 to index
        %get3A_733 = arith.index_cast %add3A_697 : i32 to index
        %get3A_734 = arith.constant 32 : index
        %get3A_735 = tpu.vector_load %arg10[%get3A_732, %get3A_733, %get3A_734] {strides = array<i32>} : memref<2x128x64xf32, #tpu.memory_space<vmem>>, vector<1x1x16xf32>,
        %get3A_736 = vector.shape_cast %get3A_735 : vector<1x1x16xf32> to vector<16xf32>
        %get3A_737 = arith.index_cast %rem3A_309 : i32 to index
        %get3A_738 = arith.index_cast %add3A_697 : i32 to index
        %get3A_739 = arith.constant 32 : index
        %get3A_740 = tpu.vector_load %arg11[%get3A_737, %get3A_738, %get3A_739] {strides = array<i32>} : memref<2x128x64xf32, #tpu.memory_space<vmem>>, vector<1x1x16xf32>,
        %get3A_741 = vector.shape_cast %get3A_740 : vector<1x1x16xf32> to vector<16xf32>
        %mul3A_742 = arith.mulf %get3A_736, %get3A_741 : vector<16xf32>
        %swap3A_743 = arith.index_cast %rem3A_309 : i32 to index
        %swap3A_744 = arith.index_cast %add3A_697 : i32 to index
        %swap3A_745 = arith.constant 32 : index
        %swap3A_746 = tpu.vector_load %arg12[%swap3A_743, %swap3A_744, %swap3A_745] {strides = array<i32>} : memref<2x128x64xf32, #tpu.memory_space<vmem>>, vector<1x1x16xf32>,
        %swap3A_747 = vector.shape_cast %swap3A_746 : vector<1x1x16xf32> to vector<16xf32>
        %swap3A_748 = vector.shape_cast %mul3A_742 : vector<16xf32> to vector<1x1x16xf32>
        tpu.vector_store %arg12[%swap3A_743, %swap3A_744, %swap3A_745], %swap3A_748 {strides = array<i32>} : memref<2x128x64xf32, #tpu.memory_space<vmem>>, vector<1x1x16xf32>,
        %get3A_749 = arith.index_cast %rem3A_309 : i32 to index
        %get3A_750 = arith.index_cast %add3A_697 : i32 to index
        %get3A_751 = arith.constant 48 : index
        %get3A_752 = tpu.vector_load %arg10[%get3A_749, %get3A_750, %get3A_751] {strides = array<i32>} : memref<2x128x64xf32, #tpu.memory_space<vmem>>, vector<1x1x16xf32>,
        %get3A_753 = vector.shape_cast %get3A_752 : vector<1x1x16xf32> to vector<16xf32>
        %get3A_754 = arith.index_cast %rem3A_309 : i32 to index
        %get3A_755 = arith.index_cast %add3A_697 : i32 to index
        %get3A_756 = arith.constant 48 : index
        %get3A_757 = tpu.vector_load %arg11[%get3A_754, %get3A_755, %get3A_756] {strides = array<i32>} : memref<2x128x64xf32, #tpu.memory_space<vmem>>, vector<1x1x16xf32>,
        %get3A_758 = vector.shape_cast %get3A_757 : vector<1x1x16xf32> to vector<16xf32>
        %mul3A_759 = arith.mulf %get3A_753, %get3A_758 : vector<16xf32>
        %swap3A_760 = arith.index_cast %rem3A_309 : i32 to index
        %swap3A_761 = arith.index_cast %add3A_697 : i32 to index
        %swap3A_762 = arith.constant 48 : index
        %swap3A_763 = tpu.vector_load %arg12[%swap3A_760, %swap3A_761, %swap3A_762] {strides = array<i32>} : memref<2x128x64xf32, #tpu.memory_space<vmem>>, vector<1x1x16xf32>,
        %swap3A_764 = vector.shape_cast %swap3A_763 : vector<1x1x16xf32> to vector<16xf32>
        %swap3A_765 = vector.shape_cast %mul3A_759 : vector<16xf32> to vector<1x1x16xf32>
        tpu.vector_store %arg12[%swap3A_760, %swap3A_761, %swap3A_762], %swap3A_765 {strides = array<i32>} : memref<2x128x64xf32, #tpu.memory_space<vmem>>, vector<1x1x16xf32>,
        %mul3A_766 = arith.constant 16 : i32
        %mul3A_767 = arith.muli %scan3A_476, %mul3A_766 : i32
        %add3A_768 = arith.constant 4 : i32
        %add3A_769 = arith.addi %mul3A_767, %add3A_768 : i32
        %get3A_770 = arith.index_cast %rem3A_309 : i32 to index
        %get3A_771 = arith.index_cast %add3A_769 : i32 to index
        %get3A_772 = arith.constant 0 : index
        %get3A_773 = tpu.vector_load %arg10[%get3A_770, %get3A_771, %get3A_772] {strides = array<i32>} : memref<2x128x64xf32, #tpu.memory_space<vmem>>, vector<1x1x16xf32>,
        %get3A_774 = vector.shape_cast %get3A_773 : vector<1x1x16xf32> to vector<16xf32>
        %get3A_775 = arith.index_cast %rem3A_309 : i32 to index
        %get3A_776 = arith.index_cast %add3A_769 : i32 to index
        %get3A_777 = arith.constant 0 : index
        %get3A_778 = tpu.vector_load %arg11[%get3A_775, %get3A_776, %get3A_777] {strides = array<i32>} : memref<2x128x64xf32, #tpu.memory_space<vmem>>, vector<1x1x16xf32>,
        %get3A_779 = vector.shape_cast %get3A_778 : vector<1x1x16xf32> to vector<16xf32>
        %mul3A_780 = arith.mulf %get3A_774, %get3A_779 : vector<16xf32>
        %swap3A_781 = arith.index_cast %rem3A_309 : i32 to index
        %swap3A_782 = arith.index_cast %add3A_769 : i32 to index
        %swap3A_783 = arith.constant 0 : index
        %swap3A_784 = tpu.vector_load %arg12[%swap3A_781, %swap3A_782, %swap3A_783] {strides = array<i32>} : memref<2x128x64xf32, #tpu.memory_space<vmem>>, vector<1x1x16xf32>,
        %swap3A_785 = vector.shape_cast %swap3A_784 : vector<1x1x16xf32> to vector<16xf32>
        %swap3A_786 = vector.shape_cast %mul3A_780 : vector<16xf32> to vector<1x1x16xf32>
        tpu.vector_store %arg12[%swap3A_781, %swap3A_782, %swap3A_783], %swap3A_786 {strides = array<i32>} : memref<2x128x64xf32, #tpu.memory_space<vmem>>, vector<1x1x16xf32>,
        %get3A_787 = arith.index_cast %rem3A_309 : i32 to index
        %get3A_788 = arith.index_cast %add3A_769 : i32 to index
        %get3A_789 = arith.constant 16 : index
        %get3A_790 = tpu.vector_load %arg10[%get3A_787, %get3A_788, %get3A_789] {strides = array<i32>} : memref<2x128x64xf32, #tpu.memory_space<vmem>>, vector<1x1x16xf32>,
        %get3A_791 = vector.shape_cast %get3A_790 : vector<1x1x16xf32> to vector<16xf32>
        %get3A_792 = arith.index_cast %rem3A_309 : i32 to index
        %get3A_793 = arith.index_cast %add3A_769 : i32 to index
        %get3A_794 = arith.constant 16 : index
        %get3A_795 = tpu.vector_load %arg11[%get3A_792, %get3A_793, %get3A_794] {strides = array<i32>} : memref<2x128x64xf32, #tpu.memory_space<vmem>>, vector<1x1x16xf32>,
        %get3A_796 = vector.shape_cast %get3A_795 : vector<1x1x16xf32> to vector<16xf32>
        %mul3A_797 = arith.mulf %get3A_791, %get3A_796 : vector<16xf32>
        %swap3A_798 = arith.index_cast %rem3A_309 : i32 to index
        %swap3A_799 = arith.index_cast %add3A_769 : i32 to index
        %swap3A_800 = arith.constant 16 : index
        %swap3A_801 = tpu.vector_load %arg12[%swap3A_798, %swap3A_799, %swap3A_800] {strides = array<i32>} : memref<2x128x64xf32, #tpu.memory_space<vmem>>, vector<1x1x16xf32>,
        %swap3A_802 = vector.shape_cast %swap3A_801 : vector<1x1x16xf32> to vector<16xf32>
        %swap3A_803 = vector.shape_cast %mul3A_797 : vector<16xf32> to vector<1x1x16xf32>
        tpu.vector_store %arg12[%swap3A_798, %swap3A_799, %swap3A_800], %swap3A_803 {strides = array<i32>} : memref<2x128x64xf32, #tpu.memory_space<vmem>>, vector<1x1x16xf32>,
        %get3A_804 = arith.index_cast %rem3A_309 : i32 to index
        %get3A_805 = arith.index_cast %add3A_769 : i32 to index
        %get3A_806 = arith.constant 32 : index
        %get3A_807 = tpu.vector_load %arg10[%get3A_804, %get3A_805, %get3A_806] {strides = array<i32>} : memref<2x128x64xf32, #tpu.memory_space<vmem>>, vector<1x1x16xf32>,
        %get3A_808 = vector.shape_cast %get3A_807 : vector<1x1x16xf32> to vector<16xf32>
        %get3A_809 = arith.index_cast %rem3A_309 : i32 to index
        %get3A_810 = arith.index_cast %add3A_769 : i32 to index
        %get3A_811 = arith.constant 32 : index
        %get3A_812 = tpu.vector_load %arg11[%get3A_809, %get3A_810, %get3A_811] {strides = array<i32>} : memref<2x128x64xf32, #tpu.memory_space<vmem>>, vector<1x1x16xf32>,
        %get3A_813 = vector.shape_cast %get3A_812 : vector<1x1x16xf32> to vector<16xf32>
        %mul3A_814 = arith.mulf %get3A_808, %get3A_813 : vector<16xf32>
        %swap3A_815 = arith.index_cast %rem3A_309 : i32 to index
        %swap3A_816 = arith.index_cast %add3A_769 : i32 to index
        %swap3A_817 = arith.constant 32 : index
        %swap3A_818 = tpu.vector_load %arg12[%swap3A_815, %swap3A_816, %swap3A_817] {strides = array<i32>} : memref<2x128x64xf32, #tpu.memory_space<vmem>>, vector<1x1x16xf32>,
        %swap3A_819 = vector.shape_cast %swap3A_818 : vector<1x1x16xf32> to vector<16xf32>
        %swap3A_820 = vector.shape_cast %mul3A_814 : vector<16xf32> to vector<1x1x16xf32>
        tpu.vector_store %arg12[%swap3A_815, %swap3A_816, %swap3A_817], %swap3A_820 {strides = array<i32>} : memref<2x128x64xf32, #tpu.memory_space<vmem>>, vector<1x1x16xf32>,
        %get3A_821 = arith.index_cast %rem3A_309 : i32 to index
        %get3A_822 = arith.index_cast %add3A_769 : i32 to index
        %get3A_823 = arith.constant 48 : index
        %get3A_824 = tpu.vector_load %arg10[%get3A_821, %get3A_822, %get3A_823] {strides = array<i32>} : memref<2x128x64xf32, #tpu.memory_space<vmem>>, vector<1x1x16xf32>,
        %get3A_825 = vector.shape_cast %get3A_824 : vector<1x1x16xf32> to vector<16xf32>
        %get3A_826 = arith.index_cast %rem3A_309 : i32 to index
        %get3A_827 = arith.index_cast %add3A_769 : i32 to index
        %get3A_828 = arith.constant 48 : index
        %get3A_829 = tpu.vector_load %arg11[%get3A_826, %get3A_827, %get3A_828] {strides = array<i32>} : memref<2x128x64xf32, #tpu.memory_space<vmem>>, vector<1x1x16xf32>,
        %get3A_830 = vector.shape_cast %get3A_829 : vector<1x1x16xf32> to vector<16xf32>
        %mul3A_831 = arith.mulf %get3A_825, %get3A_830 : vector<16xf32>
        %swap3A_832 = arith.index_cast %rem3A_309 : i32 to index
        %swap3A_833 = arith.index_cast %add3A_769 : i32 to index
        %swap3A_834 = arith.constant 48 : index
        %swap3A_835 = tpu.vector_load %arg12[%swap3A_832, %swap3A_833, %swap3A_834] {strides = array<i32>} : memref<2x128x64xf32, #tpu.memory_space<vmem>>, vector<1x1x16xf32>,
        %swap3A_836 = vector.shape_cast %swap3A_835 : vector<1x1x16xf32> to vector<16xf32>
        %swap3A_837 = vector.shape_cast %mul3A_831 : vector<16xf32> to vector<1x1x16xf32>
        tpu.vector_store %arg12[%swap3A_832, %swap3A_833, %swap3A_834], %swap3A_837 {strides = array<i32>} : memref<2x128x64xf32, #tpu.memory_space<vmem>>, vector<1x1x16xf32>,
        %mul3A_838 = arith.constant 16 : i32
        %mul3A_839 = arith.muli %scan3A_476, %mul3A_838 : i32
        %add3A_840 = arith.constant 5 : i32
        %add3A_841 = arith.addi %mul3A_839, %add3A_840 : i32
        %get3A_842 = arith.index_cast %rem3A_309 : i32 to index
        %get3A_843 = arith.index_cast %add3A_841 : i32 to index
        %get3A_844 = arith.constant 0 : index
        %get3A_845 = tpu.vector_load %arg10[%get3A_842, %get3A_843, %get3A_844] {strides = array<i32>} : memref<2x128x64xf32, #tpu.memory_space<vmem>>, vector<1x1x16xf32>,
        %get3A_846 = vector.shape_cast %get3A_845 : vector<1x1x16xf32> to vector<16xf32>
        %get3A_847 = arith.index_cast %rem3A_309 : i32 to index
        %get3A_848 = arith.index_cast %add3A_841 : i32 to index
        %get3A_849 = arith.constant 0 : index
        %get3A_850 = tpu.vector_load %arg11[%get3A_847, %get3A_848, %get3A_849] {strides = array<i32>} : memref<2x128x64xf32, #tpu.memory_space<vmem>>, vector<1x1x16xf32>,
        %get3A_851 = vector.shape_cast %get3A_850 : vector<1x1x16xf32> to vector<16xf32>
        %mul3A_852 = arith.mulf %get3A_846, %get3A_851 : vector<16xf32>
        %swap3A_853 = arith.index_cast %rem3A_309 : i32 to index
        %swap3A_854 = arith.index_cast %add3A_841 : i32 to index
        %swap3A_855 = arith.constant 0 : index
        %swap3A_856 = tpu.vector_load %arg12[%swap3A_853, %swap3A_854, %swap3A_855] {strides = array<i32>} : memref<2x128x64xf32, #tpu.memory_space<vmem>>, vector<1x1x16xf32>,
        %swap3A_857 = vector.shape_cast %swap3A_856 : vector<1x1x16xf32> to vector<16xf32>
        %swap3A_858 = vector.shape_cast %mul3A_852 : vector<16xf32> to vector<1x1x16xf32>
        tpu.vector_store %arg12[%swap3A_853, %swap3A_854, %swap3A_855], %swap3A_858 {strides = array<i32>} : memref<2x128x64xf32, #tpu.memory_space<vmem>>, vector<1x1x16xf32>,
        %get3A_859 = arith.index_cast %rem3A_309 : i32 to index
        %get3A_860 = arith.index_cast %add3A_841 : i32 to index
        %get3A_861 = arith.constant 16 : index
        %get3A_862 = tpu.vector_load %arg10[%get3A_859, %get3A_860, %get3A_861] {strides = array<i32>} : memref<2x128x64xf32, #tpu.memory_space<vmem>>, vector<1x1x16xf32>,
        %get3A_863 = vector.shape_cast %get3A_862 : vector<1x1x16xf32> to vector<16xf32>
        %get3A_864 = arith.index_cast %rem3A_309 : i32 to index
        %get3A_865 = arith.index_cast %add3A_841 : i32 to index
        %get3A_866 = arith.constant 16 : index
        %get3A_867 = tpu.vector_load %arg11[%get3A_864, %get3A_865, %get3A_866] {strides = array<i32>} : memref<2x128x64xf32, #tpu.memory_space<vmem>>, vector<1x1x16xf32>,
        %get3A_868 = vector.shape_cast %get3A_867 : vector<1x1x16xf32> to vector<16xf32>
        %mul3A_869 = arith.mulf %get3A_863, %get3A_868 : vector<16xf32>
        %swap3A_870 = arith.index_cast %rem3A_309 : i32 to index
        %swap3A_871 = arith.index_cast %add3A_841 : i32 to index
        %swap3A_872 = arith.constant 16 : index
        %swap3A_873 = tpu.vector_load %arg12[%swap3A_870, %swap3A_871, %swap3A_872] {strides = array<i32>} : memref<2x128x64xf32, #tpu.memory_space<vmem>>, vector<1x1x16xf32>,
        %swap3A_874 = vector.shape_cast %swap3A_873 : vector<1x1x16xf32> to vector<16xf32>
        %swap3A_875 = vector.shape_cast %mul3A_869 : vector<16xf32> to vector<1x1x16xf32>
        tpu.vector_store %arg12[%swap3A_870, %swap3A_871, %swap3A_872], %swap3A_875 {strides = array<i32>} : memref<2x128x64xf32, #tpu.memory_space<vmem>>, vector<1x1x16xf32>,
        %get3A_876 = arith.index_cast %rem3A_309 : i32 to index
        %get3A_877 = arith.index_cast %add3A_841 : i32 to index
        %get3A_878 = arith.constant 32 : index
        %get3A_879 = tpu.vector_load %arg10[%get3A_876, %get3A_877, %get3A_878] {strides = array<i32>} : memref<2x128x64xf32, #tpu.memory_space<vmem>>, vector<1x1x16xf32>,
        %get3A_880 = vector.shape_cast %get3A_879 : vector<1x1x16xf32> to vector<16xf32>
        %get3A_881 = arith.index_cast %rem3A_309 : i32 to index
        %get3A_882 = arith.index_cast %add3A_841 : i32 to index
        %get3A_883 = arith.constant 32 : index
        %get3A_884 = tpu.vector_load %arg11[%get3A_881, %get3A_882, %get3A_883] {strides = array<i32>} : memref<2x128x64xf32, #tpu.memory_space<vmem>>, vector<1x1x16xf32>,
        %get3A_885 = vector.shape_cast %get3A_884 : vector<1x1x16xf32> to vector<16xf32>
        %mul3A_886 = arith.mulf %get3A_880, %get3A_885 : vector<16xf32>
        %swap3A_887 = arith.index_cast %rem3A_309 : i32 to index
        %swap3A_888 = arith.index_cast %add3A_841 : i32 to index
        %swap3A_889 = arith.constant 32 : index
        %swap3A_890 = tpu.vector_load %arg12[%swap3A_887, %swap3A_888, %swap3A_889] {strides = array<i32>} : memref<2x128x64xf32, #tpu.memory_space<vmem>>, vector<1x1x16xf32>,
        %swap3A_891 = vector.shape_cast %swap3A_890 : vector<1x1x16xf32> to vector<16xf32>
        %swap3A_892 = vector.shape_cast %mul3A_886 : vector<16xf32> to vector<1x1x16xf32>
        tpu.vector_store %arg12[%swap3A_887, %swap3A_888, %swap3A_889], %swap3A_892 {strides = array<i32>} : memref<2x128x64xf32, #tpu.memory_space<vmem>>, vector<1x1x16xf32>,
        %get3A_893 = arith.index_cast %rem3A_309 : i32 to index
        %get3A_894 = arith.index_cast %add3A_841 : i32 to index
        %get3A_895 = arith.constant 48 : index
        %get3A_896 = tpu.vector_load %arg10[%get3A_893, %get3A_894, %get3A_895] {strides = array<i32>} : memref<2x128x64xf32, #tpu.memory_space<vmem>>, vector<1x1x16xf32>,
        %get3A_897 = vector.shape_cast %get3A_896 : vector<1x1x16xf32> to vector<16xf32>
        %get3A_898 = arith.index_cast %rem3A_309 : i32 to index
        %get3A_899 = arith.index_cast %add3A_841 : i32 to index
        %get3A_900 = arith.constant 48 : index
        %get3A_901 = tpu.vector_load %arg11[%get3A_898, %get3A_899, %get3A_900] {strides = array<i32>} : memref<2x128x64xf32, #tpu.memory_space<vmem>>, vector<1x1x16xf32>,
        %get3A_902 = vector.shape_cast %get3A_901 : vector<1x1x16xf32> to vector<16xf32>
        %mul3A_903 = arith.mulf %get3A_897, %get3A_902 : vector<16xf32>
        %swap3A_904 = arith.index_cast %rem3A_309 : i32 to index
        %swap3A_905 = arith.index_cast %add3A_841 : i32 to index
        %swap3A_906 = arith.constant 48 : index
        %swap3A_907 = tpu.vector_load %arg12[%swap3A_904, %swap3A_905, %swap3A_906] {strides = array<i32>} : memref<2x128x64xf32, #tpu.memory_space<vmem>>, vector<1x1x16xf32>,
        %swap3A_908 = vector.shape_cast %swap3A_907 : vector<1x1x16xf32> to vector<16xf32>
        %swap3A_909 = vector.shape_cast %mul3A_903 : vector<16xf32> to vector<1x1x16xf32>
        tpu.vector_store %arg12[%swap3A_904, %swap3A_905, %swap3A_906], %swap3A_909 {strides = array<i32>} : memref<2x128x64xf32, #tpu.memory_space<vmem>>, vector<1x1x16xf32>,
        %mul3A_910 = arith.constant 16 : i32
        %mul3A_911 = arith.muli %scan3A_476, %mul3A_910 : i32
        %add3A_912 = arith.constant 6 : i32
        %add3A_913 = arith.addi %mul3A_911, %add3A_912 : i32
        %get3A_914 = arith.index_cast %rem3A_309 : i32 to index
        %get3A_915 = arith.index_cast %add3A_913 : i32 to index
        %get3A_916 = arith.constant 0 : index
        %get3A_917 = tpu.vector_load %arg10[%get3A_914, %get3A_915, %get3A_916] {strides = array<i32>} : memref<2x128x64xf32, #tpu.memory_space<vmem>>, vector<1x1x16xf32>,
        %get3A_918 = vector.shape_cast %get3A_917 : vector<1x1x16xf32> to vector<16xf32>
        %get3A_919 = arith.index_cast %rem3A_309 : i32 to index
        %get3A_920 = arith.index_cast %add3A_913 : i32 to index
        %get3A_921 = arith.constant 0 : index
        %get3A_922 = tpu.vector_load %arg11[%get3A_919, %get3A_920, %get3A_921] {strides = array<i32>} : memref<2x128x64xf32, #tpu.memory_space<vmem>>, vector<1x1x16xf32>,
        %get3A_923 = vector.shape_cast %get3A_922 : vector<1x1x16xf32> to vector<16xf32>
        %mul3A_924 = arith.mulf %get3A_918, %get3A_923 : vector<16xf32>
        %swap3A_925 = arith.index_cast %rem3A_309 : i32 to index
        %swap3A_926 = arith.index_cast %add3A_913 : i32 to index
        %swap3A_927 = arith.constant 0 : index
        %swap3A_928 = tpu.vector_load %arg12[%swap3A_925, %swap3A_926, %swap3A_927] {strides = array<i32>} : memref<2x128x64xf32, #tpu.memory_space<vmem>>, vector<1x1x16xf32>,
        %swap3A_929 = vector.shape_cast %swap3A_928 : vector<1x1x16xf32> to vector<16xf32>
        %swap3A_930 = vector.shape_cast %mul3A_924 : vector<16xf32> to vector<1x1x16xf32>
        tpu.vector_store %arg12[%swap3A_925, %swap3A_926, %swap3A_927], %swap3A_930 {strides = array<i32>} : memref<2x128x64xf32, #tpu.memory_space<vmem>>, vector<1x1x16xf32>,
        %get3A_931 = arith.index_cast %rem3A_309 : i32 to index
        %get3A_932 = arith.index_cast %add3A_913 : i32 to index
        %get3A_933 = arith.constant 16 : index
        %get3A_934 = tpu.vector_load %arg10[%get3A_931, %get3A_932, %get3A_933] {strides = array<i32>} : memref<2x128x64xf32, #tpu.memory_space<vmem>>, vector<1x1x16xf32>,
        %get3A_935 = vector.shape_cast %get3A_934 : vector<1x1x16xf32> to vector<16xf32>
        %get3A_936 = arith.index_cast %rem3A_309 : i32 to index
        %get3A_937 = arith.index_cast %add3A_913 : i32 to index
        %get3A_938 = arith.constant 16 : index
        %get3A_939 = tpu.vector_load %arg11[%get3A_936, %get3A_937, %get3A_938] {strides = array<i32>} : memref<2x128x64xf32, #tpu.memory_space<vmem>>, vector<1x1x16xf32>,
        %get3A_940 = vector.shape_cast %get3A_939 : vector<1x1x16xf32> to vector<16xf32>
        %mul3A_941 = arith.mulf %get3A_935, %get3A_940 : vector<16xf32>
        %swap3A_942 = arith.index_cast %rem3A_309 : i32 to index
        %swap3A_943 = arith.index_cast %add3A_913 : i32 to index
        %swap3A_944 = arith.constant 16 : index
        %swap3A_945 = tpu.vector_load %arg12[%swap3A_942, %swap3A_943, %swap3A_944] {strides = array<i32>} : memref<2x128x64xf32, #tpu.memory_space<vmem>>, vector<1x1x16xf32>,
        %swap3A_946 = vector.shape_cast %swap3A_945 : vector<1x1x16xf32> to vector<16xf32>
        %swap3A_947 = vector.shape_cast %mul3A_941 : vector<16xf32> to vector<1x1x16xf32>
        tpu.vector_store %arg12[%swap3A_942, %swap3A_943, %swap3A_944], %swap3A_947 {strides = array<i32>} : memref<2x128x64xf32, #tpu.memory_space<vmem>>, vector<1x1x16xf32>,
        %get3A_948 = arith.index_cast %rem3A_309 : i32 to index
        %get3A_949 = arith.index_cast %add3A_913 : i32 to index
        %get3A_950 = arith.constant 32 : index
        %get3A_951 = tpu.vector_load %arg10[%get3A_948, %get3A_949, %get3A_950] {strides = array<i32>} : memref<2x128x64xf32, #tpu.memory_space<vmem>>, vector<1x1x16xf32>,
        %get3A_952 = vector.shape_cast %get3A_951 : vector<1x1x16xf32> to vector<16xf32>
        %get3A_953 = arith.index_cast %rem3A_309 : i32 to index
        %get3A_954 = arith.index_cast %add3A_913 : i32 to index
        %get3A_955 = arith.constant 32 : index
        %get3A_956 = tpu.vector_load %arg11[%get3A_953, %get3A_954, %get3A_955] {strides = array<i32>} : memref<2x128x64xf32, #tpu.memory_space<vmem>>, vector<1x1x16xf32>,
        %get3A_957 = vector.shape_cast %get3A_956 : vector<1x1x16xf32> to vector<16xf32>
        %mul3A_958 = arith.mulf %get3A_952, %get3A_957 : vector<16xf32>
        %swap3A_959 = arith.index_cast %rem3A_309 : i32 to index
        %swap3A_960 = arith.index_cast %add3A_913 : i32 to index
        %swap3A_961 = arith.constant 32 : index
        %swap3A_962 = tpu.vector_load %arg12[%swap3A_959, %swap3A_960, %swap3A_961] {strides = array<i32>} : memref<2x128x64xf32, #tpu.memory_space<vmem>>, vector<1x1x16xf32>,
        %swap3A_963 = vector.shape_cast %swap3A_962 : vector<1x1x16xf32> to vector<16xf32>
        %swap3A_964 = vector.shape_cast %mul3A_958 : vector<16xf32> to vector<1x1x16xf32>
        tpu.vector_store %arg12[%swap3A_959, %swap3A_960, %swap3A_961], %swap3A_964 {strides = array<i32>} : memref<2x128x64xf32, #tpu.memory_space<vmem>>, vector<1x1x16xf32>,
        %get3A_965 = arith.index_cast %rem3A_309 : i32 to index
        %get3A_966 = arith.index_cast %add3A_913 : i32 to index
        %get3A_967 = arith.constant 48 : index
        %get3A_968 = tpu.vector_load %arg10[%get3A_965, %get3A_966, %get3A_967] {strides = array<i32>} : memref<2x128x64xf32, #tpu.memory_space<vmem>>, vector<1x1x16xf32>,
        %get3A_969 = vector.shape_cast %get3A_968 : vector<1x1x16xf32> to vector<16xf32>
        %get3A_970 = arith.index_cast %rem3A_309 : i32 to index
        %get3A_971 = arith.index_cast %add3A_913 : i32 to index
        %get3A_972 = arith.constant 48 : index
        %get3A_973 = tpu.vector_load %arg11[%get3A_970, %get3A_971, %get3A_972] {strides = array<i32>} : memref<2x128x64xf32, #tpu.memory_space<vmem>>, vector<1x1x16xf32>,
        %get3A_974 = vector.shape_cast %get3A_973 : vector<1x1x16xf32> to vector<16xf32>
        %mul3A_975 = arith.mulf %get3A_969, %get3A_974 : vector<16xf32>
        %swap3A_976 = arith.index_cast %rem3A_309 : i32 to index
        %swap3A_977 = arith.index_cast %add3A_913 : i32 to index
        %swap3A_978 = arith.constant 48 : index
        %swap3A_979 = tpu.vector_load %arg12[%swap3A_976, %swap3A_977, %swap3A_978] {strides = array<i32>} : memref<2x128x64xf32, #tpu.memory_space<vmem>>, vector<1x1x16xf32>,
        %swap3A_980 = vector.shape_cast %swap3A_979 : vector<1x1x16xf32> to vector<16xf32>
        %swap3A_981 = vector.shape_cast %mul3A_975 : vector<16xf32> to vector<1x1x16xf32>
        tpu.vector_store %arg12[%swap3A_976, %swap3A_977, %swap3A_978], %swap3A_981 {strides = array<i32>} : memref<2x128x64xf32, #tpu.memory_space<vmem>>, vector<1x1x16xf32>,
        %mul3A_982 = arith.constant 16 : i32
        %mul3A_983 = arith.muli %scan3A_476, %mul3A_982 : i32
        %add3A_984 = arith.constant 7 : i32
        %add3A_985 = arith.addi %mul3A_983, %add3A_984 : i32
        %get3A_986 = arith.index_cast %rem3A_309 : i32 to index
        %get3A_987 = arith.index_cast %add3A_985 : i32 to index
        %get3A_988 = arith.constant 0 : index
        %get3A_989 = tpu.vector_load %arg10[%get3A_986, %get3A_987, %get3A_988] {strides = array<i32>} : memref<2x128x64xf32, #tpu.memory_space<vmem>>, vector<1x1x16xf32>,
        %get3A_990 = vector.shape_cast %get3A_989 : vector<1x1x16xf32> to vector<16xf32>
        %get3A_991 = arith.index_cast %rem3A_309 : i32 to index
        %get3A_992 = arith.index_cast %add3A_985 : i32 to index
        %get3A_993 = arith.constant 0 : index
        %get3A_994 = tpu.vector_load %arg11[%get3A_991, %get3A_992, %get3A_993] {strides = array<i32>} : memref<2x128x64xf32, #tpu.memory_space<vmem>>, vector<1x1x16xf32>,
        %get3A_995 = vector.shape_cast %get3A_994 : vector<1x1x16xf32> to vector<16xf32>
        %mul3A_996 = arith.mulf %get3A_990, %get3A_995 : vector<16xf32>
        %swap3A_997 = arith.index_cast %rem3A_309 : i32 to index
        %swap3A_998 = arith.index_cast %add3A_985 : i32 to index
        %swap3A_999 = arith.constant 0 : index
        %swap3A_1000 = tpu.vector_load %arg12[%swap3A_997, %swap3A_998, %swap3A_999] {strides = array<i32>} : memref<2x128x64xf32, #tpu.memory_space<vmem>>, vector<1x1x16xf32>,
        %swap3A_1001 = vector.shape_cast %swap3A_1000 : vector<1x1x16xf32> to vector<16xf32>
        %swap3A_1002 = vector.shape_cast %mul3A_996 : vector<16xf32> to vector<1x1x16xf32>
        tpu.vector_store %arg12[%swap3A_997, %swap3A_998, %swap3A_999], %swap3A_1002 {strides = array<i32>} : memref<2x128x64xf32, #tpu.memory_space<vmem>>, vector<1x1x16xf32>,
        %get3A_1003 = arith.index_cast %rem3A_309 : i32 to index
        %get3A_1004 = arith.index_cast %add3A_985 : i32 to index
        %get3A_1005 = arith.constant 16 : index
        %get3A_1006 = tpu.vector_load %arg10[%get3A_1003, %get3A_1004, %get3A_1005] {strides = array<i32>} : memref<2x128x64xf32, #tpu.memory_space<vmem>>, vector<1x1x16xf32>,
        %get3A_1007 = vector.shape_cast %get3A_1006 : vector<1x1x16xf32> to vector<16xf32>
        %get3A_1008 = arith.index_cast %rem3A_309 : i32 to index
        %get3A_1009 = arith.index_cast %add3A_985 : i32 to index
        %get3A_1010 = arith.constant 16 : index
        %get3A_1011 = tpu.vector_load %arg11[%get3A_1008, %get3A_1009, %get3A_1010] {strides = array<i32>} : memref<2x128x64xf32, #tpu.memory_space<vmem>>, vector<1x1x16xf32>,
        %get3A_1012 = vector.shape_cast %get3A_1011 : vector<1x1x16xf32> to vector<16xf32>
        %mul3A_1013 = arith.mulf %get3A_1007, %get3A_1012 : vector<16xf32>
        %swap3A_1014 = arith.index_cast %rem3A_309 : i32 to index
        %swap3A_1015 = arith.index_cast %add3A_985 : i32 to index
        %swap3A_1016 = arith.constant 16 : index
        %swap3A_1017 = tpu.vector_load %arg12[%swap3A_1014, %swap3A_1015, %swap3A_1016] {strides = array<i32>} : memref<2x128x64xf32, #tpu.memory_space<vmem>>, vector<1x1x16xf32>,
        %swap3A_1018 = vector.shape_cast %swap3A_1017 : vector<1x1x16xf32> to vector<16xf32>
        %swap3A_1019 = vector.shape_cast %mul3A_1013 : vector<16xf32> to vector<1x1x16xf32>
        tpu.vector_store %arg12[%swap3A_1014, %swap3A_1015, %swap3A_1016], %swap3A_1019 {strides = array<i32>} : memref<2x128x64xf32, #tpu.memory_space<vmem>>, vector<1x1x16xf32>,
        %get3A_1020 = arith.index_cast %rem3A_309 : i32 to index
        %get3A_1021 = arith.index_cast %add3A_985 : i32 to index
        %get3A_1022 = arith.constant 32 : index
        %get3A_1023 = tpu.vector_load %arg10[%get3A_1020, %get3A_1021, %get3A_1022] {strides = array<i32>} : memref<2x128x64xf32, #tpu.memory_space<vmem>>, vector<1x1x16xf32>,
        %get3A_1024 = vector.shape_cast %get3A_1023 : vector<1x1x16xf32> to vector<16xf32>
        %get3A_1025 = arith.index_cast %rem3A_309 : i32 to index
        %get3A_1026 = arith.index_cast %add3A_985 : i32 to index
        %get3A_1027 = arith.constant 32 : index
        %get3A_1028 = tpu.vector_load %arg11[%get3A_1025, %get3A_1026, %get3A_1027] {strides = array<i32>} : memref<2x128x64xf32, #tpu.memory_space<vmem>>, vector<1x1x16xf32>,
        %get3A_1029 = vector.shape_cast %get3A_1028 : vector<1x1x16xf32> to vector<16xf32>
        %mul3A_1030 = arith.mulf %get3A_1024, %get3A_1029 : vector<16xf32>
        %swap3A_1031 = arith.index_cast %rem3A_309 : i32 to index
        %swap3A_1032 = arith.index_cast %add3A_985 : i32 to index
        %swap3A_1033 = arith.constant 32 : index
        %swap3A_1034 = tpu.vector_load %arg12[%swap3A_1031, %swap3A_1032, %swap3A_1033] {strides = array<i32>} : memref<2x128x64xf32, #tpu.memory_space<vmem>>, vector<1x1x16xf32>,
        %swap3A_1035 = vector.shape_cast %swap3A_1034 : vector<1x1x16xf32> to vector<16xf32>
        %swap3A_1036 = vector.shape_cast %mul3A_1030 : vector<16xf32> to vector<1x1x16xf32>
        tpu.vector_store %arg12[%swap3A_1031, %swap3A_1032, %swap3A_1033], %swap3A_1036 {strides = array<i32>} : memref<2x128x64xf32, #tpu.memory_space<vmem>>, vector<1x1x16xf32>,
        %get3A_1037 = arith.index_cast %rem3A_309 : i32 to index
        %get3A_1038 = arith.index_cast %add3A_985 : i32 to index
        %get3A_1039 = arith.constant 48 : index
        %get3A_1040 = tpu.vector_load %arg10[%get3A_1037, %get3A_1038, %get3A_1039] {strides = array<i32>} : memref<2x128x64xf32, #tpu.memory_space<vmem>>, vector<1x1x16xf32>,
        %get3A_1041 = vector.shape_cast %get3A_1040 : vector<1x1x16xf32> to vector<16xf32>
        %get3A_1042 = arith.index_cast %rem3A_309 : i32 to index
        %get3A_1043 = arith.index_cast %add3A_985 : i32 to index
        %get3A_1044 = arith.constant 48 : index
        %get3A_1045 = tpu.vector_load %arg11[%get3A_1042, %get3A_1043, %get3A_1044] {strides = array<i32>} : memref<2x128x64xf32, #tpu.memory_space<vmem>>, vector<1x1x16xf32>,
        %get3A_1046 = vector.shape_cast %get3A_1045 : vector<1x1x16xf32> to vector<16xf32>
        %mul3A_1047 = arith.mulf %get3A_1041, %get3A_1046 : vector<16xf32>
        %swap3A_1048 = arith.index_cast %rem3A_309 : i32 to index
        %swap3A_1049 = arith.index_cast %add3A_985 : i32 to index
        %swap3A_1050 = arith.constant 48 : index
        %swap3A_1051 = tpu.vector_load %arg12[%swap3A_1048, %swap3A_1049, %swap3A_1050] {strides = array<i32>} : memref<2x128x64xf32, #tpu.memory_space<vmem>>, vector<1x1x16xf32>,
        %swap3A_1052 = vector.shape_cast %swap3A_1051 : vector<1x1x16xf32> to vector<16xf32>
        %swap3A_1053 = vector.shape_cast %mul3A_1047 : vector<16xf32> to vector<1x1x16xf32>
        tpu.vector_store %arg12[%swap3A_1048, %swap3A_1049, %swap3A_1050], %swap3A_1053 {strides = array<i32>} : memref<2x128x64xf32, #tpu.memory_space<vmem>>, vector<1x1x16xf32>,
        %mul3A_1054 = arith.constant 16 : i32
        %mul3A_1055 = arith.muli %scan3A_476, %mul3A_1054 : i32
        %add3A_1056 = arith.constant 8 : i32
        %add3A_1057 = arith.addi %mul3A_1055, %add3A_1056 : i32
        %get3A_1058 = arith.index_cast %rem3A_309 : i32 to index
        %get3A_1059 = arith.index_cast %add3A_1057 : i32 to index
        %get3A_1060 = arith.constant 0 : index
        %get3A_1061 = tpu.vector_load %arg10[%get3A_1058, %get3A_1059, %get3A_1060] {strides = array<i32>} : memref<2x128x64xf32, #tpu.memory_space<vmem>>, vector<1x1x16xf32>,
        %get3A_1062 = vector.shape_cast %get3A_1061 : vector<1x1x16xf32> to vector<16xf32>
        %get3A_1063 = arith.index_cast %rem3A_309 : i32 to index
        %get3A_1064 = arith.index_cast %add3A_1057 : i32 to index
        %get3A_1065 = arith.constant 0 : index
        %get3A_1066 = tpu.vector_load %arg11[%get3A_1063, %get3A_1064, %get3A_1065] {strides = array<i32>} : memref<2x128x64xf32, #tpu.memory_space<vmem>>, vector<1x1x16xf32>,
        %get3A_1067 = vector.shape_cast %get3A_1066 : vector<1x1x16xf32> to vector<16xf32>
        %mul3A_1068 = arith.mulf %get3A_1062, %get3A_1067 : vector<16xf32>
        %swap3A_1069 = arith.index_cast %rem3A_309 : i32 to index
        %swap3A_1070 = arith.index_cast %add3A_1057 : i32 to index
        %swap3A_1071 = arith.constant 0 : index
        %swap3A_1072 = tpu.vector_load %arg12[%swap3A_1069, %swap3A_1070, %swap3A_1071] {strides = array<i32>} : memref<2x128x64xf32, #tpu.memory_space<vmem>>, vector<1x1x16xf32>,
        %swap3A_1073 = vector.shape_cast %swap3A_1072 : vector<1x1x16xf32> to vector<16xf32>
        %swap3A_1074 = vector.shape_cast %mul3A_1068 : vector<16xf32> to vector<1x1x16xf32>
        tpu.vector_store %arg12[%swap3A_1069, %swap3A_1070, %swap3A_1071], %swap3A_1074 {strides = array<i32>} : memref<2x128x64xf32, #tpu.memory_space<vmem>>, vector<1x1x16xf32>,
        %get3A_1075 = arith.index_cast %rem3A_309 : i32 to index
        %get3A_1076 = arith.index_cast %add3A_1057 : i32 to index
        %get3A_1077 = arith.constant 16 : index
        %get3A_1078 = tpu.vector_load %arg10[%get3A_1075, %get3A_1076, %get3A_1077] {strides = array<i32>} : memref<2x128x64xf32, #tpu.memory_space<vmem>>, vector<1x1x16xf32>,
        %get3A_1079 = vector.shape_cast %get3A_1078 : vector<1x1x16xf32> to vector<16xf32>
        %get3A_1080 = arith.index_cast %rem3A_309 : i32 to index
        %get3A_1081 = arith.index_cast %add3A_1057 : i32 to index
        %get3A_1082 = arith.constant 16 : index
        %get3A_1083 = tpu.vector_load %arg11[%get3A_1080, %get3A_1081, %get3A_1082] {strides = array<i32>} : memref<2x128x64xf32, #tpu.memory_space<vmem>>, vector<1x1x16xf32>,
        %get3A_1084 = vector.shape_cast %get3A_1083 : vector<1x1x16xf32> to vector<16xf32>
        %mul3A_1085 = arith.mulf %get3A_1079, %get3A_1084 : vector<16xf32>
        %swap3A_1086 = arith.index_cast %rem3A_309 : i32 to index
        %swap3A_1087 = arith.index_cast %add3A_1057 : i32 to index
        %swap3A_1088 = arith.constant 16 : index
        %swap3A_1089 = tpu.vector_load %arg12[%swap3A_1086, %swap3A_1087, %swap3A_1088] {strides = array<i32>} : memref<2x128x64xf32, #tpu.memory_space<vmem>>, vector<1x1x16xf32>,
        %swap3A_1090 = vector.shape_cast %swap3A_1089 : vector<1x1x16xf32> to vector<16xf32>
        %swap3A_1091 = vector.shape_cast %mul3A_1085 : vector<16xf32> to vector<1x1x16xf32>
        tpu.vector_store %arg12[%swap3A_1086, %swap3A_1087, %swap3A_1088], %swap3A_1091 {strides = array<i32>} : memref<2x128x64xf32, #tpu.memory_space<vmem>>, vector<1x1x16xf32>,
        %get3A_1092 = arith.index_cast %rem3A_309 : i32 to index
        %get3A_1093 = arith.index_cast %add3A_1057 : i32 to index
        %get3A_1094 = arith.constant 32 : index
        %get3A_1095 = tpu.vector_load %arg10[%get3A_1092, %get3A_1093, %get3A_1094] {strides = array<i32>} : memref<2x128x64xf32, #tpu.memory_space<vmem>>, vector<1x1x16xf32>,
        %get3A_1096 = vector.shape_cast %get3A_1095 : vector<1x1x16xf32> to vector<16xf32>
        %get3A_1097 = arith.index_cast %rem3A_309 : i32 to index
        %get3A_1098 = arith.index_cast %add3A_1057 : i32 to index
        %get3A_1099 = arith.constant 32 : index
        %get3A_1100 = tpu.vector_load %arg11[%get3A_1097, %get3A_1098, %get3A_1099] {strides = array<i32>} : memref<2x128x64xf32, #tpu.memory_space<vmem>>, vector<1x1x16xf32>,
        %get3A_1101 = vector.shape_cast %get3A_1100 : vector<1x1x16xf32> to vector<16xf32>
        %mul3A_1102 = arith.mulf %get3A_1096, %get3A_1101 : vector<16xf32>
        %swap3A_1103 = arith.index_cast %rem3A_309 : i32 to index
        %swap3A_1104 = arith.index_cast %add3A_1057 : i32 to index
        %swap3A_1105 = arith.constant 32 : index
        %swap3A_1106 = tpu.vector_load %arg12[%swap3A_1103, %swap3A_1104, %swap3A_1105] {strides = array<i32>} : memref<2x128x64xf32, #tpu.memory_space<vmem>>, vector<1x1x16xf32>,
        %swap3A_1107 = vector.shape_cast %swap3A_1106 : vector<1x1x16xf32> to vector<16xf32>
        %swap3A_1108 = vector.shape_cast %mul3A_1102 : vector<16xf32> to vector<1x1x16xf32>
        tpu.vector_store %arg12[%swap3A_1103, %swap3A_1104, %swap3A_1105], %swap3A_1108 {strides = array<i32>} : memref<2x128x64xf32, #tpu.memory_space<vmem>>, vector<1x1x16xf32>,
        %get3A_1109 = arith.index_cast %rem3A_309 : i32 to index
        %get3A_1110 = arith.index_cast %add3A_1057 : i32 to index
        %get3A_1111 = arith.constant 48 : index
        %get3A_1112 = tpu.vector_load %arg10[%get3A_1109, %get3A_1110, %get3A_1111] {strides = array<i32>} : memref<2x128x64xf32, #tpu.memory_space<vmem>>, vector<1x1x16xf32>,
        %get3A_1113 = vector.shape_cast %get3A_1112 : vector<1x1x16xf32> to vector<16xf32>
        %get3A_1114 = arith.index_cast %rem3A_309 : i32 to index
        %get3A_1115 = arith.index_cast %add3A_1057 : i32 to index
        %get3A_1116 = arith.constant 48 : index
        %get3A_1117 = tpu.vector_load %arg11[%get3A_1114, %get3A_1115, %get3A_1116] {strides = array<i32>} : memref<2x128x64xf32, #tpu.memory_space<vmem>>, vector<1x1x16xf32>,
        %get3A_1118 = vector.shape_cast %get3A_1117 : vector<1x1x16xf32> to vector<16xf32>
        %mul3A_1119 = arith.mulf %get3A_1113, %get3A_1118 : vector<16xf32>
        %swap3A_1120 = arith.index_cast %rem3A_309 : i32 to index
        %swap3A_1121 = arith.index_cast %add3A_1057 : i32 to index
        %swap3A_1122 = arith.constant 48 : index
        %swap3A_1123 = tpu.vector_load %arg12[%swap3A_1120, %swap3A_1121, %swap3A_1122] {strides = array<i32>} : memref<2x128x64xf32, #tpu.memory_space<vmem>>, vector<1x1x16xf32>,
        %swap3A_1124 = vector.shape_cast %swap3A_1123 : vector<1x1x16xf32> to vector<16xf32>
        %swap3A_1125 = vector.shape_cast %mul3A_1119 : vector<16xf32> to vector<1x1x16xf32>
        tpu.vector_store %arg12[%swap3A_1120, %swap3A_1121, %swap3A_1122], %swap3A_1125 {strides = array<i32>} : memref<2x128x64xf32, #tpu.memory_space<vmem>>, vector<1x1x16xf32>,
        %mul3A_1126 = arith.constant 16 : i32
        %mul3A_1127 = arith.muli %scan3A_476, %mul3A_1126 : i32
        %add3A_1128 = arith.constant 9 : i32
        %add3A_1129 = arith.addi %mul3A_1127, %add3A_1128 : i32
        %get3A_1130 = arith.index_cast %rem3A_309 : i32 to index
        %get3A_1131 = arith.index_cast %add3A_1129 : i32 to index
        %get3A_1132 = arith.constant 0 : index
        %get3A_1133 = tpu.vector_load %arg10[%get3A_1130, %get3A_1131, %get3A_1132] {strides = array<i32>} : memref<2x128x64xf32, #tpu.memory_space<vmem>>, vector<1x1x16xf32>,
        %get3A_1134 = vector.shape_cast %get3A_1133 : vector<1x1x16xf32> to vector<16xf32>
        %get3A_1135 = arith.index_cast %rem3A_309 : i32 to index
        %get3A_1136 = arith.index_cast %add3A_1129 : i32 to index
        %get3A_1137 = arith.constant 0 : index
        %get3A_1138 = tpu.vector_load %arg11[%get3A_1135, %get3A_1136, %get3A_1137] {strides = array<i32>} : memref<2x128x64xf32, #tpu.memory_space<vmem>>, vector<1x1x16xf32>,
        %get3A_1139 = vector.shape_cast %get3A_1138 : vector<1x1x16xf32> to vector<16xf32>
        %mul3A_1140 = arith.mulf %get3A_1134, %get3A_1139 : vector<16xf32>
        %swap3A_1141 = arith.index_cast %rem3A_309 : i32 to index
        %swap3A_1142 = arith.index_cast %add3A_1129 : i32 to index
        %swap3A_1143 = arith.constant 0 : index
        %swap3A_1144 = tpu.vector_load %arg12[%swap3A_1141, %swap3A_1142, %swap3A_1143] {strides = array<i32>} : memref<2x128x64xf32, #tpu.memory_space<vmem>>, vector<1x1x16xf32>,
        %swap3A_1145 = vector.shape_cast %swap3A_1144 : vector<1x1x16xf32> to vector<16xf32>
        %swap3A_1146 = vector.shape_cast %mul3A_1140 : vector<16xf32> to vector<1x1x16xf32>
        tpu.vector_store %arg12[%swap3A_1141, %swap3A_1142, %swap3A_1143], %swap3A_1146 {strides = array<i32>} : memref<2x128x64xf32, #tpu.memory_space<vmem>>, vector<1x1x16xf32>,
        %get3A_1147 = arith.index_cast %rem3A_309 : i32 to index
        %get3A_1148 = arith.index_cast %add3A_1129 : i32 to index
        %get3A_1149 = arith.constant 16 : index
        %get3A_1150 = tpu.vector_load %arg10[%get3A_1147, %get3A_1148, %get3A_1149] {strides = array<i32>} : memref<2x128x64xf32, #tpu.memory_space<vmem>>, vector<1x1x16xf32>,
        %get3A_1151 = vector.shape_cast %get3A_1150 : vector<1x1x16xf32> to vector<16xf32>
        %get3A_1152 = arith.index_cast %rem3A_309 : i32 to index
        %get3A_1153 = arith.index_cast %add3A_1129 : i32 to index
        %get3A_1154 = arith.constant 16 : index
        %get3A_1155 = tpu.vector_load %arg11[%get3A_1152, %get3A_1153, %get3A_1154] {strides = array<i32>} : memref<2x128x64xf32, #tpu.memory_space<vmem>>, vector<1x1x16xf32>,
        %get3A_1156 = vector.shape_cast %get3A_1155 : vector<1x1x16xf32> to vector<16xf32>
        %mul3A_1157 = arith.mulf %get3A_1151, %get3A_1156 : vector<16xf32>
        %swap3A_1158 = arith.index_cast %rem3A_309 : i32 to index
        %swap3A_1159 = arith.index_cast %add3A_1129 : i32 to index
        %swap3A_1160 = arith.constant 16 : index
        %swap3A_1161 = tpu.vector_load %arg12[%swap3A_1158, %swap3A_1159, %swap3A_1160] {strides = array<i32>} : memref<2x128x64xf32, #tpu.memory_space<vmem>>, vector<1x1x16xf32>,
        %swap3A_1162 = vector.shape_cast %swap3A_1161 : vector<1x1x16xf32> to vector<16xf32>
        %swap3A_1163 = vector.shape_cast %mul3A_1157 : vector<16xf32> to vector<1x1x16xf32>
        tpu.vector_store %arg12[%swap3A_1158, %swap3A_1159, %swap3A_1160], %swap3A_1163 {strides = array<i32>} : memref<2x128x64xf32, #tpu.memory_space<vmem>>, vector<1x1x16xf32>,
        %get3A_1164 = arith.index_cast %rem3A_309 : i32 to index
        %get3A_1165 = arith.index_cast %add3A_1129 : i32 to index
        %get3A_1166 = arith.constant 32 : index
        %get3A_1167 = tpu.vector_load %arg10[%get3A_1164, %get3A_1165, %get3A_1166] {strides = array<i32>} : memref<2x128x64xf32, #tpu.memory_space<vmem>>, vector<1x1x16xf32>,
        %get3A_1168 = vector.shape_cast %get3A_1167 : vector<1x1x16xf32> to vector<16xf32>
        %get3A_1169 = arith.index_cast %rem3A_309 : i32 to index
        %get3A_1170 = arith.index_cast %add3A_1129 : i32 to index
        %get3A_1171 = arith.constant 32 : index
        %get3A_1172 = tpu.vector_load %arg11[%get3A_1169, %get3A_1170, %get3A_1171] {strides = array<i32>} : memref<2x128x64xf32, #tpu.memory_space<vmem>>, vector<1x1x16xf32>,
        %get3A_1173 = vector.shape_cast %get3A_1172 : vector<1x1x16xf32> to vector<16xf32>
        %mul3A_1174 = arith.mulf %get3A_1168, %get3A_1173 : vector<16xf32>
        %swap3A_1175 = arith.index_cast %rem3A_309 : i32 to index
        %swap3A_1176 = arith.index_cast %add3A_1129 : i32 to index
        %swap3A_1177 = arith.constant 32 : index
        %swap3A_1178 = tpu.vector_load %arg12[%swap3A_1175, %swap3A_1176, %swap3A_1177] {strides = array<i32>} : memref<2x128x64xf32, #tpu.memory_space<vmem>>, vector<1x1x16xf32>,
        %swap3A_1179 = vector.shape_cast %swap3A_1178 : vector<1x1x16xf32> to vector<16xf32>
        %swap3A_1180 = vector.shape_cast %mul3A_1174 : vector<16xf32> to vector<1x1x16xf32>
        tpu.vector_store %arg12[%swap3A_1175, %swap3A_1176, %swap3A_1177], %swap3A_1180 {strides = array<i32>} : memref<2x128x64xf32, #tpu.memory_space<vmem>>, vector<1x1x16xf32>,
        %get3A_1181 = arith.index_cast %rem3A_309 : i32 to index
        %get3A_1182 = arith.index_cast %add3A_1129 : i32 to index
        %get3A_1183 = arith.constant 48 : index
        %get3A_1184 = tpu.vector_load %arg10[%get3A_1181, %get3A_1182, %get3A_1183] {strides = array<i32>} : memref<2x128x64xf32, #tpu.memory_space<vmem>>, vector<1x1x16xf32>,
        %get3A_1185 = vector.shape_cast %get3A_1184 : vector<1x1x16xf32> to vector<16xf32>
        %get3A_1186 = arith.index_cast %rem3A_309 : i32 to index
        %get3A_1187 = arith.index_cast %add3A_1129 : i32 to index
        %get3A_1188 = arith.constant 48 : index
        %get3A_1189 = tpu.vector_load %arg11[%get3A_1186, %get3A_1187, %get3A_1188] {strides = array<i32>} : memref<2x128x64xf32, #tpu.memory_space<vmem>>, vector<1x1x16xf32>,
        %get3A_1190 = vector.shape_cast %get3A_1189 : vector<1x1x16xf32> to vector<16xf32>
        %mul3A_1191 = arith.mulf %get3A_1185, %get3A_1190 : vector<16xf32>
        %swap3A_1192 = arith.index_cast %rem3A_309 : i32 to index
        %swap3A_1193 = arith.index_cast %add3A_1129 : i32 to index
        %swap3A_1194 = arith.constant 48 : index
        %swap3A_1195 = tpu.vector_load %arg12[%swap3A_1192, %swap3A_1193, %swap3A_1194] {strides = array<i32>} : memref<2x128x64xf32, #tpu.memory_space<vmem>>, vector<1x1x16xf32>,
        %swap3A_1196 = vector.shape_cast %swap3A_1195 : vector<1x1x16xf32> to vector<16xf32>
        %swap3A_1197 = vector.shape_cast %mul3A_1191 : vector<16xf32> to vector<1x1x16xf32>
        tpu.vector_store %arg12[%swap3A_1192, %swap3A_1193, %swap3A_1194], %swap3A_1197 {strides = array<i32>} : memref<2x128x64xf32, #tpu.memory_space<vmem>>, vector<1x1x16xf32>,
        %mul3A_1198 = arith.constant 16 : i32
        %mul3A_1199 = arith.muli %scan3A_476, %mul3A_1198 : i32
        %add3A_1200 = arith.constant 10 : i32
        %add3A_1201 = arith.addi %mul3A_1199, %add3A_1200 : i32
        %get3A_1202 = arith.index_cast %rem3A_309 : i32 to index
        %get3A_1203 = arith.index_cast %add3A_1201 : i32 to index
        %get3A_1204 = arith.constant 0 : index
        %get3A_1205 = tpu.vector_load %arg10[%get3A_1202, %get3A_1203, %get3A_1204] {strides = array<i32>} : memref<2x128x64xf32, #tpu.memory_space<vmem>>, vector<1x1x16xf32>,
        %get3A_1206 = vector.shape_cast %get3A_1205 : vector<1x1x16xf32> to vector<16xf32>
        %get3A_1207 = arith.index_cast %rem3A_309 : i32 to index
        %get3A_1208 = arith.index_cast %add3A_1201 : i32 to index
        %get3A_1209 = arith.constant 0 : index
        %get3A_1210 = tpu.vector_load %arg11[%get3A_1207, %get3A_1208, %get3A_1209] {strides = array<i32>} : memref<2x128x64xf32, #tpu.memory_space<vmem>>, vector<1x1x16xf32>,
        %get3A_1211 = vector.shape_cast %get3A_1210 : vector<1x1x16xf32> to vector<16xf32>
        %mul3A_1212 = arith.mulf %get3A_1206, %get3A_1211 : vector<16xf32>
        %swap3A_1213 = arith.index_cast %rem3A_309 : i32 to index
        %swap3A_1214 = arith.index_cast %add3A_1201 : i32 to index
        %swap3A_1215 = arith.constant 0 : index
        %swap3A_1216 = tpu.vector_load %arg12[%swap3A_1213, %swap3A_1214, %swap3A_1215] {strides = array<i32>} : memref<2x128x64xf32, #tpu.memory_space<vmem>>, vector<1x1x16xf32>,
        %swap3A_1217 = vector.shape_cast %swap3A_1216 : vector<1x1x16xf32> to vector<16xf32>
        %swap3A_1218 = vector.shape_cast %mul3A_1212 : vector<16xf32> to vector<1x1x16xf32>
        tpu.vector_store %arg12[%swap3A_1213, %swap3A_1214, %swap3A_1215], %swap3A_1218 {strides = array<i32>} : memref<2x128x64xf32, #tpu.memory_space<vmem>>, vector<1x1x16xf32>,
        %get3A_1219 = arith.index_cast %rem3A_309 : i32 to index
        %get3A_1220 = arith.index_cast %add3A_1201 : i32 to index
        %get3A_1221 = arith.constant 16 : index
        %get3A_1222 = tpu.vector_load %arg10[%get3A_1219, %get3A_1220, %get3A_1221] {strides = array<i32>} : memref<2x128x64xf32, #tpu.memory_space<vmem>>, vector<1x1x16xf32>,
        %get3A_1223 = vector.shape_cast %get3A_1222 : vector<1x1x16xf32> to vector<16xf32>
        %get3A_1224 = arith.index_cast %rem3A_309 : i32 to index
        %get3A_1225 = arith.index_cast %add3A_1201 : i32 to index
        %get3A_1226 = arith.constant 16 : index
        %get3A_1227 = tpu.vector_load %arg11[%get3A_1224, %get3A_1225, %get3A_1226] {strides = array<i32>} : memref<2x128x64xf32, #tpu.memory_space<vmem>>, vector<1x1x16xf32>,
        %get3A_1228 = vector.shape_cast %get3A_1227 : vector<1x1x16xf32> to vector<16xf32>
        %mul3A_1229 = arith.mulf %get3A_1223, %get3A_1228 : vector<16xf32>
        %swap3A_1230 = arith.index_cast %rem3A_309 : i32 to index
        %swap3A_1231 = arith.index_cast %add3A_1201 : i32 to index
        %swap3A_1232 = arith.constant 16 : index
        %swap3A_1233 = tpu.vector_load %arg12[%swap3A_1230, %swap3A_1231, %swap3A_1232] {strides = array<i32>} : memref<2x128x64xf32, #tpu.memory_space<vmem>>, vector<1x1x16xf32>,
        %swap3A_1234 = vector.shape_cast %swap3A_1233 : vector<1x1x16xf32> to vector<16xf32>
        %swap3A_1235 = vector.shape_cast %mul3A_1229 : vector<16xf32> to vector<1x1x16xf32>
        tpu.vector_store %arg12[%swap3A_1230, %swap3A_1231, %swap3A_1232], %swap3A_1235 {strides = array<i32>} : memref<2x128x64xf32, #tpu.memory_space<vmem>>, vector<1x1x16xf32>,
        %get3A_1236 = arith.index_cast %rem3A_309 : i32 to index
        %get3A_1237 = arith.index_cast %add3A_1201 : i32 to index
        %get3A_1238 = arith.constant 32 : index
        %get3A_1239 = tpu.vector_load %arg10[%get3A_1236, %get3A_1237, %get3A_1238] {strides = array<i32>} : memref<2x128x64xf32, #tpu.memory_space<vmem>>, vector<1x1x16xf32>,
        %get3A_1240 = vector.shape_cast %get3A_1239 : vector<1x1x16xf32> to vector<16xf32>
        %get3A_1241 = arith.index_cast %rem3A_309 : i32 to index
        %get3A_1242 = arith.index_cast %add3A_1201 : i32 to index
        %get3A_1243 = arith.constant 32 : index
        %get3A_1244 = tpu.vector_load %arg11[%get3A_1241, %get3A_1242, %get3A_1243] {strides = array<i32>} : memref<2x128x64xf32, #tpu.memory_space<vmem>>, vector<1x1x16xf32>,
        %get3A_1245 = vector.shape_cast %get3A_1244 : vector<1x1x16xf32> to vector<16xf32>
        %mul3A_1246 = arith.mulf %get3A_1240, %get3A_1245 : vector<16xf32>
        %swap3A_1247 = arith.index_cast %rem3A_309 : i32 to index
        %swap3A_1248 = arith.index_cast %add3A_1201 : i32 to index
        %swap3A_1249 = arith.constant 32 : index
        %swap3A_1250 = tpu.vector_load %arg12[%swap3A_1247, %swap3A_1248, %swap3A_1249] {strides = array<i32>} : memref<2x128x64xf32, #tpu.memory_space<vmem>>, vector<1x1x16xf32>,
        %swap3A_1251 = vector.shape_cast %swap3A_1250 : vector<1x1x16xf32> to vector<16xf32>
        %swap3A_1252 = vector.shape_cast %mul3A_1246 : vector<16xf32> to vector<1x1x16xf32>
        tpu.vector_store %arg12[%swap3A_1247, %swap3A_1248, %swap3A_1249], %swap3A_1252 {strides = array<i32>} : memref<2x128x64xf32, #tpu.memory_space<vmem>>, vector<1x1x16xf32>,
        %get3A_1253 = arith.index_cast %rem3A_309 : i32 to index
        %get3A_1254 = arith.index_cast %add3A_1201 : i32 to index
        %get3A_1255 = arith.constant 48 : index
        %get3A_1256 = tpu.vector_load %arg10[%get3A_1253, %get3A_1254, %get3A_1255] {strides = array<i32>} : memref<2x128x64xf32, #tpu.memory_space<vmem>>, vector<1x1x16xf32>,
        %get3A_1257 = vector.shape_cast %get3A_1256 : vector<1x1x16xf32> to vector<16xf32>
        %get3A_1258 = arith.index_cast %rem3A_309 : i32 to index
        %get3A_1259 = arith.index_cast %add3A_1201 : i32 to index
        %get3A_1260 = arith.constant 48 : index
        %get3A_1261 = tpu.vector_load %arg11[%get3A_1258, %get3A_1259, %get3A_1260] {strides = array<i32>} : memref<2x128x64xf32, #tpu.memory_space<vmem>>, vector<1x1x16xf32>,
        %get3A_1262 = vector.shape_cast %get3A_1261 : vector<1x1x16xf32> to vector<16xf32>
        %mul3A_1263 = arith.mulf %get3A_1257, %get3A_1262 : vector<16xf32>
        %swap3A_1264 = arith.index_cast %rem3A_309 : i32 to index
        %swap3A_1265 = arith.index_cast %add3A_1201 : i32 to index
        %swap3A_1266 = arith.constant 48 : index
        %swap3A_1267 = tpu.vector_load %arg12[%swap3A_1264, %swap3A_1265, %swap3A_1266] {strides = array<i32>} : memref<2x128x64xf32, #tpu.memory_space<vmem>>, vector<1x1x16xf32>,
        %swap3A_1268 = vector.shape_cast %swap3A_1267 : vector<1x1x16xf32> to vector<16xf32>
        %swap3A_1269 = vector.shape_cast %mul3A_1263 : vector<16xf32> to vector<1x1x16xf32>
        tpu.vector_store %arg12[%swap3A_1264, %swap3A_1265, %swap3A_1266], %swap3A_1269 {strides = array<i32>} : memref<2x128x64xf32, #tpu.memory_space<vmem>>, vector<1x1x16xf32>,
        %mul3A_1270 = arith.constant 16 : i32
        %mul3A_1271 = arith.muli %scan3A_476, %mul3A_1270 : i32
        %add3A_1272 = arith.constant 11 : i32
        %add3A_1273 = arith.addi %mul3A_1271, %add3A_1272 : i32
        %get3A_1274 = arith.index_cast %rem3A_309 : i32 to index
        %get3A_1275 = arith.index_cast %add3A_1273 : i32 to index
        %get3A_1276 = arith.constant 0 : index
        %get3A_1277 = tpu.vector_load %arg10[%get3A_1274, %get3A_1275, %get3A_1276] {strides = array<i32>} : memref<2x128x64xf32, #tpu.memory_space<vmem>>, vector<1x1x16xf32>,
        %get3A_1278 = vector.shape_cast %get3A_1277 : vector<1x1x16xf32> to vector<16xf32>
        %get3A_1279 = arith.index_cast %rem3A_309 : i32 to index
        %get3A_1280 = arith.index_cast %add3A_1273 : i32 to index
        %get3A_1281 = arith.constant 0 : index
        %get3A_1282 = tpu.vector_load %arg11[%get3A_1279, %get3A_1280, %get3A_1281] {strides = array<i32>} : memref<2x128x64xf32, #tpu.memory_space<vmem>>, vector<1x1x16xf32>,
        %get3A_1283 = vector.shape_cast %get3A_1282 : vector<1x1x16xf32> to vector<16xf32>
        %mul3A_1284 = arith.mulf %get3A_1278, %get3A_1283 : vector<16xf32>
        %swap3A_1285 = arith.index_cast %rem3A_309 : i32 to index
        %swap3A_1286 = arith.index_cast %add3A_1273 : i32 to index
        %swap3A_1287 = arith.constant 0 : index
        %swap3A_1288 = tpu.vector_load %arg12[%swap3A_1285, %swap3A_1286, %swap3A_1287] {strides = array<i32>} : memref<2x128x64xf32, #tpu.memory_space<vmem>>, vector<1x1x16xf32>,
        %swap3A_1289 = vector.shape_cast %swap3A_1288 : vector<1x1x16xf32> to vector<16xf32>
        %swap3A_1290 = vector.shape_cast %mul3A_1284 : vector<16xf32> to vector<1x1x16xf32>
        tpu.vector_store %arg12[%swap3A_1285, %swap3A_1286, %swap3A_1287], %swap3A_1290 {strides = array<i32>} : memref<2x128x64xf32, #tpu.memory_space<vmem>>, vector<1x1x16xf32>,
        %get3A_1291 = arith.index_cast %rem3A_309 : i32 to index
        %get3A_1292 = arith.index_cast %add3A_1273 : i32 to index
        %get3A_1293 = arith.constant 16 : index
        %get3A_1294 = tpu.vector_load %arg10[%get3A_1291, %get3A_1292, %get3A_1293] {strides = array<i32>} : memref<2x128x64xf32, #tpu.memory_space<vmem>>, vector<1x1x16xf32>,
        %get3A_1295 = vector.shape_cast %get3A_1294 : vector<1x1x16xf32> to vector<16xf32>
        %get3A_1296 = arith.index_cast %rem3A_309 : i32 to index
        %get3A_1297 = arith.index_cast %add3A_1273 : i32 to index
        %get3A_1298 = arith.constant 16 : index
        %get3A_1299 = tpu.vector_load %arg11[%get3A_1296, %get3A_1297, %get3A_1298] {strides = array<i32>} : memref<2x128x64xf32, #tpu.memory_space<vmem>>, vector<1x1x16xf32>,
        %get3A_1300 = vector.shape_cast %get3A_1299 : vector<1x1x16xf32> to vector<16xf32>
        %mul3A_1301 = arith.mulf %get3A_1295, %get3A_1300 : vector<16xf32>
        %swap3A_1302 = arith.index_cast %rem3A_309 : i32 to index
        %swap3A_1303 = arith.index_cast %add3A_1273 : i32 to index
        %swap3A_1304 = arith.constant 16 : index
        %swap3A_1305 = tpu.vector_load %arg12[%swap3A_1302, %swap3A_1303, %swap3A_1304] {strides = array<i32>} : memref<2x128x64xf32, #tpu.memory_space<vmem>>, vector<1x1x16xf32>,
        %swap3A_1306 = vector.shape_cast %swap3A_1305 : vector<1x1x16xf32> to vector<16xf32>
        %swap3A_1307 = vector.shape_cast %mul3A_1301 : vector<16xf32> to vector<1x1x16xf32>
        tpu.vector_store %arg12[%swap3A_1302, %swap3A_1303, %swap3A_1304], %swap3A_1307 {strides = array<i32>} : memref<2x128x64xf32, #tpu.memory_space<vmem>>, vector<1x1x16xf32>,
        %get3A_1308 = arith.index_cast %rem3A_309 : i32 to index
        %get3A_1309 = arith.index_cast %add3A_1273 : i32 to index
        %get3A_1310 = arith.constant 32 : index
        %get3A_1311 = tpu.vector_load %arg10[%get3A_1308, %get3A_1309, %get3A_1310] {strides = array<i32>} : memref<2x128x64xf32, #tpu.memory_space<vmem>>, vector<1x1x16xf32>,
        %get3A_1312 = vector.shape_cast %get3A_1311 : vector<1x1x16xf32> to vector<16xf32>
        %get3A_1313 = arith.index_cast %rem3A_309 : i32 to index
        %get3A_1314 = arith.index_cast %add3A_1273 : i32 to index
        %get3A_1315 = arith.constant 32 : index
        %get3A_1316 = tpu.vector_load %arg11[%get3A_1313, %get3A_1314, %get3A_1315] {strides = array<i32>} : memref<2x128x64xf32, #tpu.memory_space<vmem>>, vector<1x1x16xf32>,
        %get3A_1317 = vector.shape_cast %get3A_1316 : vector<1x1x16xf32> to vector<16xf32>
        %mul3A_1318 = arith.mulf %get3A_1312, %get3A_1317 : vector<16xf32>
        %swap3A_1319 = arith.index_cast %rem3A_309 : i32 to index
        %swap3A_1320 = arith.index_cast %add3A_1273 : i32 to index
        %swap3A_1321 = arith.constant 32 : index
        %swap3A_1322 = tpu.vector_load %arg12[%swap3A_1319, %swap3A_1320, %swap3A_1321] {strides = array<i32>} : memref<2x128x64xf32, #tpu.memory_space<vmem>>, vector<1x1x16xf32>,
        %swap3A_1323 = vector.shape_cast %swap3A_1322 : vector<1x1x16xf32> to vector<16xf32>
        %swap3A_1324 = vector.shape_cast %mul3A_1318 : vector<16xf32> to vector<1x1x16xf32>
        tpu.vector_store %arg12[%swap3A_1319, %swap3A_1320, %swap3A_1321], %swap3A_1324 {strides = array<i32>} : memref<2x128x64xf32, #tpu.memory_space<vmem>>, vector<1x1x16xf32>,
        %get3A_1325 = arith.index_cast %rem3A_309 : i32 to index
        %get3A_1326 = arith.index_cast %add3A_1273 : i32 to index
        %get3A_1327 = arith.constant 48 : index
        %get3A_1328 = tpu.vector_load %arg10[%get3A_1325, %get3A_1326, %get3A_1327] {strides = array<i32>} : memref<2x128x64xf32, #tpu.memory_space<vmem>>, vector<1x1x16xf32>,
        %get3A_1329 = vector.shape_cast %get3A_1328 : vector<1x1x16xf32> to vector<16xf32>
        %get3A_1330 = arith.index_cast %rem3A_309 : i32 to index
        %get3A_1331 = arith.index_cast %add3A_1273 : i32 to index
        %get3A_1332 = arith.constant 48 : index
        %get3A_1333 = tpu.vector_load %arg11[%get3A_1330, %get3A_1331, %get3A_1332] {strides = array<i32>} : memref<2x128x64xf32, #tpu.memory_space<vmem>>, vector<1x1x16xf32>,
        %get3A_1334 = vector.shape_cast %get3A_1333 : vector<1x1x16xf32> to vector<16xf32>
        %mul3A_1335 = arith.mulf %get3A_1329, %get3A_1334 : vector<16xf32>
        %swap3A_1336 = arith.index_cast %rem3A_309 : i32 to index
        %swap3A_1337 = arith.index_cast %add3A_1273 : i32 to index
        %swap3A_1338 = arith.constant 48 : index
        %swap3A_1339 = tpu.vector_load %arg12[%swap3A_1336, %swap3A_1337, %swap3A_1338] {strides = array<i32>} : memref<2x128x64xf32, #tpu.memory_space<vmem>>, vector<1x1x16xf32>,
        %swap3A_1340 = vector.shape_cast %swap3A_1339 : vector<1x1x16xf32> to vector<16xf32>
        %swap3A_1341 = vector.shape_cast %mul3A_1335 : vector<16xf32> to vector<1x1x16xf32>
        tpu.vector_store %arg12[%swap3A_1336, %swap3A_1337, %swap3A_1338], %swap3A_1341 {strides = array<i32>} : memref<2x128x64xf32, #tpu.memory_space<vmem>>, vector<1x1x16xf32>,
        %mul3A_1342 = arith.constant 16 : i32
        %mul3A_1343 = arith.muli %scan3A_476, %mul3A_1342 : i32
        %add3A_1344 = arith.constant 12 : i32
        %add3A_1345 = arith.addi %mul3A_1343, %add3A_1344 : i32
        %get3A_1346 = arith.index_cast %rem3A_309 : i32 to index
        %get3A_1347 = arith.index_cast %add3A_1345 : i32 to index
        %get3A_1348 = arith.constant 0 : index
        %get3A_1349 = tpu.vector_load %arg10[%get3A_1346, %get3A_1347, %get3A_1348] {strides = array<i32>} : memref<2x128x64xf32, #tpu.memory_space<vmem>>, vector<1x1x16xf32>,
        %get3A_1350 = vector.shape_cast %get3A_1349 : vector<1x1x16xf32> to vector<16xf32>
        %get3A_1351 = arith.index_cast %rem3A_309 : i32 to index
        %get3A_1352 = arith.index_cast %add3A_1345 : i32 to index
        %get3A_1353 = arith.constant 0 : index
        %get3A_1354 = tpu.vector_load %arg11[%get3A_1351, %get3A_1352, %get3A_1353] {strides = array<i32>} : memref<2x128x64xf32, #tpu.memory_space<vmem>>, vector<1x1x16xf32>,
        %get3A_1355 = vector.shape_cast %get3A_1354 : vector<1x1x16xf32> to vector<16xf32>
        %mul3A_1356 = arith.mulf %get3A_1350, %get3A_1355 : vector<16xf32>
        %swap3A_1357 = arith.index_cast %rem3A_309 : i32 to index
        %swap3A_1358 = arith.index_cast %add3A_1345 : i32 to index
        %swap3A_1359 = arith.constant 0 : index
        %swap3A_1360 = tpu.vector_load %arg12[%swap3A_1357, %swap3A_1358, %swap3A_1359] {strides = array<i32>} : memref<2x128x64xf32, #tpu.memory_space<vmem>>, vector<1x1x16xf32>,
        %swap3A_1361 = vector.shape_cast %swap3A_1360 : vector<1x1x16xf32> to vector<16xf32>
        %swap3A_1362 = vector.shape_cast %mul3A_1356 : vector<16xf32> to vector<1x1x16xf32>
        tpu.vector_store %arg12[%swap3A_1357, %swap3A_1358, %swap3A_1359], %swap3A_1362 {strides = array<i32>} : memref<2x128x64xf32, #tpu.memory_space<vmem>>, vector<1x1x16xf32>,
        %get3A_1363 = arith.index_cast %rem3A_309 : i32 to index
        %get3A_1364 = arith.index_cast %add3A_1345 : i32 to index
        %get3A_1365 = arith.constant 16 : index
        %get3A_1366 = tpu.vector_load %arg10[%get3A_1363, %get3A_1364, %get3A_1365] {strides = array<i32>} : memref<2x128x64xf32, #tpu.memory_space<vmem>>, vector<1x1x16xf32>,
        %get3A_1367 = vector.shape_cast %get3A_1366 : vector<1x1x16xf32> to vector<16xf32>
        %get3A_1368 = arith.index_cast %rem3A_309 : i32 to index
        %get3A_1369 = arith.index_cast %add3A_1345 : i32 to index
        %get3A_1370 = arith.constant 16 : index
        %get3A_1371 = tpu.vector_load %arg11[%get3A_1368, %get3A_1369, %get3A_1370] {strides = array<i32>} : memref<2x128x64xf32, #tpu.memory_space<vmem>>, vector<1x1x16xf32>,
        %get3A_1372 = vector.shape_cast %get3A_1371 : vector<1x1x16xf32> to vector<16xf32>
        %mul3A_1373 = arith.mulf %get3A_1367, %get3A_1372 : vector<16xf32>
        %swap3A_1374 = arith.index_cast %rem3A_309 : i32 to index
        %swap3A_1375 = arith.index_cast %add3A_1345 : i32 to index
        %swap3A_1376 = arith.constant 16 : index
        %swap3A_1377 = tpu.vector_load %arg12[%swap3A_1374, %swap3A_1375, %swap3A_1376] {strides = array<i32>} : memref<2x128x64xf32, #tpu.memory_space<vmem>>, vector<1x1x16xf32>,
        %swap3A_1378 = vector.shape_cast %swap3A_1377 : vector<1x1x16xf32> to vector<16xf32>
        %swap3A_1379 = vector.shape_cast %mul3A_1373 : vector<16xf32> to vector<1x1x16xf32>
        tpu.vector_store %arg12[%swap3A_1374, %swap3A_1375, %swap3A_1376], %swap3A_1379 {strides = array<i32>} : memref<2x128x64xf32, #tpu.memory_space<vmem>>, vector<1x1x16xf32>,
        %get3A_1380 = arith.index_cast %rem3A_309 : i32 to index
        %get3A_1381 = arith.index_cast %add3A_1345 : i32 to index
        %get3A_1382 = arith.constant 32 : index
        %get3A_1383 = tpu.vector_load %arg10[%get3A_1380, %get3A_1381, %get3A_1382] {strides = array<i32>} : memref<2x128x64xf32, #tpu.memory_space<vmem>>, vector<1x1x16xf32>,
        %get3A_1384 = vector.shape_cast %get3A_1383 : vector<1x1x16xf32> to vector<16xf32>
        %get3A_1385 = arith.index_cast %rem3A_309 : i32 to index
        %get3A_1386 = arith.index_cast %add3A_1345 : i32 to index
        %get3A_1387 = arith.constant 32 : index
        %get3A_1388 = tpu.vector_load %arg11[%get3A_1385, %get3A_1386, %get3A_1387] {strides = array<i32>} : memref<2x128x64xf32, #tpu.memory_space<vmem>>, vector<1x1x16xf32>,
        %get3A_1389 = vector.shape_cast %get3A_1388 : vector<1x1x16xf32> to vector<16xf32>
        %mul3A_1390 = arith.mulf %get3A_1384, %get3A_1389 : vector<16xf32>
        %swap3A_1391 = arith.index_cast %rem3A_309 : i32 to index
        %swap3A_1392 = arith.index_cast %add3A_1345 : i32 to index
        %swap3A_1393 = arith.constant 32 : index
        %swap3A_1394 = tpu.vector_load %arg12[%swap3A_1391, %swap3A_1392, %swap3A_1393] {strides = array<i32>} : memref<2x128x64xf32, #tpu.memory_space<vmem>>, vector<1x1x16xf32>,
        %swap3A_1395 = vector.shape_cast %swap3A_1394 : vector<1x1x16xf32> to vector<16xf32>
        %swap3A_1396 = vector.shape_cast %mul3A_1390 : vector<16xf32> to vector<1x1x16xf32>
        tpu.vector_store %arg12[%swap3A_1391, %swap3A_1392, %swap3A_1393], %swap3A_1396 {strides = array<i32>} : memref<2x128x64xf32, #tpu.memory_space<vmem>>, vector<1x1x16xf32>,
        %get3A_1397 = arith.index_cast %rem3A_309 : i32 to index
        %get3A_1398 = arith.index_cast %add3A_1345 : i32 to index
        %get3A_1399 = arith.constant 48 : index
        %get3A_1400 = tpu.vector_load %arg10[%get3A_1397, %get3A_1398, %get3A_1399] {strides = array<i32>} : memref<2x128x64xf32, #tpu.memory_space<vmem>>, vector<1x1x16xf32>,
        %get3A_1401 = vector.shape_cast %get3A_1400 : vector<1x1x16xf32> to vector<16xf32>
        %get3A_1402 = arith.index_cast %rem3A_309 : i32 to index
        %get3A_1403 = arith.index_cast %add3A_1345 : i32 to index
        %get3A_1404 = arith.constant 48 : index
        %get3A_1405 = tpu.vector_load %arg11[%get3A_1402, %get3A_1403, %get3A_1404] {strides = array<i32>} : memref<2x128x64xf32, #tpu.memory_space<vmem>>, vector<1x1x16xf32>,
        %get3A_1406 = vector.shape_cast %get3A_1405 : vector<1x1x16xf32> to vector<16xf32>
        %mul3A_1407 = arith.mulf %get3A_1401, %get3A_1406 : vector<16xf32>
        %swap3A_1408 = arith.index_cast %rem3A_309 : i32 to index
        %swap3A_1409 = arith.index_cast %add3A_1345 : i32 to index
        %swap3A_1410 = arith.constant 48 : index
        %swap3A_1411 = tpu.vector_load %arg12[%swap3A_1408, %swap3A_1409, %swap3A_1410] {strides = array<i32>} : memref<2x128x64xf32, #tpu.memory_space<vmem>>, vector<1x1x16xf32>,
        %swap3A_1412 = vector.shape_cast %swap3A_1411 : vector<1x1x16xf32> to vector<16xf32>
        %swap3A_1413 = vector.shape_cast %mul3A_1407 : vector<16xf32> to vector<1x1x16xf32>
        tpu.vector_store %arg12[%swap3A_1408, %swap3A_1409, %swap3A_1410], %swap3A_1413 {strides = array<i32>} : memref<2x128x64xf32, #tpu.memory_space<vmem>>, vector<1x1x16xf32>,
        %mul3A_1414 = arith.constant 16 : i32
        %mul3A_1415 = arith.muli %scan3A_476, %mul3A_1414 : i32
        %add3A_1416 = arith.constant 13 : i32
        %add3A_1417 = arith.addi %mul3A_1415, %add3A_1416 : i32
        %get3A_1418 = arith.index_cast %rem3A_309 : i32 to index
        %get3A_1419 = arith.index_cast %add3A_1417 : i32 to index
        %get3A_1420 = arith.constant 0 : index
        %get3A_1421 = tpu.vector_load %arg10[%get3A_1418, %get3A_1419, %get3A_1420] {strides = array<i32>} : memref<2x128x64xf32, #tpu.memory_space<vmem>>, vector<1x1x16xf32>,
        %get3A_1422 = vector.shape_cast %get3A_1421 : vector<1x1x16xf32> to vector<16xf32>
        %get3A_1423 = arith.index_cast %rem3A_309 : i32 to index
        %get3A_1424 = arith.index_cast %add3A_1417 : i32 to index
        %get3A_1425 = arith.constant 0 : index
        %get3A_1426 = tpu.vector_load %arg11[%get3A_1423, %get3A_1424, %get3A_1425] {strides = array<i32>} : memref<2x128x64xf32, #tpu.memory_space<vmem>>, vector<1x1x16xf32>,
        %get3A_1427 = vector.shape_cast %get3A_1426 : vector<1x1x16xf32> to vector<16xf32>
        %mul3A_1428 = arith.mulf %get3A_1422, %get3A_1427 : vector<16xf32>
        %swap3A_1429 = arith.index_cast %rem3A_309 : i32 to index
        %swap3A_1430 = arith.index_cast %add3A_1417 : i32 to index
        %swap3A_1431 = arith.constant 0 : index
        %swap3A_1432 = tpu.vector_load %arg12[%swap3A_1429, %swap3A_1430, %swap3A_1431] {strides = array<i32>} : memref<2x128x64xf32, #tpu.memory_space<vmem>>, vector<1x1x16xf32>,
        %swap3A_1433 = vector.shape_cast %swap3A_1432 : vector<1x1x16xf32> to vector<16xf32>
        %swap3A_1434 = vector.shape_cast %mul3A_1428 : vector<16xf32> to vector<1x1x16xf32>
        tpu.vector_store %arg12[%swap3A_1429, %swap3A_1430, %swap3A_1431], %swap3A_1434 {strides = array<i32>} : memref<2x128x64xf32, #tpu.memory_space<vmem>>, vector<1x1x16xf32>,
        %get3A_1435 = arith.index_cast %rem3A_309 : i32 to index
        %get3A_1436 = arith.index_cast %add3A_1417 : i32 to index
        %get3A_1437 = arith.constant 16 : index
        %get3A_1438 = tpu.vector_load %arg10[%get3A_1435, %get3A_1436, %get3A_1437] {strides = array<i32>} : memref<2x128x64xf32, #tpu.memory_space<vmem>>, vector<1x1x16xf32>,
        %get3A_1439 = vector.shape_cast %get3A_1438 : vector<1x1x16xf32> to vector<16xf32>
        %get3A_1440 = arith.index_cast %rem3A_309 : i32 to index
        %get3A_1441 = arith.index_cast %add3A_1417 : i32 to index
        %get3A_1442 = arith.constant 16 : index
        %get3A_1443 = tpu.vector_load %arg11[%get3A_1440, %get3A_1441, %get3A_1442] {strides = array<i32>} : memref<2x128x64xf32, #tpu.memory_space<vmem>>, vector<1x1x16xf32>,
        %get3A_1444 = vector.shape_cast %get3A_1443 : vector<1x1x16xf32> to vector<16xf32>
        %mul3A_1445 = arith.mulf %get3A_1439, %get3A_1444 : vector<16xf32>
        %swap3A_1446 = arith.index_cast %rem3A_309 : i32 to index
        %swap3A_1447 = arith.index_cast %add3A_1417 : i32 to index
        %swap3A_1448 = arith.constant 16 : index
        %swap3A_1449 = tpu.vector_load %arg12[%swap3A_1446, %swap3A_1447, %swap3A_1448] {strides = array<i32>} : memref<2x128x64xf32, #tpu.memory_space<vmem>>, vector<1x1x16xf32>,
        %swap3A_1450 = vector.shape_cast %swap3A_1449 : vector<1x1x16xf32> to vector<16xf32>
        %swap3A_1451 = vector.shape_cast %mul3A_1445 : vector<16xf32> to vector<1x1x16xf32>
        tpu.vector_store %arg12[%swap3A_1446, %swap3A_1447, %swap3A_1448], %swap3A_1451 {strides = array<i32>} : memref<2x128x64xf32, #tpu.memory_space<vmem>>, vector<1x1x16xf32>,
        %get3A_1452 = arith.index_cast %rem3A_309 : i32 to index
        %get3A_1453 = arith.index_cast %add3A_1417 : i32 to index
        %get3A_1454 = arith.constant 32 : index
        %get3A_1455 = tpu.vector_load %arg10[%get3A_1452, %get3A_1453, %get3A_1454] {strides = array<i32>} : memref<2x128x64xf32, #tpu.memory_space<vmem>>, vector<1x1x16xf32>,
        %get3A_1456 = vector.shape_cast %get3A_1455 : vector<1x1x16xf32> to vector<16xf32>
        %get3A_1457 = arith.index_cast %rem3A_309 : i32 to index
        %get3A_1458 = arith.index_cast %add3A_1417 : i32 to index
        %get3A_1459 = arith.constant 32 : index
        %get3A_1460 = tpu.vector_load %arg11[%get3A_1457, %get3A_1458, %get3A_1459] {strides = array<i32>} : memref<2x128x64xf32, #tpu.memory_space<vmem>>, vector<1x1x16xf32>,
        %get3A_1461 = vector.shape_cast %get3A_1460 : vector<1x1x16xf32> to vector<16xf32>
        %mul3A_1462 = arith.mulf %get3A_1456, %get3A_1461 : vector<16xf32>
        %swap3A_1463 = arith.index_cast %rem3A_309 : i32 to index
        %swap3A_1464 = arith.index_cast %add3A_1417 : i32 to index
        %swap3A_1465 = arith.constant 32 : index
        %swap3A_1466 = tpu.vector_load %arg12[%swap3A_1463, %swap3A_1464, %swap3A_1465] {strides = array<i32>} : memref<2x128x64xf32, #tpu.memory_space<vmem>>, vector<1x1x16xf32>,
        %swap3A_1467 = vector.shape_cast %swap3A_1466 : vector<1x1x16xf32> to vector<16xf32>
        %swap3A_1468 = vector.shape_cast %mul3A_1462 : vector<16xf32> to vector<1x1x16xf32>
        tpu.vector_store %arg12[%swap3A_1463, %swap3A_1464, %swap3A_1465], %swap3A_1468 {strides = array<i32>} : memref<2x128x64xf32, #tpu.memory_space<vmem>>, vector<1x1x16xf32>,
        %get3A_1469 = arith.index_cast %rem3A_309 : i32 to index
        %get3A_1470 = arith.index_cast %add3A_1417 : i32 to index
        %get3A_1471 = arith.constant 48 : index
        %get3A_1472 = tpu.vector_load %arg10[%get3A_1469, %get3A_1470, %get3A_1471] {strides = array<i32>} : memref<2x128x64xf32, #tpu.memory_space<vmem>>, vector<1x1x16xf32>,
        %get3A_1473 = vector.shape_cast %get3A_1472 : vector<1x1x16xf32> to vector<16xf32>
        %get3A_1474 = arith.index_cast %rem3A_309 : i32 to index
        %get3A_1475 = arith.index_cast %add3A_1417 : i32 to index
        %get3A_1476 = arith.constant 48 : index
        %get3A_1477 = tpu.vector_load %arg11[%get3A_1474, %get3A_1475, %get3A_1476] {strides = array<i32>} : memref<2x128x64xf32, #tpu.memory_space<vmem>>, vector<1x1x16xf32>,
        %get3A_1478 = vector.shape_cast %get3A_1477 : vector<1x1x16xf32> to vector<16xf32>
        %mul3A_1479 = arith.mulf %get3A_1473, %get3A_1478 : vector<16xf32>
        %swap3A_1480 = arith.index_cast %rem3A_309 : i32 to index
        %swap3A_1481 = arith.index_cast %add3A_1417 : i32 to index
        %swap3A_1482 = arith.constant 48 : index
        %swap3A_1483 = tpu.vector_load %arg12[%swap3A_1480, %swap3A_1481, %swap3A_1482] {strides = array<i32>} : memref<2x128x64xf32, #tpu.memory_space<vmem>>, vector<1x1x16xf32>,
        %swap3A_1484 = vector.shape_cast %swap3A_1483 : vector<1x1x16xf32> to vector<16xf32>
        %swap3A_1485 = vector.shape_cast %mul3A_1479 : vector<16xf32> to vector<1x1x16xf32>
        tpu.vector_store %arg12[%swap3A_1480, %swap3A_1481, %swap3A_1482], %swap3A_1485 {strides = array<i32>} : memref<2x128x64xf32, #tpu.memory_space<vmem>>, vector<1x1x16xf32>,
        %mul3A_1486 = arith.constant 16 : i32
        %mul3A_1487 = arith.muli %scan3A_476, %mul3A_1486 : i32
        %add3A_1488 = arith.constant 14 : i32
        %add3A_1489 = arith.addi %mul3A_1487, %add3A_1488 : i32
        %get3A_1490 = arith.index_cast %rem3A_309 : i32 to index
        %get3A_1491 = arith.index_cast %add3A_1489 : i32 to index
        %get3A_1492 = arith.constant 0 : index
        %get3A_1493 = tpu.vector_load %arg10[%get3A_1490, %get3A_1491, %get3A_1492] {strides = array<i32>} : memref<2x128x64xf32, #tpu.memory_space<vmem>>, vector<1x1x16xf32>,
        %get3A_1494 = vector.shape_cast %get3A_1493 : vector<1x1x16xf32> to vector<16xf32>
        %get3A_1495 = arith.index_cast %rem3A_309 : i32 to index
        %get3A_1496 = arith.index_cast %add3A_1489 : i32 to index
        %get3A_1497 = arith.constant 0 : index
        %get3A_1498 = tpu.vector_load %arg11[%get3A_1495, %get3A_1496, %get3A_1497] {strides = array<i32>} : memref<2x128x64xf32, #tpu.memory_space<vmem>>, vector<1x1x16xf32>,
        %get3A_1499 = vector.shape_cast %get3A_1498 : vector<1x1x16xf32> to vector<16xf32>
        %mul3A_1500 = arith.mulf %get3A_1494, %get3A_1499 : vector<16xf32>
        %swap3A_1501 = arith.index_cast %rem3A_309 : i32 to index
        %swap3A_1502 = arith.index_cast %add3A_1489 : i32 to index
        %swap3A_1503 = arith.constant 0 : index
        %swap3A_1504 = tpu.vector_load %arg12[%swap3A_1501, %swap3A_1502, %swap3A_1503] {strides = array<i32>} : memref<2x128x64xf32, #tpu.memory_space<vmem>>, vector<1x1x16xf32>,
        %swap3A_1505 = vector.shape_cast %swap3A_1504 : vector<1x1x16xf32> to vector<16xf32>
        %swap3A_1506 = vector.shape_cast %mul3A_1500 : vector<16xf32> to vector<1x1x16xf32>
        tpu.vector_store %arg12[%swap3A_1501, %swap3A_1502, %swap3A_1503], %swap3A_1506 {strides = array<i32>} : memref<2x128x64xf32, #tpu.memory_space<vmem>>, vector<1x1x16xf32>,
        %get3A_1507 = arith.index_cast %rem3A_309 : i32 to index
        %get3A_1508 = arith.index_cast %add3A_1489 : i32 to index
        %get3A_1509 = arith.constant 16 : index
        %get3A_1510 = tpu.vector_load %arg10[%get3A_1507, %get3A_1508, %get3A_1509] {strides = array<i32>} : memref<2x128x64xf32, #tpu.memory_space<vmem>>, vector<1x1x16xf32>,
        %get3A_1511 = vector.shape_cast %get3A_1510 : vector<1x1x16xf32> to vector<16xf32>
        %get3A_1512 = arith.index_cast %rem3A_309 : i32 to index
        %get3A_1513 = arith.index_cast %add3A_1489 : i32 to index
        %get3A_1514 = arith.constant 16 : index
        %get3A_1515 = tpu.vector_load %arg11[%get3A_1512, %get3A_1513, %get3A_1514] {strides = array<i32>} : memref<2x128x64xf32, #tpu.memory_space<vmem>>, vector<1x1x16xf32>,
        %get3A_1516 = vector.shape_cast %get3A_1515 : vector<1x1x16xf32> to vector<16xf32>
        %mul3A_1517 = arith.mulf %get3A_1511, %get3A_1516 : vector<16xf32>
        %swap3A_1518 = arith.index_cast %rem3A_309 : i32 to index
        %swap3A_1519 = arith.index_cast %add3A_1489 : i32 to index
        %swap3A_1520 = arith.constant 16 : index
        %swap3A_1521 = tpu.vector_load %arg12[%swap3A_1518, %swap3A_1519, %swap3A_1520] {strides = array<i32>} : memref<2x128x64xf32, #tpu.memory_space<vmem>>, vector<1x1x16xf32>,
        %swap3A_1522 = vector.shape_cast %swap3A_1521 : vector<1x1x16xf32> to vector<16xf32>
        %swap3A_1523 = vector.shape_cast %mul3A_1517 : vector<16xf32> to vector<1x1x16xf32>
        tpu.vector_store %arg12[%swap3A_1518, %swap3A_1519, %swap3A_1520], %swap3A_1523 {strides = array<i32>} : memref<2x128x64xf32, #tpu.memory_space<vmem>>, vector<1x1x16xf32>,
        %get3A_1524 = arith.index_cast %rem3A_309 : i32 to index
        %get3A_1525 = arith.index_cast %add3A_1489 : i32 to index
        %get3A_1526 = arith.constant 32 : index
        %get3A_1527 = tpu.vector_load %arg10[%get3A_1524, %get3A_1525, %get3A_1526] {strides = array<i32>} : memref<2x128x64xf32, #tpu.memory_space<vmem>>, vector<1x1x16xf32>,
        %get3A_1528 = vector.shape_cast %get3A_1527 : vector<1x1x16xf32> to vector<16xf32>
        %get3A_1529 = arith.index_cast %rem3A_309 : i32 to index
        %get3A_1530 = arith.index_cast %add3A_1489 : i32 to index
        %get3A_1531 = arith.constant 32 : index
        %get3A_1532 = tpu.vector_load %arg11[%get3A_1529, %get3A_1530, %get3A_1531] {strides = array<i32>} : memref<2x128x64xf32, #tpu.memory_space<vmem>>, vector<1x1x16xf32>,
        %get3A_1533 = vector.shape_cast %get3A_1532 : vector<1x1x16xf32> to vector<16xf32>
        %mul3A_1534 = arith.mulf %get3A_1528, %get3A_1533 : vector<16xf32>
        %swap3A_1535 = arith.index_cast %rem3A_309 : i32 to index
        %swap3A_1536 = arith.index_cast %add3A_1489 : i32 to index
        %swap3A_1537 = arith.constant 32 : index
        %swap3A_1538 = tpu.vector_load %arg12[%swap3A_1535, %swap3A_1536, %swap3A_1537] {strides = array<i32>} : memref<2x128x64xf32, #tpu.memory_space<vmem>>, vector<1x1x16xf32>,
        %swap3A_1539 = vector.shape_cast %swap3A_1538 : vector<1x1x16xf32> to vector<16xf32>
        %swap3A_1540 = vector.shape_cast %mul3A_1534 : vector<16xf32> to vector<1x1x16xf32>
        tpu.vector_store %arg12[%swap3A_1535, %swap3A_1536, %swap3A_1537], %swap3A_1540 {strides = array<i32>} : memref<2x128x64xf32, #tpu.memory_space<vmem>>, vector<1x1x16xf32>,
        %get3A_1541 = arith.index_cast %rem3A_309 : i32 to index
        %get3A_1542 = arith.index_cast %add3A_1489 : i32 to index
        %get3A_1543 = arith.constant 48 : index
        %get3A_1544 = tpu.vector_load %arg10[%get3A_1541, %get3A_1542, %get3A_1543] {strides = array<i32>} : memref<2x128x64xf32, #tpu.memory_space<vmem>>, vector<1x1x16xf32>,
        %get3A_1545 = vector.shape_cast %get3A_1544 : vector<1x1x16xf32> to vector<16xf32>
        %get3A_1546 = arith.index_cast %rem3A_309 : i32 to index
        %get3A_1547 = arith.index_cast %add3A_1489 : i32 to index
        %get3A_1548 = arith.constant 48 : index
        %get3A_1549 = tpu.vector_load %arg11[%get3A_1546, %get3A_1547, %get3A_1548] {strides = array<i32>} : memref<2x128x64xf32, #tpu.memory_space<vmem>>, vector<1x1x16xf32>,
        %get3A_1550 = vector.shape_cast %get3A_1549 : vector<1x1x16xf32> to vector<16xf32>
        %mul3A_1551 = arith.mulf %get3A_1545, %get3A_1550 : vector<16xf32>
        %swap3A_1552 = arith.index_cast %rem3A_309 : i32 to index
        %swap3A_1553 = arith.index_cast %add3A_1489 : i32 to index
        %swap3A_1554 = arith.constant 48 : index
        %swap3A_1555 = tpu.vector_load %arg12[%swap3A_1552, %swap3A_1553, %swap3A_1554] {strides = array<i32>} : memref<2x128x64xf32, #tpu.memory_space<vmem>>, vector<1x1x16xf32>,
        %swap3A_1556 = vector.shape_cast %swap3A_1555 : vector<1x1x16xf32> to vector<16xf32>
        %swap3A_1557 = vector.shape_cast %mul3A_1551 : vector<16xf32> to vector<1x1x16xf32>
        tpu.vector_store %arg12[%swap3A_1552, %swap3A_1553, %swap3A_1554], %swap3A_1557 {strides = array<i32>} : memref<2x128x64xf32, #tpu.memory_space<vmem>>, vector<1x1x16xf32>,
        %mul3A_1558 = arith.constant 16 : i32
        %mul3A_1559 = arith.muli %scan3A_476, %mul3A_1558 : i32
        %add3A_1560 = arith.constant 15 : i32
        %add3A_1561 = arith.addi %mul3A_1559, %add3A_1560 : i32
        %get3A_1562 = arith.index_cast %rem3A_309 : i32 to index
        %get3A_1563 = arith.index_cast %add3A_1561 : i32 to index
        %get3A_1564 = arith.constant 0 : index
        %get3A_1565 = tpu.vector_load %arg10[%get3A_1562, %get3A_1563, %get3A_1564] {strides = array<i32>} : memref<2x128x64xf32, #tpu.memory_space<vmem>>, vector<1x1x16xf32>,
        %get3A_1566 = vector.shape_cast %get3A_1565 : vector<1x1x16xf32> to vector<16xf32>
        %get3A_1567 = arith.index_cast %rem3A_309 : i32 to index
        %get3A_1568 = arith.index_cast %add3A_1561 : i32 to index
        %get3A_1569 = arith.constant 0 : index
        %get3A_1570 = tpu.vector_load %arg11[%get3A_1567, %get3A_1568, %get3A_1569] {strides = array<i32>} : memref<2x128x64xf32, #tpu.memory_space<vmem>>, vector<1x1x16xf32>,
        %get3A_1571 = vector.shape_cast %get3A_1570 : vector<1x1x16xf32> to vector<16xf32>
        %mul3A_1572 = arith.mulf %get3A_1566, %get3A_1571 : vector<16xf32>
        %swap3A_1573 = arith.index_cast %rem3A_309 : i32 to index
        %swap3A_1574 = arith.index_cast %add3A_1561 : i32 to index
        %swap3A_1575 = arith.constant 0 : index
        %swap3A_1576 = tpu.vector_load %arg12[%swap3A_1573, %swap3A_1574, %swap3A_1575] {strides = array<i32>} : memref<2x128x64xf32, #tpu.memory_space<vmem>>, vector<1x1x16xf32>,
        %swap3A_1577 = vector.shape_cast %swap3A_1576 : vector<1x1x16xf32> to vector<16xf32>
        %swap3A_1578 = vector.shape_cast %mul3A_1572 : vector<16xf32> to vector<1x1x16xf32>
        tpu.vector_store %arg12[%swap3A_1573, %swap3A_1574, %swap3A_1575], %swap3A_1578 {strides = array<i32>} : memref<2x128x64xf32, #tpu.memory_space<vmem>>, vector<1x1x16xf32>,
        %get3A_1579 = arith.index_cast %rem3A_309 : i32 to index
        %get3A_1580 = arith.index_cast %add3A_1561 : i32 to index
        %get3A_1581 = arith.constant 16 : index
        %get3A_1582 = tpu.vector_load %arg10[%get3A_1579, %get3A_1580, %get3A_1581] {strides = array<i32>} : memref<2x128x64xf32, #tpu.memory_space<vmem>>, vector<1x1x16xf32>,
        %get3A_1583 = vector.shape_cast %get3A_1582 : vector<1x1x16xf32> to vector<16xf32>
        %get3A_1584 = arith.index_cast %rem3A_309 : i32 to index
        %get3A_1585 = arith.index_cast %add3A_1561 : i32 to index
        %get3A_1586 = arith.constant 16 : index
        %get3A_1587 = tpu.vector_load %arg11[%get3A_1584, %get3A_1585, %get3A_1586] {strides = array<i32>} : memref<2x128x64xf32, #tpu.memory_space<vmem>>, vector<1x1x16xf32>,
        %get3A_1588 = vector.shape_cast %get3A_1587 : vector<1x1x16xf32> to vector<16xf32>
        %mul3A_1589 = arith.mulf %get3A_1583, %get3A_1588 : vector<16xf32>
        %swap3A_1590 = arith.index_cast %rem3A_309 : i32 to index
        %swap3A_1591 = arith.index_cast %add3A_1561 : i32 to index
        %swap3A_1592 = arith.constant 16 : index
        %swap3A_1593 = tpu.vector_load %arg12[%swap3A_1590, %swap3A_1591, %swap3A_1592] {strides = array<i32>} : memref<2x128x64xf32, #tpu.memory_space<vmem>>, vector<1x1x16xf32>,
        %swap3A_1594 = vector.shape_cast %swap3A_1593 : vector<1x1x16xf32> to vector<16xf32>
        %swap3A_1595 = vector.shape_cast %mul3A_1589 : vector<16xf32> to vector<1x1x16xf32>
        tpu.vector_store %arg12[%swap3A_1590, %swap3A_1591, %swap3A_1592], %swap3A_1595 {strides = array<i32>} : memref<2x128x64xf32, #tpu.memory_space<vmem>>, vector<1x1x16xf32>,
        %get3A_1596 = arith.index_cast %rem3A_309 : i32 to index
        %get3A_1597 = arith.index_cast %add3A_1561 : i32 to index
        %get3A_1598 = arith.constant 32 : index
        %get3A_1599 = tpu.vector_load %arg10[%get3A_1596, %get3A_1597, %get3A_1598] {strides = array<i32>} : memref<2x128x64xf32, #tpu.memory_space<vmem>>, vector<1x1x16xf32>,
        %get3A_1600 = vector.shape_cast %get3A_1599 : vector<1x1x16xf32> to vector<16xf32>
        %get3A_1601 = arith.index_cast %rem3A_309 : i32 to index
        %get3A_1602 = arith.index_cast %add3A_1561 : i32 to index
        %get3A_1603 = arith.constant 32 : index
        %get3A_1604 = tpu.vector_load %arg11[%get3A_1601, %get3A_1602, %get3A_1603] {strides = array<i32>} : memref<2x128x64xf32, #tpu.memory_space<vmem>>, vector<1x1x16xf32>,
        %get3A_1605 = vector.shape_cast %get3A_1604 : vector<1x1x16xf32> to vector<16xf32>
        %mul3A_1606 = arith.mulf %get3A_1600, %get3A_1605 : vector<16xf32>
        %swap3A_1607 = arith.index_cast %rem3A_309 : i32 to index
        %swap3A_1608 = arith.index_cast %add3A_1561 : i32 to index
        %swap3A_1609 = arith.constant 32 : index
        %swap3A_1610 = tpu.vector_load %arg12[%swap3A_1607, %swap3A_1608, %swap3A_1609] {strides = array<i32>} : memref<2x128x64xf32, #tpu.memory_space<vmem>>, vector<1x1x16xf32>,
        %swap3A_1611 = vector.shape_cast %swap3A_1610 : vector<1x1x16xf32> to vector<16xf32>
        %swap3A_1612 = vector.shape_cast %mul3A_1606 : vector<16xf32> to vector<1x1x16xf32>
        tpu.vector_store %arg12[%swap3A_1607, %swap3A_1608, %swap3A_1609], %swap3A_1612 {strides = array<i32>} : memref<2x128x64xf32, #tpu.memory_space<vmem>>, vector<1x1x16xf32>,
        %get3A_1613 = arith.index_cast %rem3A_309 : i32 to index
        %get3A_1614 = arith.index_cast %add3A_1561 : i32 to index
        %get3A_1615 = arith.constant 48 : index
        %get3A_1616 = tpu.vector_load %arg10[%get3A_1613, %get3A_1614, %get3A_1615] {strides = array<i32>} : memref<2x128x64xf32, #tpu.memory_space<vmem>>, vector<1x1x16xf32>,
        %get3A_1617 = vector.shape_cast %get3A_1616 : vector<1x1x16xf32> to vector<16xf32>
        %get3A_1618 = arith.index_cast %rem3A_309 : i32 to index
        %get3A_1619 = arith.index_cast %add3A_1561 : i32 to index
        %get3A_1620 = arith.constant 48 : index
        %get3A_1621 = tpu.vector_load %arg11[%get3A_1618, %get3A_1619, %get3A_1620] {strides = array<i32>} : memref<2x128x64xf32, #tpu.memory_space<vmem>>, vector<1x1x16xf32>,
        %get3A_1622 = vector.shape_cast %get3A_1621 : vector<1x1x16xf32> to vector<16xf32>
        %mul3A_1623 = arith.mulf %get3A_1617, %get3A_1622 : vector<16xf32>
        %swap3A_1624 = arith.index_cast %rem3A_309 : i32 to index
        %swap3A_1625 = arith.index_cast %add3A_1561 : i32 to index
        %swap3A_1626 = arith.constant 48 : index
        %swap3A_1627 = tpu.vector_load %arg12[%swap3A_1624, %swap3A_1625, %swap3A_1626] {strides = array<i32>} : memref<2x128x64xf32, #tpu.memory_space<vmem>>, vector<1x1x16xf32>,
        %swap3A_1628 = vector.shape_cast %swap3A_1627 : vector<1x1x16xf32> to vector<16xf32>
        %swap3A_1629 = vector.shape_cast %mul3A_1623 : vector<16xf32> to vector<1x1x16xf32>
        tpu.vector_store %arg12[%swap3A_1624, %swap3A_1625, %swap3A_1626], %swap3A_1629 {strides = array<i32>} : memref<2x128x64xf32, #tpu.memory_space<vmem>>, vector<1x1x16xf32>,
        %scan3A_1630 = arith.constant 0 : i32
        scf.yield %scan3A_1630 : i32
      }
      %scan3A_357 = arith.constant 8 : i32
      %get3A_358 = arith.index_cast %rem3A_312 : i32 to index
      %get3A_359 = arith.constant 0 : index
      %get3A_360 = tpu.vector_load %arg7[%get3A_358, %get3A_359] {strides = array<i32>} : memref<4x128xi32, #tpu.memory_space<vmem>>, vector<1x16xi32>,
      %get3A_361 = vector.shape_cast %get3A_360 : vector<1x16xi32> to vector<16xi32>
      %shift_right_arithmetic3A = arith.constant 14 : i32
      %shift_right_arithmetic3A_362 = vector.broadcast %shift_right_arithmetic3A : i32 to vector<16xi32>
      %shift_right_arithmetic3A_363 = arith.shrsi %get3A_361, %shift_right_arithmetic3A_362 : vector<16xi32>
      %swap3A_364 = arith.index_cast %rem3A_309 : i32 to index
      %swap3A_365 = arith.constant 0 : index
      %swap3A_366 = tpu.vector_load %arg9[%swap3A_364, %swap3A_365] {strides = array<i32>} : memref<2x128xi32, #tpu.memory_space<vmem>>, vector<1x16xi32>,
      %swap3A_367 = vector.shape_cast %swap3A_366 : vector<1x16xi32> to vector<16xi32>
      %swap3A_368 = vector.shape_cast %shift_right_arithmetic3A_363 : vector<16xi32> to vector<1x16xi32>
      tpu.vector_store %arg9[%swap3A_364, %swap3A_365], %swap3A_368 {strides = array<i32>} : memref<2x128xi32, #tpu.memory_space<vmem>>, vector<1x16xi32>,
      %get3A_369 = arith.index_cast %rem3A_312 : i32 to index
      %get3A_370 = arith.constant 16 : index
      %get3A_371 = tpu.vector_load %arg7[%get3A_369, %get3A_370] {strides = array<i32>} : memref<4x128xi32, #tpu.memory_space<vmem>>, vector<1x16xi32>,
      %get3A_372 = vector.shape_cast %get3A_371 : vector<1x16xi32> to vector<16xi32>
      %shift_right_arithmetic3A_373 = arith.constant 14 : i32
      %shift_right_arithmetic3A_374 = vector.broadcast %shift_right_arithmetic3A_373 : i32 to vector<16xi32>
      %shift_right_arithmetic3A_375 = arith.shrsi %get3A_372, %shift_right_arithmetic3A_374 : vector<16xi32>
      %swap3A_376 = arith.index_cast %rem3A_309 : i32 to index
      %swap3A_377 = arith.constant 16 : index
      %swap3A_378 = tpu.vector_load %arg9[%swap3A_376, %swap3A_377] {strides = array<i32>} : memref<2x128xi32, #tpu.memory_space<vmem>>, vector<1x16xi32>,
      %swap3A_379 = vector.shape_cast %swap3A_378 : vector<1x16xi32> to vector<16xi32>
      %swap3A_380 = vector.shape_cast %shift_right_arithmetic3A_375 : vector<16xi32> to vector<1x16xi32>
      tpu.vector_store %arg9[%swap3A_376, %swap3A_377], %swap3A_380 {strides = array<i32>} : memref<2x128xi32, #tpu.memory_space<vmem>>, vector<1x16xi32>,
      %get3A_381 = arith.index_cast %rem3A_312 : i32 to index
      %get3A_382 = arith.constant 32 : index
      %get3A_383 = tpu.vector_load %arg7[%get3A_381, %get3A_382] {strides = array<i32>} : memref<4x128xi32, #tpu.memory_space<vmem>>, vector<1x16xi32>,
      %get3A_384 = vector.shape_cast %get3A_383 : vector<1x16xi32> to vector<16xi32>
      %shift_right_arithmetic3A_385 = arith.constant 14 : i32
      %shift_right_arithmetic3A_386 = vector.broadcast %shift_right_arithmetic3A_385 : i32 to vector<16xi32>
      %shift_right_arithmetic3A_387 = arith.shrsi %get3A_384, %shift_right_arithmetic3A_386 : vector<16xi32>
      %swap3A_388 = arith.index_cast %rem3A_309 : i32 to index
      %swap3A_389 = arith.constant 32 : index
      %swap3A_390 = tpu.vector_load %arg9[%swap3A_388, %swap3A_389] {strides = array<i32>} : memref<2x128xi32, #tpu.memory_space<vmem>>, vector<1x16xi32>,
      %swap3A_391 = vector.shape_cast %swap3A_390 : vector<1x16xi32> to vector<16xi32>
      %swap3A_392 = vector.shape_cast %shift_right_arithmetic3A_387 : vector<16xi32> to vector<1x16xi32>
      tpu.vector_store %arg9[%swap3A_388, %swap3A_389], %swap3A_392 {strides = array<i32>} : memref<2x128xi32, #tpu.memory_space<vmem>>, vector<1x16xi32>,
      %get3A_393 = arith.index_cast %rem3A_312 : i32 to index
      %get3A_394 = arith.constant 48 : index
      %get3A_395 = tpu.vector_load %arg7[%get3A_393, %get3A_394] {strides = array<i32>} : memref<4x128xi32, #tpu.memory_space<vmem>>, vector<1x16xi32>,
      %get3A_396 = vector.shape_cast %get3A_395 : vector<1x16xi32> to vector<16xi32>
      %shift_right_arithmetic3A_397 = arith.constant 14 : i32
      %shift_right_arithmetic3A_398 = vector.broadcast %shift_right_arithmetic3A_397 : i32 to vector<16xi32>
      %shift_right_arithmetic3A_399 = arith.shrsi %get3A_396, %shift_right_arithmetic3A_398 : vector<16xi32>
      %swap3A_400 = arith.index_cast %rem3A_309 : i32 to index
      %swap3A_401 = arith.constant 48 : index
      %swap3A_402 = tpu.vector_load %arg9[%swap3A_400, %swap3A_401] {strides = array<i32>} : memref<2x128xi32, #tpu.memory_space<vmem>>, vector<1x16xi32>,
      %swap3A_403 = vector.shape_cast %swap3A_402 : vector<1x16xi32> to vector<16xi32>
      %swap3A_404 = vector.shape_cast %shift_right_arithmetic3A_399 : vector<16xi32> to vector<1x16xi32>
      tpu.vector_store %arg9[%swap3A_400, %swap3A_401], %swap3A_404 {strides = array<i32>} : memref<2x128xi32, #tpu.memory_space<vmem>>, vector<1x16xi32>,
      %get3A_405 = arith.index_cast %rem3A_312 : i32 to index
      %get3A_406 = arith.constant 64 : index
      %get3A_407 = tpu.vector_load %arg7[%get3A_405, %get3A_406] {strides = array<i32>} : memref<4x128xi32, #tpu.memory_space<vmem>>, vector<1x16xi32>,
      %get3A_408 = vector.shape_cast %get3A_407 : vector<1x16xi32> to vector<16xi32>
      %shift_right_arithmetic3A_409 = arith.constant 14 : i32
      %shift_right_arithmetic3A_410 = vector.broadcast %shift_right_arithmetic3A_409 : i32 to vector<16xi32>
      %shift_right_arithmetic3A_411 = arith.shrsi %get3A_408, %shift_right_arithmetic3A_410 : vector<16xi32>
      %swap3A_412 = arith.index_cast %rem3A_309 : i32 to index
      %swap3A_413 = arith.constant 64 : index
      %swap3A_414 = tpu.vector_load %arg9[%swap3A_412, %swap3A_413] {strides = array<i32>} : memref<2x128xi32, #tpu.memory_space<vmem>>, vector<1x16xi32>,
      %swap3A_415 = vector.shape_cast %swap3A_414 : vector<1x16xi32> to vector<16xi32>
      %swap3A_416 = vector.shape_cast %shift_right_arithmetic3A_411 : vector<16xi32> to vector<1x16xi32>
      tpu.vector_store %arg9[%swap3A_412, %swap3A_413], %swap3A_416 {strides = array<i32>} : memref<2x128xi32, #tpu.memory_space<vmem>>, vector<1x16xi32>,
      %get3A_417 = arith.index_cast %rem3A_312 : i32 to index
      %get3A_418 = arith.constant 80 : index
      %get3A_419 = tpu.vector_load %arg7[%get3A_417, %get3A_418] {strides = array<i32>} : memref<4x128xi32, #tpu.memory_space<vmem>>, vector<1x16xi32>,
      %get3A_420 = vector.shape_cast %get3A_419 : vector<1x16xi32> to vector<16xi32>
      %shift_right_arithmetic3A_421 = arith.constant 14 : i32
      %shift_right_arithmetic3A_422 = vector.broadcast %shift_right_arithmetic3A_421 : i32 to vector<16xi32>
      %shift_right_arithmetic3A_423 = arith.shrsi %get3A_420, %shift_right_arithmetic3A_422 : vector<16xi32>
      %swap3A_424 = arith.index_cast %rem3A_309 : i32 to index
      %swap3A_425 = arith.constant 80 : index
      %swap3A_426 = tpu.vector_load %arg9[%swap3A_424, %swap3A_425] {strides = array<i32>} : memref<2x128xi32, #tpu.memory_space<vmem>>, vector<1x16xi32>,
      %swap3A_427 = vector.shape_cast %swap3A_426 : vector<1x16xi32> to vector<16xi32>
      %swap3A_428 = vector.shape_cast %shift_right_arithmetic3A_423 : vector<16xi32> to vector<1x16xi32>
      tpu.vector_store %arg9[%swap3A_424, %swap3A_425], %swap3A_428 {strides = array<i32>} : memref<2x128xi32, #tpu.memory_space<vmem>>, vector<1x16xi32>,
      %get3A_429 = arith.index_cast %rem3A_312 : i32 to index
      %get3A_430 = arith.constant 96 : index
      %get3A_431 = tpu.vector_load %arg7[%get3A_429, %get3A_430] {strides = array<i32>} : memref<4x128xi32, #tpu.memory_space<vmem>>, vector<1x16xi32>,
      %get3A_432 = vector.shape_cast %get3A_431 : vector<1x16xi32> to vector<16xi32>
      %shift_right_arithmetic3A_433 = arith.constant 14 : i32
      %shift_right_arithmetic3A_434 = vector.broadcast %shift_right_arithmetic3A_433 : i32 to vector<16xi32>
      %shift_right_arithmetic3A_435 = arith.shrsi %get3A_432, %shift_right_arithmetic3A_434 : vector<16xi32>
      %swap3A_436 = arith.index_cast %rem3A_309 : i32 to index
      %swap3A_437 = arith.constant 96 : index
      %swap3A_438 = tpu.vector_load %arg9[%swap3A_436, %swap3A_437] {strides = array<i32>} : memref<2x128xi32, #tpu.memory_space<vmem>>, vector<1x16xi32>,
      %swap3A_439 = vector.shape_cast %swap3A_438 : vector<1x16xi32> to vector<16xi32>
      %swap3A_440 = vector.shape_cast %shift_right_arithmetic3A_435 : vector<16xi32> to vector<1x16xi32>
      tpu.vector_store %arg9[%swap3A_436, %swap3A_437], %swap3A_440 {strides = array<i32>} : memref<2x128xi32, #tpu.memory_space<vmem>>, vector<1x16xi32>,
      %get3A_441 = arith.index_cast %rem3A_312 : i32 to index
      %get3A_442 = arith.constant 112 : index
      %get3A_443 = tpu.vector_load %arg7[%get3A_441, %get3A_442] {strides = array<i32>} : memref<4x128xi32, #tpu.memory_space<vmem>>, vector<1x16xi32>,
      %get3A_444 = vector.shape_cast %get3A_443 : vector<1x16xi32> to vector<16xi32>
      %shift_right_arithmetic3A_445 = arith.constant 14 : i32
      %shift_right_arithmetic3A_446 = vector.broadcast %shift_right_arithmetic3A_445 : i32 to vector<16xi32>
      %shift_right_arithmetic3A_447 = arith.shrsi %get3A_444, %shift_right_arithmetic3A_446 : vector<16xi32>
      %swap3A_448 = arith.index_cast %rem3A_309 : i32 to index
      %swap3A_449 = arith.constant 112 : index
      %swap3A_450 = tpu.vector_load %arg9[%swap3A_448, %swap3A_449] {strides = array<i32>} : memref<2x128xi32, #tpu.memory_space<vmem>>, vector<1x16xi32>,
      %swap3A_451 = vector.shape_cast %swap3A_450 : vector<1x16xi32> to vector<16xi32>
      %swap3A_452 = vector.shape_cast %shift_right_arithmetic3A_447 : vector<16xi32> to vector<1x16xi32>
      tpu.vector_store %arg9[%swap3A_448, %swap3A_449], %swap3A_452 {strides = array<i32>} : memref<2x128xi32, #tpu.memory_space<vmem>>, vector<1x16xi32>,
      %dma_start3A_453 = arith.constant 0 : i32
      %dma_start3A_454 = arith.constant 0 : i32
      %dma_start3A_455 = tpu.memref_slice %arg12[%rem3A_309, %dma_start3A_453, %dma_start3A_454] : memref<2x128x64xf32, #tpu.memory_space<vmem>> -> memref<1x128x64xf32, #tpu.memory_space<vmem>>
      %dma_start3A_456 = tpu.memref_squeeze %dma_start3A_455 : memref<1x128x64xf32, #tpu.memory_space<vmem>> -> memref<128x64xf32, #tpu.memory_space<vmem>>
      %dma_start3A_457 = arith.constant 0 : i32
      %dma_start3A_458 = tpu.memref_slice %arg9[%rem3A_309, %dma_start3A_457] : memref<2x128xi32, #tpu.memory_space<vmem>> -> memref<1x128xi32, #tpu.memory_space<vmem>>
      %dma_start3A_459 = tpu.memref_squeeze %dma_start3A_458 : memref<1x128xi32, #tpu.memory_space<vmem>> -> memref<128xi32, #tpu.memory_space<vmem>>
      %dma_start3A_460 = arith.constant 0 : i32
      %dma_start3A_461 = arith.constant 0 : i32
      %dma_start3A_462 = tpu.memref_slice %arg14[%dma_start3A_460, %dma_start3A_461] : memref<10240x64xf32, #tpu.memory_space<vmem_shared>> -> memref<10240x64xf32, #tpu.memory_space<vmem_shared>>
      tpu.enqueue_indirect_dma source(%dma_start3A_456 : memref<128x64xf32, #tpu.memory_space<vmem>>) target(%dma_start3A_462 : memref<10240x64xf32, #tpu.memory_space<vmem_shared>>) offsets(%dma_start3A_459 : memref<128xi32, #tpu.memory_space<vmem>>) semaphore(%arg19 : memref<!tpu.dma_semaphore, #tpu.memory_space<semaphore_mem>>) {add = true}
      %eq3A_463 = arith.constant 0 : i32
      %eq3A_464 = arith.cmpi eq, %arg0, %eq3A_463 : i32
      %convert_element_type3A_465 = arith.extui %eq3A_464 : i1 to i32
      %cond3A_466 = arith.constant 0 : i32
      %cond3A_467 = arith.cmpi ne, %convert_element_type3A_465, %cond3A_466 : i32
      scf.if %cond3A_467 {
        %dma_start3A_476 = arith.constant 0 : i32
        %dma_start3A_477 = tpu.memref_slice %arg9[%rem3A_309, %dma_start3A_476] : memref<2x128xi32, #tpu.memory_space<vmem>> -> memref<1x128xi32, #tpu.memory_space<vmem>>
        %dma_start3A_478 = tpu.memref_squeeze %dma_start3A_477 : memref<1x128xi32, #tpu.memory_space<vmem>> -> memref<128xi32, #tpu.memory_space<vmem>>
        %dma_start3A_479 = arith.constant 0 : i32
        %dma_start3A_480 = arith.constant 0 : i32
        %dma_start3A_481 = tpu.memref_slice %arg15[%dma_start3A_479, %dma_start3A_480] : memref<10240x16xf32, #tpu.memory_space<vmem_shared>> -> memref<10240x16xf32, #tpu.memory_space<vmem_shared>>
        tpu.enqueue_indirect_dma source(%arg13 : memref<128x16xf32, #tpu.memory_space<vmem>>) target(%dma_start3A_481 : memref<10240x16xf32, #tpu.memory_space<vmem_shared>>) offsets(%dma_start3A_478 : memref<128xi32, #tpu.memory_space<vmem>>) semaphore(%arg20 : memref<!tpu.dma_semaphore, #tpu.memory_space<semaphore_mem>>) {add = true}
      } else {
      }
      %add3A_468 = arith.constant 3 : i32
      %add3A_469 = arith.addi %scan3A_306, %add3A_468 : i32
      %lt3A_470 = arith.constant 157 : i32
      %lt3A_471 = arith.cmpi slt, %add3A_469, %lt3A_470 : i32
      %convert_element_type3A_472 = arith.extui %lt3A_471 : i1 to i32
      %cond3A_473 = arith.constant 0 : i32
      %cond3A_474 = arith.cmpi ne, %convert_element_type3A_472, %cond3A_473 : i32
      scf.if %cond3A_474 {
        %add3A_476 = arith.constant 3 : i32
        %add3A_477 = arith.addi %scan3A_306, %add3A_476 : i32
        %add3A_478 = arith.constant 3 : i32
        %add3A_479 = arith.addi %scan3A_306, %add3A_478 : i32
        %rem3A_480 = arith.constant 4 : i32
        %rem3A_481 = arith.remsi %add3A_479, %rem3A_480 : i32
        %mul3A_482 = arith.constant 157 : i32
        %mul3A_483 = arith.muli %arg1, %mul3A_482 : i32
        %add3A_484 = arith.addi %mul3A_483, %add3A_477 : i32
        %mul3A_485 = arith.constant 128 : i32
        %mul3A_486 = arith.muli %add3A_484, %mul3A_485 : i32
        %dma_start3A_487 = arith.constant 0 : i32
        %dma_start3A_488 = tpu.memref_slice %arg7[%rem3A_481, %dma_start3A_487] : memref<4x128xi32, #tpu.memory_space<vmem>> -> memref<1x128xi32, #tpu.memory_space<vmem>>
        %dma_start3A_489 = tpu.memref_squeeze %dma_start3A_488 : memref<1x128xi32, #tpu.memory_space<vmem>> -> memref<128xi32, #tpu.memory_space<vmem>>
        %dma_start3A_490 = tpu.memref_slice %arg3[%mul3A_486] : memref<321536xi32, #tpu.memory_space<hbm>> -> memref<128xi32, #tpu.memory_space<hbm>>
        %dma_start3A_491 = arith.constant 0 : i32
        %dma_start3A_492 = tpu.memref_slice %arg7[%rem3A_481, %dma_start3A_491] : memref<4x128xi32, #tpu.memory_space<vmem>> -> memref<1x128xi32, #tpu.memory_space<vmem>>
        %dma_start3A_493 = tpu.memref_squeeze %dma_start3A_492 : memref<1x128xi32, #tpu.memory_space<vmem>> -> memref<128xi32, #tpu.memory_space<vmem>>
        %dma_start3A_494 = tpu.memref_slice %arg3[%mul3A_486] : memref<321536xi32, #tpu.memory_space<hbm>> -> memref<128xi32, #tpu.memory_space<hbm>>
        tpu.enqueue_dma source(%dma_start3A_494 : memref<128xi32, #tpu.memory_space<hbm>>) target(%dma_start3A_493 : memref<128xi32, #tpu.memory_space<vmem>>) target_semaphore(%arg16 : memref<!tpu.dma_semaphore, #tpu.memory_space<semaphore_mem>>)
      } else {
      }
      %scan3A_475 = arith.constant 0 : i32
      scf.yield %scan3A_475 : i32
    }
    %scan3A_268 = arith.constant 157 : i32
    %dma_wait3A_269 = arith.constant 1 : i32
    %dma_wait3A_270 = arith.constant 1 : i32
    %dma_wait3A_271 = arith.constant 0 : i32
    %dma_wait3A_272 = arith.constant 0 : i32
    %dma_wait3A_273 = tpu.memref_slice %arg12[%dma_wait3A_269, %dma_wait3A_271, %dma_wait3A_272] : memref<2x128x64xf32, #tpu.memory_space<vmem>> -> memref<1x128x64xf32, #tpu.memory_space<vmem>>
    %dma_wait3A_274 = tpu.memref_squeeze %dma_wait3A_273 : memref<1x128x64xf32, #tpu.memory_space<vmem>> -> memref<128x64xf32, #tpu.memory_space<vmem>>
    %dma_wait3A_275 = arith.constant 0 : i32
    %dma_wait3A_276 = tpu.memref_slice %arg9[%dma_wait3A_270, %dma_wait3A_275] : memref<2x128xi32, #tpu.memory_space<vmem>> -> memref<1x128xi32, #tpu.memory_space<vmem>>
    %dma_wait3A_277 = tpu.memref_squeeze %dma_wait3A_276 : memref<1x128xi32, #tpu.memory_space<vmem>> -> memref<128xi32, #tpu.memory_space<vmem>>
    %dma_wait3A_278 = arith.constant 0 : i32
    %dma_wait3A_279 = arith.constant 0 : i32
    %dma_wait3A_280 = tpu.memref_slice %arg14[%dma_wait3A_278, %dma_wait3A_279] : memref<10240x64xf32, #tpu.memory_space<vmem_shared>> -> memref<10240x64xf32, #tpu.memory_space<vmem_shared>>
    tpu.wait_indirect_dma semaphore(%arg19 : memref<!tpu.dma_semaphore, #tpu.memory_space<semaphore_mem>>) src(%dma_wait3A_274 : memref<128x64xf32, #tpu.memory_space<vmem>>) dst(%dma_wait3A_280 : memref<10240x64xf32, #tpu.memory_space<vmem_shared>>)
    %dma_wait3A_281 = arith.constant 0 : i32
    %dma_wait3A_282 = arith.constant 0 : i32
    %dma_wait3A_283 = arith.constant 0 : i32
    %dma_wait3A_284 = arith.constant 0 : i32
    %dma_wait3A_285 = tpu.memref_slice %arg12[%dma_wait3A_281, %dma_wait3A_283, %dma_wait3A_284] : memref<2x128x64xf32, #tpu.memory_space<vmem>> -> memref<1x128x64xf32, #tpu.memory_space<vmem>>
    %dma_wait3A_286 = tpu.memref_squeeze %dma_wait3A_285 : memref<1x128x64xf32, #tpu.memory_space<vmem>> -> memref<128x64xf32, #tpu.memory_space<vmem>>
    %dma_wait3A_287 = arith.constant 0 : i32
    %dma_wait3A_288 = tpu.memref_slice %arg9[%dma_wait3A_282, %dma_wait3A_287] : memref<2x128xi32, #tpu.memory_space<vmem>> -> memref<1x128xi32, #tpu.memory_space<vmem>>
    %dma_wait3A_289 = tpu.memref_squeeze %dma_wait3A_288 : memref<1x128xi32, #tpu.memory_space<vmem>> -> memref<128xi32, #tpu.memory_space<vmem>>
    %dma_wait3A_290 = arith.constant 0 : i32
    %dma_wait3A_291 = arith.constant 0 : i32
    %dma_wait3A_292 = tpu.memref_slice %arg14[%dma_wait3A_290, %dma_wait3A_291] : memref<10240x64xf32, #tpu.memory_space<vmem_shared>> -> memref<10240x64xf32, #tpu.memory_space<vmem_shared>>
    tpu.wait_indirect_dma semaphore(%arg19 : memref<!tpu.dma_semaphore, #tpu.memory_space<semaphore_mem>>) src(%dma_wait3A_286 : memref<128x64xf32, #tpu.memory_space<vmem>>) dst(%dma_wait3A_292 : memref<10240x64xf32, #tpu.memory_space<vmem_shared>>)
    %eq3A_293 = arith.constant 0 : i32
    %eq3A_294 = arith.cmpi eq, %arg0, %eq3A_293 : i32
    %convert_element_type3A_295 = arith.extui %eq3A_294 : i1 to i32
    %cond3A_296 = arith.constant 0 : i32
    %cond3A_297 = arith.cmpi ne, %convert_element_type3A_295, %cond3A_296 : i32
    scf.if %cond3A_297 {
      %dma_wait3A_306 = arith.constant 1 : i32
      %dma_wait3A_307 = arith.constant 0 : i32
      %dma_wait3A_308 = tpu.memref_slice %arg9[%dma_wait3A_306, %dma_wait3A_307] : memref<2x128xi32, #tpu.memory_space<vmem>> -> memref<1x128xi32, #tpu.memory_space<vmem>>
      %dma_wait3A_309 = tpu.memref_squeeze %dma_wait3A_308 : memref<1x128xi32, #tpu.memory_space<vmem>> -> memref<128xi32, #tpu.memory_space<vmem>>
      %dma_wait3A_310 = arith.constant 0 : i32
      %dma_wait3A_311 = arith.constant 0 : i32
      %dma_wait3A_312 = tpu.memref_slice %arg15[%dma_wait3A_310, %dma_wait3A_311] : memref<10240x16xf32, #tpu.memory_space<vmem_shared>> -> memref<10240x16xf32, #tpu.memory_space<vmem_shared>>
      tpu.wait_indirect_dma semaphore(%arg20 : memref<!tpu.dma_semaphore, #tpu.memory_space<semaphore_mem>>) src(%arg13 : memref<128x16xf32, #tpu.memory_space<vmem>>) dst(%dma_wait3A_312 : memref<10240x16xf32, #tpu.memory_space<vmem_shared>>)
      %dma_wait3A_313 = arith.constant 0 : i32
      %dma_wait3A_314 = arith.constant 0 : i32
      %dma_wait3A_315 = tpu.memref_slice %arg9[%dma_wait3A_313, %dma_wait3A_314] : memref<2x128xi32, #tpu.memory_space<vmem>> -> memref<1x128xi32, #tpu.memory_space<vmem>>
      %dma_wait3A_316 = tpu.memref_squeeze %dma_wait3A_315 : memref<1x128xi32, #tpu.memory_space<vmem>> -> memref<128xi32, #tpu.memory_space<vmem>>
      %dma_wait3A_317 = arith.constant 0 : i32
      %dma_wait3A_318 = arith.constant 0 : i32
      %dma_wait3A_319 = tpu.memref_slice %arg15[%dma_wait3A_317, %dma_wait3A_318] : memref<10240x16xf32, #tpu.memory_space<vmem_shared>> -> memref<10240x16xf32, #tpu.memory_space<vmem_shared>>
      tpu.wait_indirect_dma semaphore(%arg20 : memref<!tpu.dma_semaphore, #tpu.memory_space<semaphore_mem>>) src(%arg13 : memref<128x16xf32, #tpu.memory_space<vmem>>) dst(%dma_wait3A_319 : memref<10240x16xf32, #tpu.memory_space<vmem_shared>>)
    } else {
    }
    %barrier3A_298 = arith.constant 0 : index
    tpu.barrier barrier_id(%barrier3A_298)
    %mul3A_299 = arith.constant 640 : i32
    %mul3A_300 = arith.muli %arg1, %mul3A_299 : i32
    "tpu.region"() ({
      %run_scoped3A_306 = tpu.sem_alloc : memref<!tpu.dma_semaphore, #tpu.memory_space<semaphore_mem>>
      %dma_start3A_307 = arith.constant 0 : i32
      %dma_start3A_308 = tpu.memref_slice %arg5[%arg0, %mul3A_300, %dma_start3A_307] : memref<2x10240x64xf32, #tpu.memory_space<hbm>> -> memref<1x640x64xf32, #tpu.memory_space<hbm>>
      %dma_start3A_309 = tpu.memref_squeeze %dma_start3A_308 : memref<1x640x64xf32, #tpu.memory_space<hbm>> -> memref<640x64xf32, #tpu.memory_space<hbm>>
      %dma_start3A_310 = arith.constant 0 : i32
      %dma_start3A_311 = tpu.memref_slice %arg14[%mul3A_300, %dma_start3A_310] : memref<10240x64xf32, #tpu.memory_space<vmem_shared>> -> memref<640x64xf32, #tpu.memory_space<vmem_shared>>
      tpu.enqueue_dma source(%dma_start3A_311 : memref<640x64xf32, #tpu.memory_space<vmem_shared>>) target(%dma_start3A_309 : memref<640x64xf32, #tpu.memory_space<hbm>>) target_semaphore(%run_scoped3A_306 : memref<!tpu.dma_semaphore, #tpu.memory_space<semaphore_mem>>)
      %dma_wait3A_312 = arith.constant 0 : i32
      %dma_wait3A_313 = tpu.memref_slice %arg5[%arg0, %mul3A_300, %dma_wait3A_312] : memref<2x10240x64xf32, #tpu.memory_space<hbm>> -> memref<1x640x64xf32, #tpu.memory_space<hbm>>
      %dma_wait3A_314 = tpu.memref_squeeze %dma_wait3A_313 : memref<1x640x64xf32, #tpu.memory_space<hbm>> -> memref<640x64xf32, #tpu.memory_space<hbm>>
      %dma_wait3A_315 = arith.constant 0 : i32
      %dma_wait3A_316 = tpu.memref_slice %arg14[%mul3A_300, %dma_wait3A_315] : memref<10240x64xf32, #tpu.memory_space<vmem_shared>> -> memref<640x64xf32, #tpu.memory_space<vmem_shared>>
      tpu.wait_dma2 semaphore(%run_scoped3A_306 : memref<!tpu.dma_semaphore, #tpu.memory_space<semaphore_mem>>) src(%dma_wait3A_316 : memref<640x64xf32, #tpu.memory_space<vmem_shared>>) dst(%dma_wait3A_314 : memref<640x64xf32, #tpu.memory_space<hbm>>)
      tpu.yield
    }) : () -> ()
    %eq3A_301 = arith.constant 0 : i32
    %eq3A_302 = arith.cmpi eq, %arg0, %eq3A_301 : i32
    %convert_element_type3A_303 = arith.extui %eq3A_302 : i1 to i32
    %cond3A_304 = arith.constant 0 : i32
    %cond3A_305 = arith.cmpi ne, %convert_element_type3A_303, %cond3A_304 : i32
    scf.if %cond3A_305 {
      "tpu.region"() ({
        %run_scoped3A_306 = tpu.sem_alloc : memref<!tpu.dma_semaphore, #tpu.memory_space<semaphore_mem>>
        %dma_start3A_307 = arith.constant 0 : i32
        %dma_start3A_308 = tpu.memref_slice %arg6[%mul3A_300, %dma_start3A_307] : memref<10240x16xf32, #tpu.memory_space<hbm>> -> memref<640x16xf32, #tpu.memory_space<hbm>>
        %dma_start3A_309 = arith.constant 0 : i32
        %dma_start3A_310 = tpu.memref_slice %arg15[%mul3A_300, %dma_start3A_309] : memref<10240x16xf32, #tpu.memory_space<vmem_shared>> -> memref<640x16xf32, #tpu.memory_space<vmem_shared>>
        tpu.enqueue_dma source(%dma_start3A_310 : memref<640x16xf32, #tpu.memory_space<vmem_shared>>) target(%dma_start3A_308 : memref<640x16xf32, #tpu.memory_space<hbm>>) target_semaphore(%run_scoped3A_306 : memref<!tpu.dma_semaphore, #tpu.memory_space<semaphore_mem>>)
        %dma_wait3A_311 = arith.constant 0 : i32
        %dma_wait3A_312 = tpu.memref_slice %arg6[%mul3A_300, %dma_wait3A_311] : memref<10240x16xf32, #tpu.memory_space<hbm>> -> memref<640x16xf32, #tpu.memory_space<hbm>>
        %dma_wait3A_313 = arith.constant 0 : i32
        %dma_wait3A_314 = tpu.memref_slice %arg15[%mul3A_300, %dma_wait3A_313] : memref<10240x16xf32, #tpu.memory_space<vmem_shared>> -> memref<640x16xf32, #tpu.memory_space<vmem_shared>>
        tpu.wait_dma2 semaphore(%run_scoped3A_306 : memref<!tpu.dma_semaphore, #tpu.memory_space<semaphore_mem>>) src(%dma_wait3A_314 : memref<640x16xf32, #tpu.memory_space<vmem_shared>>) dst(%dma_wait3A_312 : memref<640x16xf32, #tpu.memory_space<hbm>>)
        tpu.yield
      }) : () -> ()
    } else {
    }
    return
  }
}

module attributes {stable_mosaic.version = 14 : i64} {
  func.func @_edge_body(%arg0: i32, %arg1: memref<2048x16xf32, #tpu.memory_space<vmem>>, %arg2: memref<2048x1xf32, #tpu.memory_space<vmem>>, %arg3: memref<16x128xf32, #tpu.memory_space<vmem>>, %arg4: memref<1x64xf32, #tpu.memory_space<vmem>>, %arg5: memref<1x64xf32, #tpu.memory_space<vmem>>, %arg6: memref<64x128xf32, #tpu.memory_space<vmem>>, %arg7: memref<1x128xf32, #tpu.memory_space<vmem>>, %arg8: memref<2x2048x64xf32, #tpu.memory_space<vmem>>) attributes {dimension_semantics = [#tpu.dimension_semantics<arbitrary>], iteration_bounds = array<i64: 157>, scalar_prefetch = 0 : i64, scratch_operands = 0 : i64, tpu.core_type = #tpu.core_type<tc>, window_params = [{transform_indices = @transform_0, window_bounds = array<i64: 2048, 16>}, {transform_indices = @transform_1, window_bounds = array<i64: 2048, 1>}, {pipeline_mode = #tpu.pipeline_mode<synchronous>, transform_indices = @transform_2, window_bounds = array<i64: 16, 128>}, {pipeline_mode = #tpu.pipeline_mode<synchronous>, transform_indices = @transform_3, window_bounds = array<i64: 1, 64>}, {pipeline_mode = #tpu.pipeline_mode<synchronous>, transform_indices = @transform_4, window_bounds = array<i64: 1, 64>}, {pipeline_mode = #tpu.pipeline_mode<synchronous>, transform_indices = @transform_5, window_bounds = array<i64: 64, 128>}, {pipeline_mode = #tpu.pipeline_mode<synchronous>, transform_indices = @transform_6, window_bounds = array<i64: 1, 128>}, {transform_indices = @transform_7, window_bounds = array<i64: 2, 2048, 64>}]} {
    %get3A = arith.constant 0 : index
    %get3A_0 = arith.constant 0 : index
    %get3A_1 = vector.load %arg1[%get3A, %get3A_0] : memref<2048x16xf32, #tpu.memory_space<vmem>>, vector<2048x16xf32>
    %get3A_2 = arith.constant 0 : index
    %get3A_3 = arith.constant 0 : index
    %get3A_4 = vector.load %arg3[%get3A_2, %get3A_3] : memref<16x128xf32, #tpu.memory_space<vmem>>, vector<16x128xf32>
    %dot_general3A = arith.constant dense<0.000000e+00> : vector<2048x128xf32>
    %dot_general3A_5 = tpu.matmul %get3A_1, %get3A_4, %dot_general3A {dimension_numbers = #tpu.dot_dimension_numbers<[1], [0], [0], [1], [0, 0, 1, 1], [], []>, transpose_lhs_hint = false} : vector<2048x16xf32>, vector<16x128xf32>, vector<2048x128xf32> -> vector<2048x128xf32>
    %get3A_6 = arith.constant 0 : index
    %get3A_7 = arith.constant 0 : index
    %get3A_8 = vector.load %arg2[%get3A_6, %get3A_7] : memref<2048x1xf32, #tpu.memory_space<vmem>>, vector<2048x1xf32>
    %get3A_9 = arith.constant 0 : index
    %get3A_10 = arith.constant 0 : index
    %get3A_11 = vector.load %arg4[%get3A_9, %get3A_10] : memref<1x64xf32, #tpu.memory_space<vmem>>, vector<1x64xf32>
    %mul3A = vector.broadcast %get3A_8 : vector<2048x1xf32> to vector<2048x64xf32>
    %mul3A_12 = vector.broadcast %get3A_11 : vector<1x64xf32> to vector<2048x64xf32>
    %mul3A_13 = arith.mulf %mul3A, %mul3A_12 : vector<2048x64xf32>
    %get3A_14 = arith.constant 0 : index
    %get3A_15 = arith.constant 0 : index
    %get3A_16 = vector.load %arg5[%get3A_14, %get3A_15] : memref<1x64xf32, #tpu.memory_space<vmem>>, vector<1x64xf32>
    %add3A = vector.broadcast %get3A_16 : vector<1x64xf32> to vector<2048x64xf32>
    %add3A_17 = arith.addf %mul3A_13, %add3A : vector<2048x64xf32>
    %logistic3A = arith.negf %add3A_17 : vector<2048x64xf32>
    %logistic3A_18 = math.exp %logistic3A : vector<2048x64xf32>
    %logistic3A_19 = arith.constant 1.000000e+00 : f32
    %logistic3A_20 = vector.broadcast %logistic3A_19 : f32 to vector<2048x64xf32>
    %logistic3A_21 = arith.addf %logistic3A_20, %logistic3A_18 : vector<2048x64xf32>
    %logistic3A_22 = arith.divf %logistic3A_20, %logistic3A_21 : vector<2048x64xf32>
    %mul3A_23 = arith.mulf %add3A_17, %logistic3A_22 : vector<2048x64xf32>
    %get3A_24 = arith.constant 0 : index
    %get3A_25 = arith.constant 0 : index
    %get3A_26 = vector.load %arg6[%get3A_24, %get3A_25] : memref<64x128xf32, #tpu.memory_space<vmem>>, vector<64x128xf32>
    %dot_general3A_27 = arith.constant dense<0.000000e+00> : vector<2048x128xf32>
    %dot_general3A_28 = tpu.matmul %mul3A_23, %get3A_26, %dot_general3A_27 {dimension_numbers = #tpu.dot_dimension_numbers<[1], [0], [0], [1], [0, 0, 1, 1], [], []>, transpose_lhs_hint = false} : vector<2048x64xf32>, vector<64x128xf32>, vector<2048x128xf32> -> vector<2048x128xf32>
    %get3A_29 = arith.constant 0 : index
    %get3A_30 = arith.constant 0 : index
    %get3A_31 = vector.load %arg7[%get3A_29, %get3A_30] : memref<1x128xf32, #tpu.memory_space<vmem>>, vector<1x128xf32>
    %add3A_32 = vector.broadcast %get3A_31 : vector<1x128xf32> to vector<2048x128xf32>
    %add3A_33 = arith.addf %dot_general3A_28, %add3A_32 : vector<2048x128xf32>
    %mul3A_34 = arith.mulf %dot_general3A_5, %add3A_33 : vector<2048x128xf32>
    %slice3A = vector.extract_strided_slice %mul3A_34 {offsets = [0, 0], sizes = [2048, 64], strides = [1, 1]} : vector<2048x128xf32> to vector<2048x64xf32>
    %swap3A = arith.constant 0 : index
    %swap3A_35 = arith.constant 0 : index
    %swap3A_36 = arith.constant 0 : index
    %swap3A_37 = vector.load %arg8[%swap3A, %swap3A_35, %swap3A_36] : memref<2x2048x64xf32, #tpu.memory_space<vmem>>, vector<1x2048x64xf32>
    %swap3A_38 = vector.shape_cast %swap3A_37 : vector<1x2048x64xf32> to vector<2048x64xf32>
    %swap3A_39 = vector.shape_cast %slice3A : vector<2048x64xf32> to vector<1x2048x64xf32>
    tpu.vector_store %arg8[%swap3A, %swap3A_35, %swap3A_36], %swap3A_39 {strides = array<i32>} : memref<2x2048x64xf32, #tpu.memory_space<vmem>>, vector<1x2048x64xf32>,
    %slice3A_40 = vector.extract_strided_slice %mul3A_34 {offsets = [0, 64], sizes = [2048, 64], strides = [1, 1]} : vector<2048x128xf32> to vector<2048x64xf32>
    %swap3A_41 = arith.constant 1 : index
    %swap3A_42 = arith.constant 0 : index
    %swap3A_43 = arith.constant 0 : index
    %swap3A_44 = vector.load %arg8[%swap3A_41, %swap3A_42, %swap3A_43] : memref<2x2048x64xf32, #tpu.memory_space<vmem>>, vector<1x2048x64xf32>
    %swap3A_45 = vector.shape_cast %swap3A_44 : vector<1x2048x64xf32> to vector<2048x64xf32>
    %swap3A_46 = vector.shape_cast %slice3A_40 : vector<2048x64xf32> to vector<1x2048x64xf32>
    tpu.vector_store %arg8[%swap3A_41, %swap3A_42, %swap3A_43], %swap3A_46 {strides = array<i32>} : memref<2x2048x64xf32, #tpu.memory_space<vmem>>, vector<1x2048x64xf32>,
    return
  }
  func.func @transform_0(%arg0: i32) -> (i32, i32) {
    %c0_i32 = arith.constant 0 : i32
    %c0_i32_0 = arith.constant 0 : i32
    return %arg0, %c0_i32 : i32, i32
  }
  func.func @transform_1(%arg0: i32) -> (i32, i32) {
    %c0_i32 = arith.constant 0 : i32
    %c0_i32_0 = arith.constant 0 : i32
    return %arg0, %c0_i32 : i32, i32
  }
  func.func @transform_2(%arg0: i32) -> (i32, i32) {
    %c0_i32 = arith.constant 0 : i32
    %c0_i32_0 = arith.constant 0 : i32
    %c0_i32_1 = arith.constant 0 : i32
    return %c0_i32, %c0_i32_0 : i32, i32
  }
  func.func @transform_3(%arg0: i32) -> (i32, i32) {
    %c0_i32 = arith.constant 0 : i32
    %c0_i32_0 = arith.constant 0 : i32
    %c0_i32_1 = arith.constant 0 : i32
    return %c0_i32, %c0_i32_0 : i32, i32
  }
  func.func @transform_4(%arg0: i32) -> (i32, i32) {
    %c0_i32 = arith.constant 0 : i32
    %c0_i32_0 = arith.constant 0 : i32
    %c0_i32_1 = arith.constant 0 : i32
    return %c0_i32, %c0_i32_0 : i32, i32
  }
  func.func @transform_5(%arg0: i32) -> (i32, i32) {
    %c0_i32 = arith.constant 0 : i32
    %c0_i32_0 = arith.constant 0 : i32
    %c0_i32_1 = arith.constant 0 : i32
    return %c0_i32, %c0_i32_0 : i32, i32
  }
  func.func @transform_6(%arg0: i32) -> (i32, i32) {
    %c0_i32 = arith.constant 0 : i32
    %c0_i32_0 = arith.constant 0 : i32
    %c0_i32_1 = arith.constant 0 : i32
    return %c0_i32, %c0_i32_0 : i32, i32
  }
  func.func @transform_7(%arg0: i32) -> (i32, i32, i32) {
    %c0_i32 = arith.constant 0 : i32
    %c0_i32_0 = arith.constant 0 : i32
    %c0_i32_1 = arith.constant 0 : i32
    return %c0_i32, %arg0, %c0_i32_0 : i32, i32, i32
  }
}

module attributes {stable_mosaic.version = 14 : i64} {
  func.func @_node_body(%arg0: i32, %arg1: memref<2x1024x64xf32, #tpu.memory_space<vmem>>, %arg2: memref<1024x16xf32, #tpu.memory_space<vmem>>, %arg3: memref<1024x128xf32, #tpu.memory_space<vmem>>, %arg4: memref<128x256xf32, #tpu.memory_space<vmem>>, %arg5: memref<1x256xf32, #tpu.memory_space<vmem>>, %arg6: memref<128x128xf32, #tpu.memory_space<vmem>>, %arg7: memref<128x128xf32, #tpu.memory_space<vmem>>, %arg8: memref<1x128xf32, #tpu.memory_space<vmem>>, %arg9: memref<1024x128xf32, #tpu.memory_space<vmem>>) attributes {dimension_semantics = [#tpu.dimension_semantics<arbitrary>], iteration_bounds = array<i64: 10>, scalar_prefetch = 0 : i64, scratch_operands = 0 : i64, tpu.core_type = #tpu.core_type<tc>, window_params = [{transform_indices = @transform_0, window_bounds = array<i64: 2, 1024, 64>}, {transform_indices = @transform_1, window_bounds = array<i64: 1024, 16>}, {transform_indices = @transform_2, window_bounds = array<i64: 1024, 128>}, {pipeline_mode = #tpu.pipeline_mode<synchronous>, transform_indices = @transform_3, window_bounds = array<i64: 128, 256>}, {pipeline_mode = #tpu.pipeline_mode<synchronous>, transform_indices = @transform_4, window_bounds = array<i64: 1, 256>}, {pipeline_mode = #tpu.pipeline_mode<synchronous>, transform_indices = @transform_5, window_bounds = array<i64: 128, 128>}, {pipeline_mode = #tpu.pipeline_mode<synchronous>, transform_indices = @transform_6, window_bounds = array<i64: 128, 128>}, {pipeline_mode = #tpu.pipeline_mode<synchronous>, transform_indices = @transform_7, window_bounds = array<i64: 1, 128>}, {transform_indices = @transform_8, window_bounds = array<i64: 1024, 128>}]} {
    %get3A = arith.constant 0 : index
    %get3A_0 = arith.constant 0 : index
    %get3A_1 = arith.constant 0 : index
    %get3A_2 = vector.load %arg1[%get3A, %get3A_0, %get3A_1] : memref<2x1024x64xf32, #tpu.memory_space<vmem>>, vector<2x1024x64xf32>
    %slice3A = vector.extract_strided_slice %get3A_2 {offsets = [0, 0, 0], sizes = [1, 1024, 64], strides = [1, 1, 1]} : vector<2x1024x64xf32> to vector<1x1024x64xf32>
    %squeeze3A = vector.shape_cast %slice3A : vector<1x1024x64xf32> to vector<1024x64xf32>
    %slice3A_3 = vector.extract_strided_slice %get3A_2 {offsets = [1, 0, 0], sizes = [1, 1024, 64], strides = [1, 1, 1]} : vector<2x1024x64xf32> to vector<1x1024x64xf32>
    %squeeze3A_4 = vector.shape_cast %slice3A_3 : vector<1x1024x64xf32> to vector<1024x64xf32>
    %concatenate3A = tpu.concatenate %squeeze3A, %squeeze3A_4 in 1 : vector<1024x64xf32>, vector<1024x64xf32> -> vector<1024x128xf32>
    %get3A_5 = arith.constant 0 : index
    %get3A_6 = arith.constant 0 : index
    %get3A_7 = vector.load %arg2[%get3A_5, %get3A_6] : memref<1024x16xf32, #tpu.memory_space<vmem>>, vector<1024x16xf32>
    %slice3A_8 = vector.extract_strided_slice %get3A_7 {offsets = [0, 0], sizes = [1024, 1], strides = [1, 1]} : vector<1024x16xf32> to vector<1024x1xf32>
    %max3A = arith.constant 1.000000e+00 : f32
    %max3A_9 = vector.broadcast %max3A : f32 to vector<1024x1xf32>
    %max3A_10 = arith.maximumf %slice3A_8, %max3A_9 : vector<1024x1xf32>
    %div3A = vector.broadcast %max3A_10 : vector<1024x1xf32> to vector<1024x128xf32>
    %div3A_11 = arith.divf %concatenate3A, %div3A : vector<1024x128xf32>
    %get3A_12 = arith.constant 0 : index
    %get3A_13 = arith.constant 0 : index
    %get3A_14 = vector.load %arg4[%get3A_12, %get3A_13] : memref<128x256xf32, #tpu.memory_space<vmem>>, vector<128x256xf32>
    %dot_general3A = arith.constant dense<0.000000e+00> : vector<1024x256xf32>
    %dot_general3A_15 = tpu.matmul %div3A_11, %get3A_14, %dot_general3A {dimension_numbers = #tpu.dot_dimension_numbers<[1], [0], [0], [1], [0, 0, 1, 1], [], []>, transpose_lhs_hint = false} : vector<1024x128xf32>, vector<128x256xf32>, vector<1024x256xf32> -> vector<1024x256xf32>
    %get3A_16 = arith.constant 0 : index
    %get3A_17 = arith.constant 0 : index
    %get3A_18 = vector.load %arg5[%get3A_16, %get3A_17] : memref<1x256xf32, #tpu.memory_space<vmem>>, vector<1x256xf32>
    %add3A = vector.broadcast %get3A_18 : vector<1x256xf32> to vector<1024x256xf32>
    %add3A_19 = arith.addf %dot_general3A_15, %add3A : vector<1024x256xf32>
    %slice3A_20 = vector.extract_strided_slice %add3A_19 {offsets = [0, 0], sizes = [1024, 128], strides = [1, 1]} : vector<1024x256xf32> to vector<1024x128xf32>
    %slice3A_21 = vector.extract_strided_slice %add3A_19 {offsets = [0, 128], sizes = [1024, 128], strides = [1, 1]} : vector<1024x256xf32> to vector<1024x128xf32>
    %logistic3A = arith.negf %slice3A_21 : vector<1024x128xf32>
    %logistic3A_22 = math.exp %logistic3A : vector<1024x128xf32>
    %logistic3A_23 = arith.constant 1.000000e+00 : f32
    %logistic3A_24 = vector.broadcast %logistic3A_23 : f32 to vector<1024x128xf32>
    %logistic3A_25 = arith.addf %logistic3A_24, %logistic3A_22 : vector<1024x128xf32>
    %logistic3A_26 = arith.divf %logistic3A_24, %logistic3A_25 : vector<1024x128xf32>
    %mul3A = arith.mulf %slice3A_20, %logistic3A_26 : vector<1024x128xf32>
    %get3A_27 = arith.constant 0 : index
    %get3A_28 = arith.constant 0 : index
    %get3A_29 = vector.load %arg6[%get3A_27, %get3A_28] : memref<128x128xf32, #tpu.memory_space<vmem>>, vector<128x128xf32>
    %dot_general3A_30 = arith.constant dense<0.000000e+00> : vector<1024x128xf32>
    %dot_general3A_31 = tpu.matmul %mul3A, %get3A_29, %dot_general3A_30 {dimension_numbers = #tpu.dot_dimension_numbers<[1], [0], [0], [1], [0, 0, 1, 1], [], []>, transpose_lhs_hint = false} : vector<1024x128xf32>, vector<128x128xf32>, vector<1024x128xf32> -> vector<1024x128xf32>
    %get3A_32 = arith.constant 0 : index
    %get3A_33 = arith.constant 0 : index
    %get3A_34 = vector.load %arg3[%get3A_32, %get3A_33] : memref<1024x128xf32, #tpu.memory_space<vmem>>, vector<1024x128xf32>
    %get3A_35 = arith.constant 0 : index
    %get3A_36 = arith.constant 0 : index
    %get3A_37 = vector.load %arg7[%get3A_35, %get3A_36] : memref<128x128xf32, #tpu.memory_space<vmem>>, vector<128x128xf32>
    %dot_general3A_38 = arith.constant dense<0.000000e+00> : vector<1024x128xf32>
    %dot_general3A_39 = tpu.matmul %get3A_34, %get3A_37, %dot_general3A_38 {dimension_numbers = #tpu.dot_dimension_numbers<[1], [0], [0], [1], [0, 0, 1, 1], [], []>, transpose_lhs_hint = false} : vector<1024x128xf32>, vector<128x128xf32>, vector<1024x128xf32> -> vector<1024x128xf32>
    %add3A_40 = arith.addf %dot_general3A_31, %dot_general3A_39 : vector<1024x128xf32>
    %get3A_41 = arith.constant 0 : index
    %get3A_42 = arith.constant 0 : index
    %get3A_43 = vector.load %arg8[%get3A_41, %get3A_42] : memref<1x128xf32, #tpu.memory_space<vmem>>, vector<1x128xf32>
    %add3A_44 = vector.broadcast %get3A_43 : vector<1x128xf32> to vector<1024x128xf32>
    %add3A_45 = arith.addf %add3A_40, %add3A_44 : vector<1024x128xf32>
    %swap3A = arith.constant 0 : index
    %swap3A_46 = arith.constant 0 : index
    %swap3A_47 = vector.load %arg9[%swap3A, %swap3A_46] : memref<1024x128xf32, #tpu.memory_space<vmem>>, vector<1024x128xf32>
    tpu.vector_store %arg9[%swap3A, %swap3A_46], %add3A_45 {strides = array<i32>} : memref<1024x128xf32, #tpu.memory_space<vmem>>, vector<1024x128xf32>,
    return
  }
  func.func @transform_0(%arg0: i32) -> (i32, i32, i32) {
    %c0_i32 = arith.constant 0 : i32
    %c0_i32_0 = arith.constant 0 : i32
    %c0_i32_1 = arith.constant 0 : i32
    return %c0_i32, %arg0, %c0_i32_0 : i32, i32, i32
  }
  func.func @transform_1(%arg0: i32) -> (i32, i32) {
    %c0_i32 = arith.constant 0 : i32
    %c0_i32_0 = arith.constant 0 : i32
    return %arg0, %c0_i32 : i32, i32
  }
  func.func @transform_2(%arg0: i32) -> (i32, i32) {
    %c0_i32 = arith.constant 0 : i32
    %c0_i32_0 = arith.constant 0 : i32
    return %arg0, %c0_i32 : i32, i32
  }
  func.func @transform_3(%arg0: i32) -> (i32, i32) {
    %c0_i32 = arith.constant 0 : i32
    %c0_i32_0 = arith.constant 0 : i32
    %c0_i32_1 = arith.constant 0 : i32
    return %c0_i32, %c0_i32_0 : i32, i32
  }
  func.func @transform_4(%arg0: i32) -> (i32, i32) {
    %c0_i32 = arith.constant 0 : i32
    %c0_i32_0 = arith.constant 0 : i32
    %c0_i32_1 = arith.constant 0 : i32
    return %c0_i32, %c0_i32_0 : i32, i32
  }
  func.func @transform_5(%arg0: i32) -> (i32, i32) {
    %c0_i32 = arith.constant 0 : i32
    %c0_i32_0 = arith.constant 0 : i32
    %c0_i32_1 = arith.constant 0 : i32
    return %c0_i32, %c0_i32_0 : i32, i32
  }
  func.func @transform_6(%arg0: i32) -> (i32, i32) {
    %c0_i32 = arith.constant 0 : i32
    %c0_i32_0 = arith.constant 0 : i32
    %c0_i32_1 = arith.constant 0 : i32
    return %c0_i32, %c0_i32_0 : i32, i32
  }
  func.func @transform_7(%arg0: i32) -> (i32, i32) {
    %c0_i32 = arith.constant 0 : i32
    %c0_i32_0 = arith.constant 0 : i32
    %c0_i32_1 = arith.constant 0 : i32
    return %c0_i32, %c0_i32_0 : i32, i32
  }
  func.func @transform_8(%arg0: i32) -> (i32, i32) {
    %c0_i32 = arith.constant 0 : i32
    %c0_i32_0 = arith.constant 0 : i32
    return %arg0, %c0_i32 : i32, i32
  }
}

</mosaic_0001>

<sc_bundles>
// kernel: kernel.5.cloned.1.call-start
scs
__scs_entry_jumppad:
0x0: {  	(pc) =	sbr.rel $0x88, $3  }
0x1: {  	(tag) =	ssettag $0x0;
	lr =	simm.s32 $0x1  }
0x2: {  	[smem:$0x3F93] =	sst lr;
	_ =	strace $0xD0000000  }
0x3: {  	_ = 	snop  }
0x4: {  	_ = 	snop  }
0x5: {  	_ = 	snop  }
0x6: {  	_ = 	snop  }
0x7: {  	_ = 	snop  }
__scs_overlays_trampoline_lowered:
0x8: {  	[smem:$0x3FA2] =	sst s0  }
0x9: {  	[smem:$0x3FA3] =	sst s1  }
0xa: {  	[smem:$0x3FA4] =	sst s2  }
0xb: {  	[smem:$0x3FA5] =	sst s3  }
0xc: {  	[smem:$0x3FA6] =	sst s4  }
0xd: {  	[smem:$0x3FA7] =	sst s5  }
0xe: {  	[smem:$0x3FA8] =	sst s6  }
0xf: {  	[smem:$0x3FA9] =	sst s7  }
0x10: {  	[smem:$0x3FAA] =	sst s8  }
0x11: {  	[smem:$0x3FAB] =	sst s9;
	s0 =	simm.s32 @!p0 $0x0  }
0x12: {  	s1 =	sld [smem:$0x3F91];
	s0 =	simm.s32 @p0 $0x1  }
0x13: {  	[smem:$0x3FAC] =	sst s0;
	s0 =	simm.s32 @!p1 $0x0  }
0x14: {  	s2 =	sld [smem:$0x3F90];
	s0 =	simm.s32 @p1 $0x1  }
0x15: {  	[smem:$0x3FAD] =	sst s0;
	s0 =	simm.s32 @!p2 $0x0  }
0x16: {  	s3 =	sld [smem:$0x3FDB];
	s0 =	simm.s32 @p2 $0x1  }
0x17: {  	s4 =	simm.s32 $0x1BF5;
	[smem:$0x3FAF] =	sst s0  }
0x18: {  	s0 =	sld [smem:$0x3F92];
	_ =	swait.ge [sflag:s4], $0x0  }
0x19: {  	s7 =	sld [smem:$0x3F93]  }
0x1a: {  	s8 =	sadd.s32 $0xFFFFE003, lr  }
0x1b: {  	s9 =	sadd.s32 $0xFFFFFEF7, lr;
	s5 =	simm.s32 $0xFFFFFFFF;
	p2 =	slt.u32 s8, $0xFFFFF086  }
0x1c: {  	p1 =	slt.u32 s9, $0xF7A;
	s5 =	simm.s32 @!p2 $0x0  }
0x1d: {  	s5 =	simm.s32 @p1 $0x1;
	p0 =	seq.s32 s7, s2  }
0x1e: {  	s7 =	smul.u32 @!p0 $0xF7A, s2;
	p2 =	seq.s32 @!p0 s5, $0x0  }
0x1f: {  	s9 =	smul.u32 $0xF7A, s1;
	s8 =	simm.s32 @!p0 $0x1BF5;
	p2 =	por !p2, p0  }
0x20: {  	[sflag:s8] =	ssyncset.s32 @!p0 $0xFFFFF086;
	s6 =	sadd.s32 @!p0 s3, s7;
	s7 =	simm.s32 @!p0 $0x108  }
0x21: {  	s3 =	sadd.s32 s3, s9;
	s6 =	sadd.s32 @!p0 $0x88, s6;
	s7 =	simm.s32 @p2 $0x1082  }
0x22: {  	[simem:s7], [sflag:s8] =	dma.local @!p0 [hbm:s6], $0xF7A  }
0x23: {  	s9 =	sor.u32 $0xD0000000, s2;
	s6 =	simm.s32 $0x108;
	_ =	swait.ge @!p0 [sflag:s8], $0x0  }
0x24: {  	s3 =	sadd.s32 $0x88, s3;
	s6 =	simm.s32 @!p1 $0x1082;
	[sflag:s4] =	ssyncset.s32 $0xFFFFF086  }
0x25: {  	[simem:s6], [sflag:s4] =	dma.local [hbm:s3], $0xF7A  }
0x26: {  	[smem:$0x3F93] =	sst s1;
	(tag) =	ssettag s2;
	_ =	strace s9  }
0x27: {  	s1 =	sld [smem:$0x3FA3]  }
0x28: {  	s2 =	sld [smem:$0x3FA4]  }
0x29: {  	s4 =	sld [smem:$0x3FA6]  }
0x2a: {  	p0 =	seq.s32 s5, $0x0;
	s5 =	sld [smem:$0x3FA7]  }
0x2b: {  	s6 =	sld [smem:$0x3FA8]  }
0x2c: {  	s7 =	sld [smem:$0x3FA9]  }
0x2d: {  	s3 =	simm.s32 $0x108;
	s8 =	sld [smem:$0x3FAA]  }
0x2e: {  	s3 =	simm.s32 @!p0 $0x1082;
	s9 =	sld [smem:$0x3FAB]  }
0x2f: {  	lr =	sadd.s32 s0, s3;
	s0 =	sld [smem:$0x3FA2]  }
0x30: {  	s3 =	sld [smem:$0x3FA5]  }
0x31: {  	[smem:$0x3FAE] =	sst s10  }
0x32: {  	s10 =	sld [smem:$0x3FAC];
	_ =	sdelay $0x3  }
0x33: {  	p0 =	seq.s32 s10, $0x1;
	s10 =	sld [smem:$0x3FAE];
	_ =	sdelay $0x3  }
0x34: {  	[smem:$0x3FAE] =	sst s10  }
0x35: {  	s10 =	sld [smem:$0x3FAD];
	_ =	sdelay $0x3  }
0x36: {  	p1 =	seq.s32 s10, $0x1;
	s10 =	sld [smem:$0x3FAE];
	_ =	sdelay $0x3  }
0x37: {  	[smem:$0x3FAE] =	sst s10  }
0x38: {  	s10 =	sld [smem:$0x3FAF]  }
0x39: {  	_ = 	snop;
	(pc) =	sbr.ind lr, $3  }
0x3a: {  	_ = 	snop  }
0x3b: {  	_ = 	snop  }
0x3c: {  	p2 =	seq.s32 s10, $0x1;
	s10 =	sld [smem:$0x3FAE]  }
0x3d: {  	_ =	shalt  }
0x3e: {  	_ =	shalt  }
0x3f: {  	_ =	shalt  }
0x40: {  	_ =	shalt  }
0x41: {  	_ =	shalt  }
0x42: {  	_ =	shalt  }
0x43: {  	_ =	shalt  }
0x44: {  	_ =	shalt  }
0x45: {  	_ =	shalt  }
0x46: {  	_ =	shalt  }
0x47: {  	_ =	shalt  }
0x48: {  	_ =	shalt  }
0x49: {  	_ =	shalt  }
0x4a: {  	_ =	shalt  }
0x4b: {  	_ =	shalt  }
0x4c: {  	_ =	shalt  }
0x4d: {  	_ =	shalt  }
0x4e: {  	_ =	shalt  }
0x4f: {  	_ =	shalt  }
0x50: {  	_ =	shalt  }
0x51: {  	_ =	shalt  }
0x52: {  	_ =	shalt  }
0x53: {  	_ =	shalt  }
0x54: {  	_ =	shalt  }
0x55: {  	_ =	shalt  }
0x56: {  	_ =	shalt  }
0x57: {  	_ =	shalt  }
0x58: {  	_ =	shalt  }
0x59: {  	_ =	shalt  }
0x5a: {  	_ =	shalt  }
0x5b: {  	_ =	shalt  }
0x5c: {  	_ =	shalt  }
0x5d: {  	_ =	shalt  }
0x5e: {  	_ =	shalt  }
0x5f: {  	_ =	shalt  }
0x60: {  	_ =	shalt  }
0x61: {  	_ =	shalt  }
0x62: {  	_ =	shalt  }
0x63: {  	_ =	shalt  }
0x64: {  	_ =	shalt  }
0x65: {  	_ =	shalt  }
0x66: {  	_ =	shalt  }
0x67: {  	_ =	shalt  }
0x68: {  	_ =	shalt  }
0x69: {  	_ =	shalt  }
0x6a: {  	_ =	shalt  }
0x6b: {  	_ =	shalt  }
0x6c: {  	_ =	shalt  }
0x6d: {  	_ =	shalt  }
0x6e: {  	_ =	shalt  }
0x6f: {  	_ =	shalt  }
0x70: {  	_ =	shalt  }
0x71: {  	_ =	shalt  }
0x72: {  	_ =	shalt  }
0x73: {  	_ =	shalt  }
0x74: {  	_ =	shalt  }
0x75: {  	_ =	shalt  }
0x76: {  	_ =	shalt  }
0x77: {  	_ =	shalt  }
0x78: {  	_ =	shalt  }
0x79: {  	_ =	shalt  }
0x7a: {  	_ =	shalt  }
0x7b: {  	_ =	shalt  }
0x7c: {  	_ =	shalt  }
0x7d: {  	_ =	shalt  }
0x7e: {  	_ =	shalt  }
0x7f: {  	_ =	shalt  }
0x80: {  	_ =	shalt  }
0x81: {  	_ =	shalt  }
0x82: {  	_ =	shalt  }
0x83: {  	_ =	shalt  }
0x84: {  	_ =	shalt  }
0x85: {  	_ =	shalt  }
0x86: {  	_ =	shalt  }
0x87: {  	_ =	shalt  }
.Lfunc_end0:
.L_simem_size_0:
called_computation_lowered:
.L_overlay_start_0:
0x88: {  	s2 =	sld [smem:$0x3FD9]  }
0x89: {  	s3 =	sld [smem:$0x3FFE];
	_ =	sdelay $0x1  }
0x8a: {  	s1 =	srdreg.scid  }
0x8b: {  	s0 =	sand.u32 $0x1, s1  }
0x8c: {  	s17 =	sshll.u32 s0, $0xA;
	s2 =	sadd.s32 s3, s2  }
0x8d: {  	s2 =	sadd.s32 s2, s17  }
0x8e: {  	[smem:$0x3FBA] =	sst s2  }
0x8f: {  	_ = 	snop  }
0x90: {  	s2 =	sld [smem:$0x3FC9]  }
0x91: {  	s18 =	sld [smem:$0x3FD0];
	(tm) =	ssettm $0x1  }
0x92: {  	s4 =	sld [smem:$0x3FFB];
	_ =	sdelay $0x3  }
0x93: {  	_ =	strace s4  }
0x94: {  	s4 =	sld [smem:$0x3FFC];
	_ =	sdelay $0x3  }
0x95: {  	_ =	strace s4  }
0x96: {  	s4 =	sld [smem:$0x3FFD];
	_ =	sdelay $0x3  }
0x97: {  	_ =	strace s4  }
0x98: {  	_ =	strace $0x8FFFFFFF  }
0x99: {  	s19 =	sld [smem:$0x3FDB];
	_ =	sdelay $0x1  }
0x9a: {  	s5 =	simm.s32 $_scs_section_size  }
0x9b: {  	s6 =	simm.s32 $_size__tile_overlayer_lowered;
	s7 =	simm.s32 $_tile_overlayer_lowered  }
0x9c: {  	s22 =	simm.s32 $0x1BFF;
	s21 =	sshll.u32 s7, $0x1;
	s4 =	sadd.s32 s5, s19  }
0x9d: {  	s8 =	simm.s32 $0x0;
	s20 =	sshll.u32 s6, $0x1;
	s6 =	sadd.s32 s21, s4  }
0x9e: {  	[timem:s8], [sflag:s22] =	dma.local [hbm:s6], s20  }
0x9f: {  	_ =	swait.ge [sflag:s22], s20  }
0xa0: {  	s5 =	ssub.s32 $0x0, s20;
	[sflag:s22] =	ssyncset.done $0x0  }
0xa1: {  	[sflag:s22] =	ssyncadd.s32 s5;
	_ =	sdelay $0x1  }
0xa2: {  	s23 =	simm.s32 $0x1B8B  }
0xa3: {  	_ =	swait.ge [sflag:s23], $0x1  }
0xa4: {  	[sflag:s23] =	ssyncset.done $0x0  }
0xa5: {  	s25 =	simm.s32 $0x1B8E;
	s24 =	sld [smem:$0x3FFE];
	[sflag:s23] =	ssyncadd.s32 $0xFFFFFFFF  }
0xa6: {  	s26 =	simm.s32 $execute0_lowered;
	[smem:$0x3FD2] =	sst s25  }
0xa7: {  	s6 =	sshll.u32 s26, $0x1;
	_ =	strace $0x80000046;
	[dreg:$0x1] =	wrdreg $0xFFFFFFFF  }
0xa8: {  	s28 =	simm.s32 $_size_execute0_lowered;
	s4 =	sadd.s32 s4, s6;
	[dreg:$0x0] =	wrdreg $0x0  }
0xa9: {  	s6 =	sshll.u32 s28, $0x1;
	[dreg:$0x2] =	wrdreg s4  }
0xaa: {  	[dreg:$0x3] =	wrdreg s6  }
0xab: {  	[dreg:$0x4] =	wrdreg $0xC0  }
0xac: {  	_ =	task [dreg:s8], $0x5FFFF  }
0xad: {  	[dreg:$0x1] =	wrdreg $0xFFFFFFFF  }
0xae: {  	[dreg:$0x0] =	wrdreg $0x60  }
0xaf: {  	[dreg:$0x2] =	wrdreg s2  }
0xb0: {  	[dreg:$0x3] =	wrdreg s18  }
0xb1: {  	[dreg:$0x4] =	wrdreg s24  }
0xb2: {  	[dreg:$0x5] =	wrdreg $0xCD000  }
0xb3: {  	[dreg:$0x6] =	wrdreg $0x16D000  }
0xb4: {  	[dreg:$0x7] =	wrdreg $0x9  }
0xb5: {  	_ =	task.clear_ibuf [dreg:s8], $0x8FFFF;
	_ =	strace $0x90000046  }
0xb6: {  	s29 =	simm.s32 $0x9;
	_ =	strace $0x80000048  }
0xb7: {  	_ =	swait.ge [sflag:s29], $0x1  }
0xb8: {  	[sflag:s29] =	ssyncadd.s32 $0xFFFFFFFF  }
0xb9: {  	_ =	strace $0x90000048  }
0xba: {  	_ =	sfence  }
0xbb: {  	s30 =	sld [smem:$0x0];
	_ =	sdelay $0x2  }
0xbc: {  	s31 =	sshll.u32 s1, $0xD;
	s1 =	sshrl.u32 s1, $0x2  }
0xbd: {  	s3 =	sand.u32 $0x4000, s31;
	s1 =	sadd.s32 s1, s30  }
0xbe: {  	s0 =	sor.u32 s3, s0;
	s1 =	sshll.u32 s1, $0x11  }
0xbf: {  	s0 =	sor.u32 s1, s0  }
0xc0: {  	s0 =	sadd.s32 $0x8F2B, s0  }
0xc1: {  	[sflag:s0] =	ssyncadd.remote.s32 $0x1  }
0xc2: {  	_ =	sfence.sel $0xFFFF  }
0xc3: {  	[dreg:$0x0] =	wrdreg $0xFFFFFFFF;
	(pc) =	sbr.abs _section_cstart, $3  }
0xc4: {  	[dreg:$0x1] =	wrdreg $0xFFFFFFFF  }
0xc5: {  	_ =	task.clear_ibuf [dreg:s8], $0x2FFFF;
	_ =	strace $0x9FFFFFFF  }
0xc6: {  	(tm) =	ssettm $0x7FFFFFFF  }
0xc7: {  	_ =	shalt  }
tec
execute0_lowered:
.L_overlay_start_1:
0x0: {  	(tag) =	ssettag $0x1  }
0x1: {  	s1 =	rddreg [dreg:$0x0]  }
0x2: {  	s2 =	rddreg [dreg:$0x1];
	s0 =	stileid.u32  }
0x3: {  	s3 =	rddreg [dreg:$0x2];
	s10 =	smul.u32 $0xA000, s0  }
0x4: {  	s5 =	srdreg.scid;
	s11 =	smul.u32 $0x2800, s0  }
0x5: {  	s4 =	rddreg [dreg:$0x3];
	s12 =	smul.u32 $0x280, s0  }
0x6: {  	s6 =	rddreg [dreg:$0x4];
	s7 =	simm.s32 $0x0;
	s21 =	smul.u32 $0x4E80, s0  }
0x7: {  	s30 =	simm.s32 $0x8500;
	s5 =	sand.u32 $0x1, s5;
	s29 =	smul.u32 $0x9D, s0  }
0x8: {  	s31 =	simm.s32 $0x6;
	[smem:$0x7FF] =	sst s7;
	s8 =	smul.u32 $0xA0000, s5  }
0x9: {  	_ =	strace $0x80000047;
	s22 =	ssub.s32 $0x2, s5;
	p0 =	sne.s32 s5, $0x0  }
0xa: {  	s14 =	sshrl.u32 s11, $0x3;
	s15 =	sshrl.u32 s22, $0x1;
	s16 =	sadd.s32 $0x80, s12  }
0xb: {  	s17 =	sadd.s32 $0x100, s12;
	s18 =	sadd.s32 $0x180, s12;
	s12 =	sadd.s32 $0x200, s12  }
0xc: {  	s8 =	sadd.s32 s10, s8;
	s23 =	sshll.u32 s16, $0x6;
	s24 =	sshll.u32 s17, $0x6  }
0xd: {  	s25 =	sshll.u32 s18, $0x6;
	s19 =	sshll.u32 s12, $0x6;
	s16 =	sshll.u32 s16, $0x4  }
0xe: {  	s17 =	sshll.u32 s17, $0x4;
	s20 =	sshll.u32 s18, $0x4;
	s9 =	sshrl.u32 s8, $0x3  }
0xf: {  	s8 =	sadd.s32 $0x2600, s3;
	s26 =	sadd.s32 s19, s4;
	s19 =	smul.u32 $0x13A000, s0  }
0x10: {  	s13 =	sadd.s32 s9, s3;
	s3 =	sadd.s32 s14, s3;
	s14 =	ssub.s32 s22, s15  }
0x11: {  	s9 =	sadd.s32 s10, s4;
	s15 =	sadd.s32 s23, s4;
	[dreg:$0x9] =	wrdreg s26  }
0x12: {  	s10 =	sshrl.u32 s10, $0x2;
	[dreg:$0x6] =	wrdreg s15;
	s15 =	sadd.s32 s24, s4  }
0x13: {  	s22 =	sshll.u32 s12, $0x4;
	s10 =	sadd.s32 s10, s6;
	[dreg:$0x7] =	wrdreg s15  }
0x14: {  	s23 =	smul.u32 $0x9D0, s0;
	s15 =	sadd.s32 s25, s4;
	[dreg:$0xa] =	wrdreg s10  }
0x15: {  	s10 =	sadd.s32 s16, s6;
	s25 =	sshrl.u32 s21, $0x3;
	[dreg:$0x8] =	wrdreg s15  }
0x16: {  	s12 =	sadd.s32 s2, s23;
	s15 =	smul.u32 $0x13A0000, s5;
	[dreg:$0xb] =	wrdreg s10  }
0x17: {  	s10 =	sadd.s32 s17, s6;
	[dreg:$0xf] =	wrdreg s12;
	s26 =	sadd.s32 s2, s25  }
0x18: {  	s25 =	sadd.s32 $0x512600, s3;
	s3 =	simm.s32 $0x1;
	s12 =	simm.s32 $0x3  }
0x19: {  	[dreg:$0xc] =	wrdreg s10;
	s10 =	sadd.s32 s20, s6;
	s23 =	sadd.s32 $0x20, s26  }
0x1a: {  	[dreg:$0xd] =	wrdreg s10;
	s10 =	sadd.s32 s22, s6;
	s24 =	sadd.s32 s19, s15  }
0x1b: {  	s22 =	sadd.s32 $0x10, s26;
	[dreg:$0xe] =	wrdreg s10;
	s10 =	sshrl.u32 s24, $0x3  }
0x1c: {  	s26 =	smax.u32 s14, $0x1;
	s24 =	sadd.s32 $0x4EA600, s13;
	s10 =	sadd.s32 s8, s10  }
0x1d: {  	s13 =	simm.s32 $0x4;
	[dreg:$0x10] =	wrdreg s10;
	s10 =	sadd.s32 s11, s6  }
0x1e: {  	v1 =	vimm.f32 $0.0e+00;
	v2 =	vimm.f32 $1.000000000e+00;
	v0 =	vmov s5;
	s11 =	simm.s32 $0x2;
	s28 =	sshrl.u32 @!p0 s10, $0x3;
	s10 =	simm.s32 $0x80  }
.LBB2_1:
0x1f: {  	s14 =	simm.s32 $0x8520  }
0x20: {  	[tilespmem:s14+$0x0] =	vst v1  }
0x21: {  	[tilespmem:s14+$0xFFFFFFE0] =	vst v1  }
0x22: {  	[tilespmem:s14+$0x10] =	vst v1  }
0x23: {  	s16 =	simm.s32 $0x40;
	s17 =	simm.s32 $0x0;
	[tilespmem:s14+$0xFFFFFFF0] =	vst v1  }
.LBB2_2:
0x24: {  	p1 =	sne.s32 s16, $0x1FC0  }
0x25: {  	[tilespmem:s17+$0xC500] =	vst v1;
	s14 =	sadd.s32 $0x40, s14;
	s17 =	smov.u32 s16;
	s16 =	sadd.s32 $0x40, s16  }
.Ltmp0:
0x26: {  	[tilespmem:s14+$0x0] =	vst v1;
	(pc) =	sbr.rel @p1 .LBB2_2-.Ltmp0, $4  }
0x27: {  	_ = 	snop  }
0x28: {  	[tilespmem:s14+$0xFFFFFFE0] =	vst v1  }
0x29: {  	[tilespmem:s14+$0x10] =	vst v1  }
0x2a: {  	s17 =	sshra.s32 s17, $0x2;
	[tilespmem:s14+$0xFFFFFFF0] =	vst v1  }
0x2b: {  	[tilespmem:s17+$0xC500] =	vst v1  }
0x2c: {  	[spmem:s9] =	stream.linear.scatter [tilespmem:s30], [sflag:$0x6], $0x2000, $0x38;
	[tilespmem:$0x19500] =	vst v63  }
0x2d: {  	_ =	swait.ge [sflag:s31], $0x2000  }
0x2e: {  	[sflag:s31] =	ssyncset.done $0x0  }
0x2f: {  	s14 =	rddreg [dreg:$0x6];
	[sflag:s31] =	ssyncadd.s32 $0xFFFFE000  }
0x30: {  	[spmem:s14] =	stream.linear.scatter [tilespmem:s30], [sflag:$0x6], $0x2000, $0x38;
	[tilespmem:$0x19500] =	vst v63  }
0x31: {  	_ =	swait.ge [sflag:s31], $0x2000  }
0x32: {  	[sflag:s31] =	ssyncset.done $0x0  }
0x33: {  	s19 =	rddreg [dreg:$0x7];
	[sflag:s31] =	ssyncadd.s32 $0xFFFFE000  }
0x34: {  	[spmem:s19] =	stream.linear.scatter [tilespmem:s30], [sflag:$0x6], $0x2000, $0x38;
	[tilespmem:$0x19500] =	vst v63  }
0x35: {  	_ =	swait.ge [sflag:s31], $0x2000  }
0x36: {  	[sflag:s31] =	ssyncset.done $0x0  }
0x37: {  	s20 =	rddreg [dreg:$0x8];
	[sflag:s31] =	ssyncadd.s32 $0xFFFFE000  }
0x38: {  	[spmem:s20] =	stream.linear.scatter [tilespmem:s30], [sflag:$0x6], $0x2000, $0x38;
	[tilespmem:$0x19500] =	vst v63  }
0x39: {  	_ =	swait.ge [sflag:s31], $0x2000  }
0x3a: {  	[sflag:s31] =	ssyncset.done $0x0  }
0x3b: {  	s21 =	rddreg [dreg:$0x9];
	[sflag:s31] =	ssyncadd.s32 $0xFFFFE000  }
0x3c: {  	[spmem:s21] =	stream.linear.scatter [tilespmem:s30], [sflag:$0x6], $0x2000, $0x38;
	[tilespmem:$0x19500] =	vst v63  }
0x3d: {  	_ =	swait.ge [sflag:s31], $0x2000  }
0x3e: {  	[sflag:s31] =	ssyncset.done $0x0  }
0x3f: {  	s14 =	simm.s32 @!p0 $0xC500;
	s16 =	rddreg [dreg:$0xa];
	[sflag:s31] =	ssyncadd.s32 $0xFFFFE000  }
0x40: {  	[spmem:s16] =	stream.linear.scatter @!p0 [tilespmem:s14], [sflag:$0x6], $0x800, $0x38;
	[tilespmem:$0x19500] =	vst v63  }
0x41: {  	s16 =	simm.s32 @!p0 $0x6  }
0x42: {  	_ =	swait.ge @!p0 [sflag:s16], $0x800  }
0x43: {  	[sflag:s16] =	ssyncset.done @!p0 $0x0  }
0x44: {  	s17 =	rddreg [dreg:$0xb];
	[sflag:s16] =	ssyncadd.s32 @!p0 $0xFFFFF800  }
0x45: {  	[spmem:s17] =	stream.linear.scatter @!p0 [tilespmem:s14], [sflag:$0x6], $0x800, $0x38;
	[tilespmem:$0x19500] =	vst v63  }
0x46: {  	_ =	swait.ge @!p0 [sflag:s16], $0x800  }
0x47: {  	[sflag:s16] =	ssyncset.done @!p0 $0x0  }
0x48: {  	s17 =	rddreg [dreg:$0xc];
	[sflag:s16] =	ssyncadd.s32 @!p0 $0xFFFFF800  }
0x49: {  	[spmem:s17] =	stream.linear.scatter @!p0 [tilespmem:s14], [sflag:$0x6], $0x800, $0x38;
	[tilespmem:$0x19500] =	vst v63  }
0x4a: {  	_ =	swait.ge @!p0 [sflag:s16], $0x800  }
0x4b: {  	[sflag:s16] =	ssyncset.done @!p0 $0x0  }
0x4c: {  	s17 =	rddreg [dreg:$0xd];
	[sflag:s16] =	ssyncadd.s32 @!p0 $0xFFFFF800  }
0x4d: {  	[spmem:s17] =	stream.linear.scatter @!p0 [tilespmem:s14], [sflag:$0x6], $0x800, $0x38;
	[tilespmem:$0x19500] =	vst v63  }
0x4e: {  	_ =	swait.ge @!p0 [sflag:s16], $0x800  }
0x4f: {  	[sflag:s16] =	ssyncset.done @!p0 $0x0  }
0x50: {  	s17 =	rddreg [dreg:$0xe];
	[sflag:s16] =	ssyncadd.s32 @!p0 $0xFFFFF800  }
0x51: {  	[spmem:s17] =	stream.linear.scatter @!p0 [tilespmem:s14], [sflag:$0x6], $0x800, $0x38;
	[tilespmem:$0x19500] =	vst v63  }
0x52: {  	_ =	swait.ge @!p0 [sflag:s16], $0x800  }
0x53: {  	[sflag:s16] =	ssyncset.done @!p0 $0x0  }
0x54: {  	[sflag:s16] =	ssyncadd.s32 @!p0 $0xFFFFF800  }
0x55: {  	s14 =	simm.s32 $0x40;
	s16 =	simm.s32 $0x0;
	[bflag:$0x0] =	sbarrier.arrive $0xFFFF  }
.LBB2_4:
0x56: {  	p1 =	sne.s32 s14, $0x1FC0;
	[tilespmem:s16+$0xC500] =	vst v2;
	s16 =	smov.u32 s14;
	s14 =	sadd.s32 $0x40, s14  }
.Ltmp1:
0x57: {  	(pc) =	sbr.rel @p1 .LBB2_4-.Ltmp1, $2  }
0x58: {  	_ =	sdelay $0x2  }
0x59: {  	s16 =	sshra.s32 s16, $0x2  }
0x5a: {  	[tilespmem:s16+$0xC500] =	vst v2;
	s14 =	simm.s32 $0x0;
	s17 =	rddreg [dreg:$0xf]  }
0x5b: {  	[tilespmem:s14], [sflag:$0x1] =	stream.linear.gather [hbm4b:s17+s14], $0x80, $0x38;
	[tilespmem:$0x19500] =	vst v63  }
0x5c: {  	_ =	swait.ge [sflag:s3], $0x80  }
0x5d: {  	[sflag:s3] =	ssyncset.done $0x0  }
0x5e: {  	[sflag:s3] =	ssyncadd.s32 $0xFFFFFF80  }
0x5f: {  	v3 =	vld [tilespmem:$0x0]  }
0x60: {  	v4 =	vld [tilespmem:$0x10]  }
0x61: {  	v5 =	vld [tilespmem:$0x20]  }
0x62: {  	v6 =	vld [tilespmem:$0x30]  }
0x63: {  	v7 =	vld [tilespmem:$0x40]  }
0x64: {  	v8 =	vld [tilespmem:$0x50];
	v3 =	vshll.u32 v3, $0x1  }
0x65: {  	v9 =	vld [tilespmem:$0x60];
	v4 =	vshll.u32 v4, $0x1;
	v3 =	vand.u32 $0x7FFE, v3  }
0x66: {  	v10 =	vld [tilespmem:$0x70];
	v5 =	vshll.u32 v5, $0x1;
	v4 =	vand.u32 $0x7FFE, v4;
	v3 =	vor.u32 v0, v3  }
0x67: {  	v54 =	vshll.u32 v6, $0x1;
	v53 =	vand.u32 $0x7FFE, v5;
	[tilespmem:$0x200] =	vst v3;
	v3 =	vor.u32 v0, v4  }
0x68: {  	v56 =	vshll.u32 v7, $0x1;
	v55 =	vand.u32 $0x7FFE, v54;
	[tilespmem:$0x210] =	vst v3;
	v3 =	vor.u32 v0, v53  }
0x69: {  	v58 =	vshll.u32 v8, $0x1;
	v57 =	vand.u32 $0x7FFE, v56;
	[tilespmem:$0x220] =	vst v3;
	v3 =	vor.u32 v0, v55  }
0x6a: {  	v60 =	vshll.u32 v9, $0x1;
	v59 =	vand.u32 $0x7FFE, v58;
	[tilespmem:$0x230] =	vst v3;
	v3 =	vor.u32 v0, v57  }
0x6b: {  	v62 =	vshll.u32 v10, $0x1;
	v61 =	vand.u32 $0x7FFE, v60;
	[tilespmem:$0x240] =	vst v3;
	v3 =	vor.u32 v0, v59  }
0x6c: {  	v63 =	vand.u32 $0x7FFE, v62;
	[tilespmem:$0x250] =	vst v3;
	v3 =	vor.u32 v0, v61  }
0x6d: {  	[tilespmem:$0x260] =	vst v3;
	v3 =	vor.u32 v0, v63  }
0x6e: {  	s18 =	simm.s32 $0x200;
	s17 =	simm.s32 $0x500;
	[tilespmem:$0x270] =	vst v3  }
0x6f: {  	[tilespmem:s17], [sflag:$0x2] =	stream.indirect.gather [hbm4b:s1+s10], $0x40, s18, s10, $0xb8;
	[tilespmem:$0x19500] =	vst v63  }
0x70: {  	s20 =	simm.s32 $0x4500;
	s19 =	rddreg [dreg:$0x10]  }
0x71: {  	[tilespmem:s20], [sflag:$0x3] =	stream.linear.gather [hbm4b:s19+s14], $0x2000, $0x38;
	[tilespmem:$0x19500] =	vst v63  }
0x72: {  	_ = 	snop  }
0x73: {  	[tilespmem:s10], [sflag:$0x1] =	stream.linear.gather [hbm4b:s22+s14], $0x80, $0x38;
	[tilespmem:$0x19500] =	vst v63  }
0x74: {  	s21 =	simm.s32 $0x100;
	p1 =	por $0x0, $0x0  }
0x75: {  	[tilespmem:s21], [sflag:$0x1] =	stream.linear.gather [hbm4b:s23+s14], $0x80, $0x38;
	[tilespmem:$0x19500] =	vst v63  }
.LBB2_6:
0x76: {  	p2 =	seq.s32 s14, $0x9C  }
0x77: {  	s17 =	simm.s32 @!p2 $0x1  }
0x78: {  	s16 =	sadd.s32 $0x1, s14;
	_ =	swait.ge @!p2 [sflag:s17], $0x80  }
0x79: {  	s18 =	sshll.u32 @!p2 s16, $0x7;
	[sflag:s17] =	ssyncset.done @!p2 $0x0  }
0x7a: {  	[sflag:s17] =	ssyncadd.s32 @!p2 $0xFFFFFF80;
	s17 =	sand.u32 @!p2 $0x180, s18  }
0x7b: {  	v3 =	vld @!p2 [tilespmem:s17+$0x0]  }
0x7c: {  	v4 =	vld @!p2 [tilespmem:s17+$0x10]  }
0x7d: {  	v5 =	vld @!p2 [tilespmem:s17+$0x20]  }
0x7e: {  	v6 =	vld @!p2 [tilespmem:s17+$0x30]  }
0x7f: {  	v7 =	vld @!p2 [tilespmem:s17+$0x40]  }
0x80: {  	v8 =	vld @!p2 [tilespmem:s17+$0x50];
	v3 =	vshll.u32 @!p2 v3, $0x1  }
0x81: {  	v9 =	vld @!p2 [tilespmem:s17+$0x60];
	v4 =	vshll.u32 @!p2 v4, $0x1;
	v3 =	vand.u32 @!p2 $0x7FFE, v3  }
0x82: {  	v10 =	vld @!p2 [tilespmem:s17+$0x70];
	v5 =	vshll.u32 @!p2 v5, $0x1;
	v4 =	vand.u32 @!p2 $0x7FFE, v4;
	v3 =	vor.u32 @!p2 v0, v3  }
0x83: {  	[tilespmem:s17+$0x200] =	vst @!p2 v3;
	v3 =	vor.u32 @!p2 v0, v4;
	v4 =	vand.u32 @!p2 $0x7FFE, v5;
	v5 =	vshll.u32 @!p2 v6, $0x1  }
0x84: {  	[tilespmem:s17+$0x210] =	vst @!p2 v3;
	v3 =	vor.u32 @!p2 v0, v4;
	v4 =	vand.u32 @!p2 $0x7FFE, v5;
	v5 =	vshll.u32 @!p2 v7, $0x1  }
0x85: {  	[tilespmem:s17+$0x220] =	vst @!p2 v3;
	v3 =	vor.u32 @!p2 v0, v4;
	v4 =	vand.u32 @!p2 $0x7FFE, v5;
	v5 =	vshll.u32 @!p2 v8, $0x1  }
0x86: {  	[tilespmem:s17+$0x230] =	vst @!p2 v3;
	v3 =	vor.u32 @!p2 v0, v4;
	v4 =	vand.u32 @!p2 $0x7FFE, v5;
	v5 =	vshll.u32 @!p2 v9, $0x1  }
0x87: {  	[tilespmem:s17+$0x240] =	vst @!p2 v3;
	v3 =	vor.u32 @!p2 v0, v4;
	v4 =	vand.u32 @!p2 $0x7FFE, v5;
	v5 =	vshll.u32 @!p2 v10, $0x1  }
0x88: {  	s18 =	sshll.u32 @!p2 s16, $0xD;
	[tilespmem:s17+$0x250] =	vst @!p2 v3;
	v3 =	vor.u32 @!p2 v0, v4;
	v4 =	vand.u32 @!p2 $0x7FFE, v5  }
0x89: {  	s18 =	sand.u32 @!p2 $0x2000, s18;
	[tilespmem:s17+$0x260] =	vst @!p2 v3;
	v3 =	vor.u32 @!p2 v0, v4  }
0x8a: {  	s20 =	simm.s32 @!p2 $0x80;
	s19 =	sor.u32 @!p2 $0x200, s17;
	[tilespmem:s17+$0x270] =	vst @!p2 v3;
	s17 =	sor.u32 @!p2 $0x500, s18  }
0x8b: {  	[tilespmem:s17], [sflag:$0x2] =	stream.indirect.gather @!p2 [hbm4b:s1+s20], $0x40, s19, s20, $0xb8;
	[tilespmem:$0x19500] =	vst v63  }
0x8c: {  	s17 =	sadd.s32 @!p2 s29, s16  }
0x8d: {  	s17 =	sshll.u32 @!p2 s17, $0xD  }
0x8e: {  	s17 =	sadd.s32 @!p2 s15, s17  }
0x8f: {  	s17 =	sshrl.u32 @!p2 s17, $0x3  }
0x90: {  	s18 =	sor.u32 @!p2 $0x4500, s18;
	s19 =	simm.s32 @!p2 $0x0;
	s17 =	sadd.s32 @!p2 s8, s17  }
0x91: {  	[tilespmem:s18], [sflag:$0x3] =	stream.linear.gather @!p2 [hbm4b:s17+s19], $0x2000, $0x38;
	[tilespmem:$0x19500] =	vst v63  }
0x92: {  	_ =	swait.ge [sflag:s11], $0x2000  }
0x93: {  	[sflag:s11] =	ssyncset.done $0x0  }
0x94: {  	[sflag:s11] =	ssyncadd.s32 $0xFFFFE000  }
0x95: {  	_ =	swait.ge [sflag:s12], $0x2000  }
0x96: {  	p2 =	slt.u32 s14, $0x2;
	s18 =	simm.s32 $0x1;
	[sflag:s12] =	ssyncset.done $0x0  }
0x97: {  	s17 =	simm.s32 @!p2 $0x4;
	s18 =	simm.s32 @!p1 $0x0;
	[sflag:s12] =	ssyncadd.s32 $0xFFFFE000  }
0x98: {  	p3 =	sne.s32 @!p2 s5, $0x0;
	s18 =	sshll.u32 s18, $0xD;
	_ =	swait.ge @!p2 [sflag:s17], $0x2000  }
0x99: {  	p3 =	por p3, p2;
	s20 =	sor.u32 $0x700, s18;
	[sflag:s17] =	ssyncset.done @!p2 $0x0  }
0x9a: {  	s19 =	simm.s32 @!p3 $0x5;
	s21 =	sor.u32 $0x4700, s18;
	v3 =	vmov s20;
	[sflag:s17] =	ssyncadd.s32 @!p2 $0xFFFFE000  }
0x9b: {  	v4 =	vmov s21;
	_ =	swait.ge @!p3 [sflag:s19], $0x800  }
0x9c: {  	s18 =	sor.u32 $0x8700, s18;
	[sflag:s19] =	ssyncset.done @!p3 $0x0  }
0x9d: {  	v5 =	vmov s18;
	s18 =	simm.s32 $0x0;
	s17 =	sand.u32 $0x1, s14;
	[sflag:s19] =	ssyncadd.s32 @!p3 $0xFFFFF800  }
.LBB2_7:
0x9e: {  	s19 =	sshra.s32 s18, $0x2  }
0x9f: {  	v6 =	vld.idx.msk [tilespmem:v3+s19+$0xFFFFFE00 ss:$0x1], $0xffff  }
0xa0: {  	v7 =	vld.idx.msk [tilespmem:v4+s19+$0xFFFFFE00 ss:$0x1], $0xffff;
	_ =	sdelay $0x4  }
0xa1: {  	v6 =	vmul.f32 v7, v6;
	_ =	sdelay $0x1  }
0xa2: {  	[tilespmem:v5+s19+$0xFFFFFE00 ss:$0x1] =	vst.idx.msk $0xffff, v6  }
0xa3: {  	v6 =	vld.idx.msk [tilespmem:v3+s19+$0xFFFFFE10 ss:$0x1], $0xffff  }
0xa4: {  	v7 =	vld.idx.msk [tilespmem:v4+s19+$0xFFFFFE10 ss:$0x1], $0xffff;
	_ =	sdelay $0x4  }
0xa5: {  	v6 =	vmul.f32 v7, v6;
	_ =	sdelay $0x1  }
0xa6: {  	[tilespmem:v5+s19+$0xFFFFFE10 ss:$0x1] =	vst.idx.msk $0xffff, v6  }
0xa7: {  	v6 =	vld.idx.msk [tilespmem:v3+s19+$0xFFFFFE20 ss:$0x1], $0xffff  }
0xa8: {  	v7 =	vld.idx.msk [tilespmem:v4+s19+$0xFFFFFE20 ss:$0x1], $0xffff;
	_ =	sdelay $0x4  }
0xa9: {  	v6 =	vmul.f32 v7, v6;
	_ =	sdelay $0x1  }
0xaa: {  	[tilespmem:v5+s19+$0xFFFFFE20 ss:$0x1] =	vst.idx.msk $0xffff, v6  }
0xab: {  	v6 =	vld.idx.msk [tilespmem:v3+s19+$0xFFFFFE30 ss:$0x1], $0xffff  }
0xac: {  	v7 =	vld.idx.msk [tilespmem:v4+s19+$0xFFFFFE30 ss:$0x1], $0xffff;
	_ =	sdelay $0x4  }
0xad: {  	v6 =	vmul.f32 v7, v6;
	_ =	sdelay $0x1  }
0xae: {  	[tilespmem:v5+s19+$0xFFFFFE30 ss:$0x1] =	vst.idx.msk $0xffff, v6  }
0xaf: {  	v6 =	vld.idx.msk [tilespmem:v3+s19+$0xFFFFFE40 ss:$0x1], $0xffff  }
0xb0: {  	v7 =	vld.idx.msk [tilespmem:v4+s19+$0xFFFFFE40 ss:$0x1], $0xffff;
	_ =	sdelay $0x4  }
0xb1: {  	v6 =	vmul.f32 v7, v6;
	_ =	sdelay $0x1  }
0xb2: {  	[tilespmem:v5+s19+$0xFFFFFE40 ss:$0x1] =	vst.idx.msk $0xffff, v6  }
0xb3: {  	v6 =	vld.idx.msk [tilespmem:v3+s19+$0xFFFFFE50 ss:$0x1], $0xffff  }
0xb4: {  	v7 =	vld.idx.msk [tilespmem:v4+s19+$0xFFFFFE50 ss:$0x1], $0xffff;
	_ =	sdelay $0x4  }
0xb5: {  	v6 =	vmul.f32 v7, v6;
	_ =	sdelay $0x1  }
0xb6: {  	[tilespmem:v5+s19+$0xFFFFFE50 ss:$0x1] =	vst.idx.msk $0xffff, v6  }
0xb7: {  	v6 =	vld.idx.msk [tilespmem:v3+s19+$0xFFFFFE60 ss:$0x1], $0xffff  }
0xb8: {  	v7 =	vld.idx.msk [tilespmem:v4+s19+$0xFFFFFE60 ss:$0x1], $0xffff;
	_ =	sdelay $0x4  }
0xb9: {  	v6 =	vmul.f32 v7, v6;
	_ =	sdelay $0x1  }
0xba: {  	[tilespmem:v5+s19+$0xFFFFFE60 ss:$0x1] =	vst.idx.msk $0xffff, v6  }
0xbb: {  	v6 =	vld.idx.msk [tilespmem:v3+s19+$0xFFFFFE70 ss:$0x1], $0xffff  }
0xbc: {  	v7 =	vld.idx.msk [tilespmem:v4+s19+$0xFFFFFE70 ss:$0x1], $0xffff;
	_ =	sdelay $0x4  }
0xbd: {  	v6 =	vmul.f32 v7, v6;
	_ =	sdelay $0x1  }
0xbe: {  	[tilespmem:v5+s19+$0xFFFFFE70 ss:$0x1] =	vst.idx.msk $0xffff, v6  }
0xbf: {  	v6 =	vld.idx.msk [tilespmem:v3+s19+$0xFFFFFE80 ss:$0x1], $0xffff  }
0xc0: {  	v7 =	vld.idx.msk [tilespmem:v4+s19+$0xFFFFFE80 ss:$0x1], $0xffff;
	_ =	sdelay $0x4  }
0xc1: {  	v6 =	vmul.f32 v7, v6;
	_ =	sdelay $0x1  }
0xc2: {  	[tilespmem:v5+s19+$0xFFFFFE80 ss:$0x1] =	vst.idx.msk $0xffff, v6  }
0xc3: {  	v6 =	vld.idx.msk [tilespmem:v3+s19+$0xFFFFFE90 ss:$0x1], $0xffff  }
0xc4: {  	v7 =	vld.idx.msk [tilespmem:v4+s19+$0xFFFFFE90 ss:$0x1], $0xffff;
	_ =	sdelay $0x4  }
0xc5: {  	v6 =	vmul.f32 v7, v6;
	_ =	sdelay $0x1  }
0xc6: {  	[tilespmem:v5+s19+$0xFFFFFE90 ss:$0x1] =	vst.idx.msk $0xffff, v6  }
0xc7: {  	v6 =	vld.idx.msk [tilespmem:v3+s19+$0xFFFFFEA0 ss:$0x1], $0xffff  }
0xc8: {  	v7 =	vld.idx.msk [tilespmem:v4+s19+$0xFFFFFEA0 ss:$0x1], $0xffff;
	_ =	sdelay $0x4  }
0xc9: {  	v6 =	vmul.f32 v7, v6;
	_ =	sdelay $0x1  }
0xca: {  	[tilespmem:v5+s19+$0xFFFFFEA0 ss:$0x1] =	vst.idx.msk $0xffff, v6  }
0xcb: {  	v6 =	vld.idx.msk [tilespmem:v3+s19+$0xFFFFFEB0 ss:$0x1], $0xffff  }
0xcc: {  	v7 =	vld.idx.msk [tilespmem:v4+s19+$0xFFFFFEB0 ss:$0x1], $0xffff;
	_ =	sdelay $0x4  }
0xcd: {  	v6 =	vmul.f32 v7, v6;
	_ =	sdelay $0x1  }
0xce: {  	[tilespmem:v5+s19+$0xFFFFFEB0 ss:$0x1] =	vst.idx.msk $0xffff, v6  }
0xcf: {  	v6 =	vld.idx.msk [tilespmem:v3+s19+$0xFFFFFEC0 ss:$0x1], $0xffff  }
0xd0: {  	v7 =	vld.idx.msk [tilespmem:v4+s19+$0xFFFFFEC0 ss:$0x1], $0xffff;
	_ =	sdelay $0x4  }
0xd1: {  	v6 =	vmul.f32 v7, v6;
	_ =	sdelay $0x1  }
0xd2: {  	[tilespmem:v5+s19+$0xFFFFFEC0 ss:$0x1] =	vst.idx.msk $0xffff, v6  }
0xd3: {  	v6 =	vld.idx.msk [tilespmem:v3+s19+$0xFFFFFED0 ss:$0x1], $0xffff  }
0xd4: {  	v7 =	vld.idx.msk [tilespmem:v4+s19+$0xFFFFFED0 ss:$0x1], $0xffff;
	_ =	sdelay $0x4  }
0xd5: {  	v6 =	vmul.f32 v7, v6;
	_ =	sdelay $0x1  }
0xd6: {  	[tilespmem:v5+s19+$0xFFFFFED0 ss:$0x1] =	vst.idx.msk $0xffff, v6  }
0xd7: {  	v6 =	vld.idx.msk [tilespmem:v3+s19+$0xFFFFFEE0 ss:$0x1], $0xffff  }
0xd8: {  	v7 =	vld.idx.msk [tilespmem:v4+s19+$0xFFFFFEE0 ss:$0x1], $0xffff;
	_ =	sdelay $0x4  }
0xd9: {  	v6 =	vmul.f32 v7, v6;
	_ =	sdelay $0x1  }
0xda: {  	[tilespmem:v5+s19+$0xFFFFFEE0 ss:$0x1] =	vst.idx.msk $0xffff, v6  }
0xdb: {  	v6 =	vld.idx.msk [tilespmem:v3+s19+$0xFFFFFEF0 ss:$0x1], $0xffff  }
0xdc: {  	v7 =	vld.idx.msk [tilespmem:v4+s19+$0xFFFFFEF0 ss:$0x1], $0xffff;
	_ =	sdelay $0x4  }
0xdd: {  	v6 =	vmul.f32 v7, v6;
	_ =	sdelay $0x1  }
0xde: {  	[tilespmem:v5+s19+$0xFFFFFEF0 ss:$0x1] =	vst.idx.msk $0xffff, v6  }
0xdf: {  	v6 =	vld.idx.msk [tilespmem:v3+s19+$0xFFFFFF00 ss:$0x1], $0xffff  }
0xe0: {  	v7 =	vld.idx.msk [tilespmem:v4+s19+$0xFFFFFF00 ss:$0x1], $0xffff;
	_ =	sdelay $0x4  }
0xe1: {  	v6 =	vmul.f32 v7, v6;
	_ =	sdelay $0x1  }
0xe2: {  	[tilespmem:v5+s19+$0xFFFFFF00 ss:$0x1] =	vst.idx.msk $0xffff, v6  }
0xe3: {  	v6 =	vld.idx.msk [tilespmem:v3+s19+$0xFFFFFF10 ss:$0x1], $0xffff  }
0xe4: {  	v7 =	vld.idx.msk [tilespmem:v4+s19+$0xFFFFFF10 ss:$0x1], $0xffff;
	_ =	sdelay $0x4  }
0xe5: {  	v6 =	vmul.f32 v7, v6;
	_ =	sdelay $0x1  }
0xe6: {  	[tilespmem:v5+s19+$0xFFFFFF10 ss:$0x1] =	vst.idx.msk $0xffff, v6  }
0xe7: {  	v6 =	vld.idx.msk [tilespmem:v3+s19+$0xFFFFFF20 ss:$0x1], $0xffff  }
0xe8: {  	v7 =	vld.idx.msk [tilespmem:v4+s19+$0xFFFFFF20 ss:$0x1], $0xffff;
	_ =	sdelay $0x4  }
0xe9: {  	v6 =	vmul.f32 v7, v6;
	_ =	sdelay $0x1  }
0xea: {  	[tilespmem:v5+s19+$0xFFFFFF20 ss:$0x1] =	vst.idx.msk $0xffff, v6  }
0xeb: {  	v6 =	vld.idx.msk [tilespmem:v3+s19+$0xFFFFFF30 ss:$0x1], $0xffff  }
0xec: {  	v7 =	vld.idx.msk [tilespmem:v4+s19+$0xFFFFFF30 ss:$0x1], $0xffff;
	_ =	sdelay $0x4  }
0xed: {  	v6 =	vmul.f32 v7, v6;
	_ =	sdelay $0x1  }
0xee: {  	[tilespmem:v5+s19+$0xFFFFFF30 ss:$0x1] =	vst.idx.msk $0xffff, v6  }
0xef: {  	v6 =	vld.idx.msk [tilespmem:v3+s19+$0xFFFFFF40 ss:$0x1], $0xffff  }
0xf0: {  	v7 =	vld.idx.msk [tilespmem:v4+s19+$0xFFFFFF40 ss:$0x1], $0xffff;
	_ =	sdelay $0x4  }
0xf1: {  	v6 =	vmul.f32 v7, v6;
	_ =	sdelay $0x1  }
0xf2: {  	[tilespmem:v5+s19+$0xFFFFFF40 ss:$0x1] =	vst.idx.msk $0xffff, v6  }
0xf3: {  	v6 =	vld.idx.msk [tilespmem:v3+s19+$0xFFFFFF50 ss:$0x1], $0xffff  }
0xf4: {  	v7 =	vld.idx.msk [tilespmem:v4+s19+$0xFFFFFF50 ss:$0x1], $0xffff;
	_ =	sdelay $0x4  }
0xf5: {  	v6 =	vmul.f32 v7, v6;
	_ =	sdelay $0x1  }
0xf6: {  	[tilespmem:v5+s19+$0xFFFFFF50 ss:$0x1] =	vst.idx.msk $0xffff, v6  }
0xf7: {  	v6 =	vld.idx.msk [tilespmem:v3+s19+$0xFFFFFF60 ss:$0x1], $0xffff  }
0xf8: {  	v7 =	vld.idx.msk [tilespmem:v4+s19+$0xFFFFFF60 ss:$0x1], $0xffff;
	_ =	sdelay $0x4  }
0xf9: {  	v6 =	vmul.f32 v7, v6;
	_ =	sdelay $0x1  }
0xfa: {  	[tilespmem:v5+s19+$0xFFFFFF60 ss:$0x1] =	vst.idx.msk $0xffff, v6  }
0xfb: {  	v6 =	vld.idx.msk [tilespmem:v3+s19+$0xFFFFFF70 ss:$0x1], $0xffff  }
0xfc: {  	v7 =	vld.idx.msk [tilespmem:v4+s19+$0xFFFFFF70 ss:$0x1], $0xffff;
	_ =	sdelay $0x4  }
0xfd: {  	v6 =	vmul.f32 v7, v6;
	_ =	sdelay $0x1  }
0xfe: {  	[tilespmem:v5+s19+$0xFFFFFF70 ss:$0x1] =	vst.idx.msk $0xffff, v6  }
0xff: {  	v6 =	vld.idx.msk [tilespmem:v3+s19+$0xFFFFFF80 ss:$0x1], $0xffff  }
0x100: {  	v7 =	vld.idx.msk [tilespmem:v4+s19+$0xFFFFFF80 ss:$0x1], $0xffff;
	_ =	sdelay $0x4  }
0x101: {  	v6 =	vmul.f32 v7, v6;
	_ =	sdelay $0x1  }
0x102: {  	[tilespmem:v5+s19+$0xFFFFFF80 ss:$0x1] =	vst.idx.msk $0xffff, v6  }
0x103: {  	v6 =	vld.idx.msk [tilespmem:v3+s19+$0xFFFFFF90 ss:$0x1], $0xffff  }
0x104: {  	v7 =	vld.idx.msk [tilespmem:v4+s19+$0xFFFFFF90 ss:$0x1], $0xffff;
	_ =	sdelay $0x4  }
0x105: {  	v6 =	vmul.f32 v7, v6;
	_ =	sdelay $0x1  }
0x106: {  	[tilespmem:v5+s19+$0xFFFFFF90 ss:$0x1] =	vst.idx.msk $0xffff, v6  }
0x107: {  	v6 =	vld.idx.msk [tilespmem:v3+s19+$0xFFFFFFA0 ss:$0x1], $0xffff  }
0x108: {  	v7 =	vld.idx.msk [tilespmem:v4+s19+$0xFFFFFFA0 ss:$0x1], $0xffff;
	_ =	sdelay $0x4  }
0x109: {  	v6 =	vmul.f32 v7, v6;
	_ =	sdelay $0x1  }
0x10a: {  	[tilespmem:v5+s19+$0xFFFFFFA0 ss:$0x1] =	vst.idx.msk $0xffff, v6  }
0x10b: {  	v6 =	vld.idx.msk [tilespmem:v3+s19+$0xFFFFFFB0 ss:$0x1], $0xffff  }
0x10c: {  	v7 =	vld.idx.msk [tilespmem:v4+s19+$0xFFFFFFB0 ss:$0x1], $0xffff;
	_ =	sdelay $0x4  }
0x10d: {  	v6 =	vmul.f32 v7, v6;
	_ =	sdelay $0x1  }
0x10e: {  	[tilespmem:v5+s19+$0xFFFFFFB0 ss:$0x1] =	vst.idx.msk $0xffff, v6  }
0x10f: {  	v6 =	vld.idx.msk [tilespmem:v3+s19+$0xFFFFFFC0 ss:$0x1], $0xffff  }
0x110: {  	v7 =	vld.idx.msk [tilespmem:v4+s19+$0xFFFFFFC0 ss:$0x1], $0xffff;
	_ =	sdelay $0x4  }
0x111: {  	v6 =	vmul.f32 v7, v6;
	_ =	sdelay $0x1  }
0x112: {  	[tilespmem:v5+s19+$0xFFFFFFC0 ss:$0x1] =	vst.idx.msk $0xffff, v6  }
0x113: {  	v6 =	vld.idx.msk [tilespmem:v3+s19+$0xFFFFFFD0 ss:$0x1], $0xffff  }
0x114: {  	v7 =	vld.idx.msk [tilespmem:v4+s19+$0xFFFFFFD0 ss:$0x1], $0xffff;
	_ =	sdelay $0x4  }
0x115: {  	v6 =	vmul.f32 v7, v6;
	_ =	sdelay $0x1  }
0x116: {  	[tilespmem:v5+s19+$0xFFFFFFD0 ss:$0x1] =	vst.idx.msk $0xffff, v6  }
0x117: {  	v6 =	vld.idx.msk [tilespmem:v3+s19+$0xFFFFFFE0 ss:$0x1], $0xffff  }
0x118: {  	v7 =	vld.idx.msk [tilespmem:v4+s19+$0xFFFFFFE0 ss:$0x1], $0xffff;
	_ =	sdelay $0x4  }
0x119: {  	v6 =	vmul.f32 v7, v6;
	_ =	sdelay $0x1  }
0x11a: {  	[tilespmem:v5+s19+$0xFFFFFFE0 ss:$0x1] =	vst.idx.msk $0xffff, v6  }
0x11b: {  	v6 =	vld.idx.msk [tilespmem:v3+s19+$0xFFFFFFF0 ss:$0x1], $0xffff  }
0x11c: {  	v7 =	vld.idx.msk [tilespmem:v4+s19+$0xFFFFFFF0 ss:$0x1], $0xffff;
	_ =	sdelay $0x4  }
0x11d: {  	v6 =	vmul.f32 v7, v6;
	_ =	sdelay $0x1  }
0x11e: {  	[tilespmem:v5+s19+$0xFFFFFFF0 ss:$0x1] =	vst.idx.msk $0xffff, v6  }
0x11f: {  	v6 =	vld.idx.msk [tilespmem:v3+s19+$0x0 ss:$0x1], $0xffff  }
0x120: {  	v7 =	vld.idx.msk [tilespmem:v4+s19+$0x0 ss:$0x1], $0xffff;
	_ =	sdelay $0x4  }
0x121: {  	v6 =	vmul.f32 v7, v6;
	_ =	sdelay $0x1  }
0x122: {  	[tilespmem:v5+s19+$0x0 ss:$0x1] =	vst.idx.msk $0xffff, v6  }
0x123: {  	v6 =	vld.idx.msk [tilespmem:v3+s19+$0x10 ss:$0x1], $0xffff  }
0x124: {  	v7 =	vld.idx.msk [tilespmem:v4+s19+$0x10 ss:$0x1], $0xffff;
	_ =	sdelay $0x4  }
0x125: {  	v6 =	vmul.f32 v7, v6;
	_ =	sdelay $0x1  }
0x126: {  	[tilespmem:v5+s19+$0x10 ss:$0x1] =	vst.idx.msk $0xffff, v6  }
0x127: {  	v6 =	vld.idx.msk [tilespmem:v3+s19+$0x20 ss:$0x1], $0xffff  }
0x128: {  	v7 =	vld.idx.msk [tilespmem:v4+s19+$0x20 ss:$0x1], $0xffff;
	_ =	sdelay $0x4  }
0x129: {  	v6 =	vmul.f32 v7, v6;
	_ =	sdelay $0x1  }
0x12a: {  	[tilespmem:v5+s19+$0x20 ss:$0x1] =	vst.idx.msk $0xffff, v6  }
0x12b: {  	v6 =	vld.idx.msk [tilespmem:v3+s19+$0x30 ss:$0x1], $0xffff  }
0x12c: {  	v7 =	vld.idx.msk [tilespmem:v4+s19+$0x30 ss:$0x1], $0xffff;
	_ =	sdelay $0x4  }
0x12d: {  	v6 =	vmul.f32 v7, v6;
	_ =	sdelay $0x1  }
0x12e: {  	[tilespmem:v5+s19+$0x30 ss:$0x1] =	vst.idx.msk $0xffff, v6  }
0x12f: {  	v6 =	vld.idx.msk [tilespmem:v3+s19+$0x40 ss:$0x1], $0xffff  }
0x130: {  	v7 =	vld.idx.msk [tilespmem:v4+s19+$0x40 ss:$0x1], $0xffff;
	_ =	sdelay $0x4  }
0x131: {  	v6 =	vmul.f32 v7, v6;
	_ =	sdelay $0x1  }
0x132: {  	[tilespmem:v5+s19+$0x40 ss:$0x1] =	vst.idx.msk $0xffff, v6  }
0x133: {  	v6 =	vld.idx.msk [tilespmem:v3+s19+$0x50 ss:$0x1], $0xffff  }
0x134: {  	v7 =	vld.idx.msk [tilespmem:v4+s19+$0x50 ss:$0x1], $0xffff;
	_ =	sdelay $0x4  }
0x135: {  	v6 =	vmul.f32 v7, v6;
	_ =	sdelay $0x1  }
0x136: {  	[tilespmem:v5+s19+$0x50 ss:$0x1] =	vst.idx.msk $0xffff, v6  }
0x137: {  	v6 =	vld.idx.msk [tilespmem:v3+s19+$0x60 ss:$0x1], $0xffff  }
0x138: {  	v7 =	vld.idx.msk [tilespmem:v4+s19+$0x60 ss:$0x1], $0xffff;
	_ =	sdelay $0x4  }
0x139: {  	v6 =	vmul.f32 v7, v6;
	_ =	sdelay $0x1  }
0x13a: {  	[tilespmem:v5+s19+$0x60 ss:$0x1] =	vst.idx.msk $0xffff, v6  }
0x13b: {  	v6 =	vld.idx.msk [tilespmem:v3+s19+$0x70 ss:$0x1], $0xffff  }
0x13c: {  	v7 =	vld.idx.msk [tilespmem:v4+s19+$0x70 ss:$0x1], $0xffff;
	_ =	sdelay $0x4  }
0x13d: {  	v6 =	vmul.f32 v7, v6;
	_ =	sdelay $0x1  }
0x13e: {  	[tilespmem:v5+s19+$0x70 ss:$0x1] =	vst.idx.msk $0xffff, v6  }
0x13f: {  	v6 =	vld.idx.msk [tilespmem:v3+s19+$0x80 ss:$0x1], $0xffff  }
0x140: {  	v7 =	vld.idx.msk [tilespmem:v4+s19+$0x80 ss:$0x1], $0xffff;
	_ =	sdelay $0x4  }
0x141: {  	v6 =	vmul.f32 v7, v6;
	_ =	sdelay $0x1  }
0x142: {  	[tilespmem:v5+s19+$0x80 ss:$0x1] =	vst.idx.msk $0xffff, v6  }
0x143: {  	v6 =	vld.idx.msk [tilespmem:v3+s19+$0x90 ss:$0x1], $0xffff  }
0x144: {  	v7 =	vld.idx.msk [tilespmem:v4+s19+$0x90 ss:$0x1], $0xffff;
	_ =	sdelay $0x4  }
0x145: {  	v6 =	vmul.f32 v7, v6;
	_ =	sdelay $0x1  }
0x146: {  	[tilespmem:v5+s19+$0x90 ss:$0x1] =	vst.idx.msk $0xffff, v6  }
0x147: {  	v6 =	vld.idx.msk [tilespmem:v3+s19+$0xA0 ss:$0x1], $0xffff  }
0x148: {  	v7 =	vld.idx.msk [tilespmem:v4+s19+$0xA0 ss:$0x1], $0xffff;
	_ =	sdelay $0x4  }
0x149: {  	v6 =	vmul.f32 v7, v6;
	_ =	sdelay $0x1  }
0x14a: {  	[tilespmem:v5+s19+$0xA0 ss:$0x1] =	vst.idx.msk $0xffff, v6  }
0x14b: {  	v6 =	vld.idx.msk [tilespmem:v3+s19+$0xB0 ss:$0x1], $0xffff  }
0x14c: {  	v7 =	vld.idx.msk [tilespmem:v4+s19+$0xB0 ss:$0x1], $0xffff;
	_ =	sdelay $0x4  }
0x14d: {  	v6 =	vmul.f32 v7, v6;
	_ =	sdelay $0x1  }
0x14e: {  	[tilespmem:v5+s19+$0xB0 ss:$0x1] =	vst.idx.msk $0xffff, v6  }
0x14f: {  	v6 =	vld.idx.msk [tilespmem:v3+s19+$0xC0 ss:$0x1], $0xffff  }
0x150: {  	v7 =	vld.idx.msk [tilespmem:v4+s19+$0xC0 ss:$0x1], $0xffff;
	_ =	sdelay $0x4  }
0x151: {  	v6 =	vmul.f32 v7, v6;
	_ =	sdelay $0x1  }
0x152: {  	[tilespmem:v5+s19+$0xC0 ss:$0x1] =	vst.idx.msk $0xffff, v6  }
0x153: {  	v6 =	vld.idx.msk [tilespmem:v3+s19+$0xD0 ss:$0x1], $0xffff  }
0x154: {  	v7 =	vld.idx.msk [tilespmem:v4+s19+$0xD0 ss:$0x1], $0xffff;
	_ =	sdelay $0x4  }
0x155: {  	v6 =	vmul.f32 v7, v6;
	_ =	sdelay $0x1  }
0x156: {  	[tilespmem:v5+s19+$0xD0 ss:$0x1] =	vst.idx.msk $0xffff, v6  }
0x157: {  	v6 =	vld.idx.msk [tilespmem:v3+s19+$0xE0 ss:$0x1], $0xffff  }
0x158: {  	v7 =	vld.idx.msk [tilespmem:v4+s19+$0xE0 ss:$0x1], $0xffff;
	_ =	sdelay $0x4  }
0x159: {  	v6 =	vmul.f32 v7, v6;
	_ =	sdelay $0x1  }
0x15a: {  	[tilespmem:v5+s19+$0xE0 ss:$0x1] =	vst.idx.msk $0xffff, v6  }
0x15b: {  	v6 =	vld.idx.msk [tilespmem:v3+s19+$0xF0 ss:$0x1], $0xffff  }
0x15c: {  	v7 =	vld.idx.msk [tilespmem:v4+s19+$0xF0 ss:$0x1], $0xffff;
	_ =	sdelay $0x4  }
0x15d: {  	v6 =	vmul.f32 v7, v6;
	_ =	sdelay $0x1  }
0x15e: {  	[tilespmem:v5+s19+$0xF0 ss:$0x1] =	vst.idx.msk $0xffff, v6  }
0x15f: {  	v6 =	vld.idx.msk [tilespmem:v3+s19+$0x100 ss:$0x1], $0xffff  }
0x160: {  	v7 =	vld.idx.msk [tilespmem:v4+s19+$0x100 ss:$0x1], $0xffff;
	_ =	sdelay $0x4  }
0x161: {  	v6 =	vmul.f32 v7, v6;
	_ =	sdelay $0x1  }
0x162: {  	[tilespmem:v5+s19+$0x100 ss:$0x1] =	vst.idx.msk $0xffff, v6  }
0x163: {  	v6 =	vld.idx.msk [tilespmem:v3+s19+$0x110 ss:$0x1], $0xffff  }
0x164: {  	v7 =	vld.idx.msk [tilespmem:v4+s19+$0x110 ss:$0x1], $0xffff;
	_ =	sdelay $0x4  }
0x165: {  	v6 =	vmul.f32 v7, v6;
	_ =	sdelay $0x1  }
0x166: {  	[tilespmem:v5+s19+$0x110 ss:$0x1] =	vst.idx.msk $0xffff, v6  }
0x167: {  	v6 =	vld.idx.msk [tilespmem:v3+s19+$0x120 ss:$0x1], $0xffff  }
0x168: {  	v7 =	vld.idx.msk [tilespmem:v4+s19+$0x120 ss:$0x1], $0xffff;
	_ =	sdelay $0x4  }
0x169: {  	v6 =	vmul.f32 v7, v6;
	_ =	sdelay $0x1  }
0x16a: {  	[tilespmem:v5+s19+$0x120 ss:$0x1] =	vst.idx.msk $0xffff, v6  }
0x16b: {  	v6 =	vld.idx.msk [tilespmem:v3+s19+$0x130 ss:$0x1], $0xffff  }
0x16c: {  	v7 =	vld.idx.msk [tilespmem:v4+s19+$0x130 ss:$0x1], $0xffff;
	_ =	sdelay $0x4  }
0x16d: {  	v6 =	vmul.f32 v7, v6;
	_ =	sdelay $0x1  }
0x16e: {  	[tilespmem:v5+s19+$0x130 ss:$0x1] =	vst.idx.msk $0xffff, v6  }
0x16f: {  	v6 =	vld.idx.msk [tilespmem:v3+s19+$0x140 ss:$0x1], $0xffff  }
0x170: {  	v7 =	vld.idx.msk [tilespmem:v4+s19+$0x140 ss:$0x1], $0xffff;
	_ =	sdelay $0x4  }
0x171: {  	v6 =	vmul.f32 v7, v6;
	_ =	sdelay $0x1  }
0x172: {  	[tilespmem:v5+s19+$0x140 ss:$0x1] =	vst.idx.msk $0xffff, v6  }
0x173: {  	v6 =	vld.idx.msk [tilespmem:v3+s19+$0x150 ss:$0x1], $0xffff  }
0x174: {  	v7 =	vld.idx.msk [tilespmem:v4+s19+$0x150 ss:$0x1], $0xffff;
	_ =	sdelay $0x4  }
0x175: {  	v6 =	vmul.f32 v7, v6;
	_ =	sdelay $0x1  }
0x176: {  	[tilespmem:v5+s19+$0x150 ss:$0x1] =	vst.idx.msk $0xffff, v6  }
0x177: {  	v6 =	vld.idx.msk [tilespmem:v3+s19+$0x160 ss:$0x1], $0xffff  }
0x178: {  	v7 =	vld.idx.msk [tilespmem:v4+s19+$0x160 ss:$0x1], $0xffff;
	_ =	sdelay $0x4  }
0x179: {  	v6 =	vmul.f32 v7, v6;
	_ =	sdelay $0x1  }
0x17a: {  	[tilespmem:v5+s19+$0x160 ss:$0x1] =	vst.idx.msk $0xffff, v6  }
0x17b: {  	v6 =	vld.idx.msk [tilespmem:v3+s19+$0x170 ss:$0x1], $0xffff  }
0x17c: {  	v7 =	vld.idx.msk [tilespmem:v4+s19+$0x170 ss:$0x1], $0xffff;
	_ =	sdelay $0x4  }
0x17d: {  	v6 =	vmul.f32 v7, v6;
	_ =	sdelay $0x1  }
0x17e: {  	[tilespmem:v5+s19+$0x170 ss:$0x1] =	vst.idx.msk $0xffff, v6  }
0x17f: {  	v6 =	vld.idx.msk [tilespmem:v3+s19+$0x180 ss:$0x1], $0xffff  }
0x180: {  	v7 =	vld.idx.msk [tilespmem:v4+s19+$0x180 ss:$0x1], $0xffff;
	_ =	sdelay $0x4  }
0x181: {  	v6 =	vmul.f32 v7, v6;
	_ =	sdelay $0x1  }
0x182: {  	[tilespmem:v5+s19+$0x180 ss:$0x1] =	vst.idx.msk $0xffff, v6  }
0x183: {  	v6 =	vld.idx.msk [tilespmem:v3+s19+$0x190 ss:$0x1], $0xffff  }
0x184: {  	v7 =	vld.idx.msk [tilespmem:v4+s19+$0x190 ss:$0x1], $0xffff;
	_ =	sdelay $0x4  }
0x185: {  	v6 =	vmul.f32 v7, v6;
	_ =	sdelay $0x1  }
0x186: {  	[tilespmem:v5+s19+$0x190 ss:$0x1] =	vst.idx.msk $0xffff, v6  }
0x187: {  	v6 =	vld.idx.msk [tilespmem:v3+s19+$0x1A0 ss:$0x1], $0xffff  }
0x188: {  	v7 =	vld.idx.msk [tilespmem:v4+s19+$0x1A0 ss:$0x1], $0xffff;
	_ =	sdelay $0x4  }
0x189: {  	v6 =	vmul.f32 v7, v6;
	_ =	sdelay $0x1  }
0x18a: {  	[tilespmem:v5+s19+$0x1A0 ss:$0x1] =	vst.idx.msk $0xffff, v6  }
0x18b: {  	v6 =	vld.idx.msk [tilespmem:v3+s19+$0x1B0 ss:$0x1], $0xffff  }
0x18c: {  	v7 =	vld.idx.msk [tilespmem:v4+s19+$0x1B0 ss:$0x1], $0xffff;
	_ =	sdelay $0x4  }
0x18d: {  	v6 =	vmul.f32 v7, v6;
	_ =	sdelay $0x1  }
0x18e: {  	[tilespmem:v5+s19+$0x1B0 ss:$0x1] =	vst.idx.msk $0xffff, v6  }
0x18f: {  	v6 =	vld.idx.msk [tilespmem:v3+s19+$0x1C0 ss:$0x1], $0xffff  }
0x190: {  	v7 =	vld.idx.msk [tilespmem:v4+s19+$0x1C0 ss:$0x1], $0xffff;
	_ =	sdelay $0x4  }
0x191: {  	v6 =	vmul.f32 v7, v6;
	_ =	sdelay $0x1  }
0x192: {  	[tilespmem:v5+s19+$0x1C0 ss:$0x1] =	vst.idx.msk $0xffff, v6  }
0x193: {  	v6 =	vld.idx.msk [tilespmem:v3+s19+$0x1D0 ss:$0x1], $0xffff  }
0x194: {  	v7 =	vld.idx.msk [tilespmem:v4+s19+$0x1D0 ss:$0x1], $0xffff;
	_ =	sdelay $0x4  }
0x195: {  	v6 =	vmul.f32 v7, v6;
	_ =	sdelay $0x1  }
0x196: {  	[tilespmem:v5+s19+$0x1D0 ss:$0x1] =	vst.idx.msk $0xffff, v6  }
0x197: {  	v6 =	vld.idx.msk [tilespmem:v3+s19+$0x1E0 ss:$0x1], $0xffff  }
0x198: {  	v7 =	vld.idx.msk [tilespmem:v4+s19+$0x1E0 ss:$0x1], $0xffff;
	_ =	sdelay $0x4  }
0x199: {  	v6 =	vmul.f32 v7, v6;
	_ =	sdelay $0x1  }
0x19a: {  	[tilespmem:v5+s19+$0x1E0 ss:$0x1] =	vst.idx.msk $0xffff, v6  }
0x19b: {  	v6 =	vld.idx.msk [tilespmem:v3+s19+$0x1F0 ss:$0x1], $0xffff  }
0x19c: {  	v7 =	vld.idx.msk [tilespmem:v4+s19+$0x1F0 ss:$0x1], $0xffff;
	_ =	sdelay $0x1  }
0x19d: {  	p2 =	sne.s32 s18, $0x7000  }
.Ltmp2:
0x19e: {  	_ = 	snop;
	(pc) =	sbr.rel @p2 .LBB2_7-.Ltmp2, $3  }
0x19f: {  	_ = 	snop  }
0x1a0: {  	v6 =	vmul.f32 v7, v6;
	_ =	sdelay $0x1  }
0x1a1: {  	s18 =	sadd.s32 $0x1000, s18;
	[tilespmem:v5+s19+$0x1F0 ss:$0x1] =	vst.idx.msk $0xffff, v6  }
0x1a2: {  	s18 =	sshll.u32 s14, $0x7  }
0x1a3: {  	s18 =	sand.u32 $0x180, s18  }
0x1a4: {  	v3 =	vld [tilespmem:s18+$0x0];
	_ =	sdelay $0x4  }
0x1a5: {  	s19 =	sshll.u32 s17, $0x7;
	v3 =	vshra.s32 v3, $0xE  }
0x1a6: {  	[tilespmem:s19+$0x400] =	vst v3  }
0x1a7: {  	v3 =	vld [tilespmem:s18+$0x10];
	_ =	sdelay $0x4  }
0x1a8: {  	v3 =	vshra.s32 v3, $0xE  }
0x1a9: {  	[tilespmem:s19+$0x410] =	vst v3  }
0x1aa: {  	v3 =	vld [tilespmem:s18+$0x20];
	_ =	sdelay $0x4  }
0x1ab: {  	v3 =	vshra.s32 v3, $0xE  }
0x1ac: {  	[tilespmem:s19+$0x420] =	vst v3  }
0x1ad: {  	v3 =	vld [tilespmem:s18+$0x30];
	_ =	sdelay $0x4  }
0x1ae: {  	v3 =	vshra.s32 v3, $0xE  }
0x1af: {  	[tilespmem:s19+$0x430] =	vst v3  }
0x1b0: {  	v3 =	vld [tilespmem:s18+$0x40];
	_ =	sdelay $0x4  }
0x1b1: {  	v3 =	vshra.s32 v3, $0xE  }
0x1b2: {  	[tilespmem:s19+$0x440] =	vst v3  }
0x1b3: {  	v3 =	vld [tilespmem:s18+$0x50];
	_ =	sdelay $0x4  }
0x1b4: {  	v3 =	vshra.s32 v3, $0xE  }
0x1b5: {  	[tilespmem:s19+$0x450] =	vst v3  }
0x1b6: {  	v3 =	vld [tilespmem:s18+$0x60];
	_ =	sdelay $0x4  }
0x1b7: {  	v3 =	vshra.s32 v3, $0xE  }
0x1b8: {  	[tilespmem:s19+$0x460] =	vst v3  }
0x1b9: {  	v3 =	vld [tilespmem:s18+$0x70];
	_ =	sdelay $0x4  }
0x1ba: {  	s21 =	sshll.u32 s17, $0xD;
	v3 =	vshra.s32 v3, $0xE  }
0x1bb: {  	p2 =	sgt.u32 s14, $0x99;
	s17 =	sor.u32 $0x8500, s21;
	s18 =	sor.u32 $0x400, s19;
	[tilespmem:s19+$0x470] =	vst v3  }
0x1bc: {  	[spmem:s4] =	stream.indirect.scatter.add.f32 [tilespmem:s17], [sflag:$0x4], $0x40, s18, s10, $0xb8;
	[tilespmem:$0x19500] =	vst v63  }
0x1bd: {  	s14 =	sadd.s32 @!p2 $0x3, s14;
	s19 =	simm.s32 @!p0 $0xC500;
	s17 =	simm.s32 @!p0 $0x80  }
0x1be: {  	[spmem:s6] =	stream.indirect.scatter.add.f32 @!p0 [tilespmem:s19], [sflag:$0x5], $0x10, s18, s17, $0xb8;
	[tilespmem:$0x19500] =	vst v63  }
0x1bf: {  	s17 =	sadd.s32 @!p2 s29, s14  }
0x1c0: {  	s14 =	sshll.u32 @!p2 s14, $0x7;
	s17 =	sshll.u32 @!p2 s17, $0x4  }
0x1c1: {  	s18 =	simm.s32 @!p2 $0x0;
	s14 =	sand.u32 @!p2 $0x180, s14;
	s17 =	sadd.s32 @!p2 s2, s17  }
0x1c2: {  	[tilespmem:s14], [sflag:$0x1] =	stream.linear.gather @!p2 [hbm4b:s17+s18], $0x80, $0x38;
	[tilespmem:$0x19500] =	vst v63  }
0x1c3: {  	p2 =	sne.s32 s16, $0x9D  }
.Ltmp3:
0x1c4: {  	_ = 	snop;
	(pc) =	sbr.rel @p2 .LBB2_6-.Ltmp3, $2  }
0x1c5: {  	_ =	sdelay $0x2  }
0x1c6: {  	p1 =	por !p1, !p1;
	s14 =	smov.u32 s16  }
0x1c7: {  	_ =	swait.ge [sflag:s13], $0x2000  }
0x1c8: {  	[sflag:s13] =	ssyncset.done $0x0  }
0x1c9: {  	[sflag:s13] =	ssyncadd.s32 $0xFFFFE000  }
0x1ca: {  	_ =	swait.ge [sflag:s13], $0x2000  }
0x1cb: {  	[sflag:s13] =	ssyncset.done $0x0  }
0x1cc: {  	s14 =	sshll.u32 @p0 s0, $0x6;
	[sflag:s13] =	ssyncadd.s32 $0xFFFFE000  }
0x1cd: {  	s16 =	sshrl.u32 @p0 s9, $0x3;
	s14 =	sor.u32 @p0 $0x1C06, s14;
	[bflag:$0x0] =	sbarrier.arrive @p0 $0xFFFF  }
0x1ce: {  	[hbm:s24], [sflag:s14] =	dma.local @p0 [spmem:s16], $0x1400  }
0x1cf: {  	s14 =	simm.s32 @p0 $0x6  }
0x1d0: {  	_ =	swait.ge @p0 [sflag:s14], $0x1400  }
0x1d1: {  	[sflag:s14] =	ssyncset.done @p0 $0x0  }
0x1d2: {  	[sflag:s14] =	ssyncadd.s32 @p0 $0xFFFFEC00;
	s14 =	simm.s32 @!p0 $0x5  }
0x1d3: {  	_ =	swait.ge @!p0 [sflag:s14], $0x800  }
0x1d4: {  	[sflag:s14] =	ssyncset.done @!p0 $0x0  }
0x1d5: {  	[sflag:s14] =	ssyncadd.s32 @!p0 $0xFFFFF800  }
0x1d6: {  	_ =	swait.ge @!p0 [sflag:s14], $0x800  }
0x1d7: {  	[sflag:s14] =	ssyncset.done @!p0 $0x0  }
0x1d8: {  	[sflag:s14] =	ssyncadd.s32 @!p0 $0xFFFFF800;
	s14 =	sshll.u32 @!p0 s0, $0x6  }
0x1d9: {  	s16 =	sshrl.u32 @!p0 s9, $0x3;
	[bflag:$0x0] =	sbarrier.arrive @!p0 $0xFFFF;
	s14 =	sor.u32 @!p0 $0x1C06, s14  }
0x1da: {  	[hbm:s24], [sflag:s14] =	dma.local @!p0 [spmem:s16], $0x1400  }
0x1db: {  	s16 =	simm.s32 @!p0 $0x6  }
0x1dc: {  	s7 =	sadd.s32 $0x1, s7;
	_ =	swait.ge @!p0 [sflag:s16], $0x1400  }
0x1dd: {  	p1 =	sne.s32 s7, s26;
	[sflag:s16] =	ssyncset.done @!p0 $0x0  }
.Ltmp4:
0x1de: {  	[sflag:s16] =	ssyncadd.s32 @!p0 $0xFFFFEC00;
	(pc) =	sbr.rel @p1 .LBB2_1-.Ltmp4, $4  }
0x1df: {  	[hbm:s25], [sflag:s14] =	dma.local @!p0 [spmem:s28], $0x500  }
0x1e0: {  	_ =	swait.ge @!p0 [sflag:s16], $0x500  }
0x1e1: {  	[sflag:s16] =	ssyncset.done @!p0 $0x0  }
0x1e2: {  	[sflag:s16] =	ssyncadd.s32 @!p0 $0xFFFFFB00  }
0x1e3: {  	_ =	sfence.sel $0x180000  }
0x1e4: {  	[bflag:$0x0] =	sbarrier.arrive $0xFFFF  }
0x1e5: {  	_ =	strace $0x90000047  }
0x1e6: {  	[bflag:$0x2] =	sbarrier.arrive $0xFFFF  }
0x1e7: {  	p0 =	sne.s32 s0, $0x0;
	s0 =	rddreg [dreg:$0x5]  }
0x1e8: {  	s0 =	sadd.s32 @!p0 $0x100000, s0  }
0x1e9: {  	[sflag:s0] =	ssyncadd.tile.s32 @!p0 $0x1;
	_ =	shalt  }
.Lfunc_end2:
_tile_overlayer_lowered:
.L_overlay_start_2:
0x1ea: {  	(tag) =	ssettag $0x2  }
0x1eb: {  	s0 =	rddreg [dreg:$0x0];
	s2 =	stileid.u32  }
0x1ec: {  	s1 =	rddreg [dreg:$0x1];
	p0 =	sne.s32 s2, $0x0  }
0x1ed: {  	s3 =	rddreg [dreg:$0x2];
	[bflag:$0x3] =	sbarrier.arrive $0xFFFF;
	s2 =	simm.s32 @!p0 $0x1C06  }
0x1ee: {  	[timem:s3], [sflag:s2] =	dma.local @!p0 [hbm:s0], s1  }
0x1ef: {  	s0 =	simm.s32 @!p0 $0x6  }
0x1f0: {  	_ =	swait.ge @!p0 [sflag:s0], s1  }
0x1f1: {  	s1 =	ssub.s32 @!p0 $0x0, s1;
	[sflag:s0] =	ssyncset.done @!p0 $0x0  }
0x1f2: {  	[sflag:s0] =	ssyncadd.s32 @!p0 s1  }
0x1f3: {  	[bflag:$0x3] =	sbarrier.arrive $0xFFFF  }
0x1f4: {  	_ =	shalt  }

</sc_bundles>
